<compile_context>
chip_gen: v7x
topology: tpu7x:2x2x1
jax: 0.10.2.dev20260603
libtpu: 0.0.44.dev20260713+nightly
codegen_flags: <defaults>
</compile_context>

<pallas_src>
import functools

import jax
import jax.numpy as jnp
from jax import lax
from jax.experimental import pallas as pl
from jax.experimental.pallas import tpu as pltpu
from jax.experimental.pallas import tpu_sc as plsc

_NC = 2
_NS = 16
_NW = _NC * _NS
_CH = 128


def _ceil_to(a, m):
  return (a + m - 1) // m * m


_NBUF = 2


def _build_attr_pass(E_pad, N_pad, nch):
  epw = E_pad // _NW
  rpt = N_pad // _NS
  ngrp = nch // _NBUF
  assert ngrp * _NBUF == nch

  @functools.partial(
      pl.kernel,
      out_type=jax.ShapeDtypeStruct((_NC, N_pad, 128), jnp.float32),
      mesh=plsc.VectorSubcoreMesh(core_axis_name="c", subcore_axis_name="s", num_cores=_NC, num_subcores=_NS),
      scratch_types=[
          pltpu.VMEM((nch, _CH), jnp.int32),
          pltpu.VMEM((_NBUF * _CH, 128), jnp.float32),
          pltpu.VMEM_SHARED((N_pad, 128), jnp.float32),
      ] + [pltpu.SemaphoreType.DMA] * _NBUF,
  )
  def attr_pass(attr_hbm, didx_hbm, zeros_hbm, out_hbm, didx_v, rows_v, acc_sh,
                *sems):
    c = lax.axis_index("c")
    s = lax.axis_index("s")
    wid = s * _NC + c
    pltpu.sync_copy(didx_hbm.at[pl.ds(wid * nch, nch)], didx_v)
    pltpu.sync_copy(zeros_hbm.at[pl.ds(s * rpt, rpt)],
                    acc_sh.at[pl.ds(s * rpt, rpt)])
    plsc.subcore_barrier()

    def start(chunk, k):
      base = wid * epw + chunk * _CH
      pltpu.async_copy(attr_hbm.at[pl.ds(base, _CH)],
                       rows_v.at[pl.ds(k * _CH, _CH)], sems[k])

    for k in range(_NBUF):
      start(k, k)

    def body(j, carry):
      for k in range(_NBUF):
        chunk = j * _NBUF + k
        pltpu.make_async_copy(attr_hbm.at[pl.ds(0, _CH)],
                              rows_v.at[pl.ds(k * _CH, _CH)], sems[k]).wait()
        pltpu.sync_copy(rows_v.at[pl.ds(k * _CH, _CH)],
                        acc_sh.at[didx_v.at[chunk]], add=True)

        @pl.when(chunk + _NBUF < nch)
        def _():
          start(chunk + _NBUF, k)
      return carry

    lax.fori_loop(0, ngrp, body, 0)
    plsc.subcore_barrier()
    pltpu.sync_copy(acc_sh.at[pl.ds(s * rpt, rpt)],
                    out_hbm.at[c, pl.ds(s * rpt, rpt)])

  return attr_pass


def _build_edge_pass(RN, D, E_pad, N_pad, nch):
  rpt = N_pad // _NS
  nhalf = nch // 2
  ngrp = nhalf // _NBUF
  assert ngrp * _NBUF * 2 == nch
  assert nhalf % 8 == 0

  @functools.partial(
      pl.kernel,
      out_type=jax.ShapeDtypeStruct((_NC, N_pad, D), jnp.float32),
      mesh=plsc.VectorSubcoreMesh(core_axis_name="c", subcore_axis_name="s", num_cores=_NC, num_subcores=_NS),
      scratch_types=[
          pltpu.VMEM((nhalf, _CH), jnp.int32),
          pltpu.VMEM((nhalf, _CH), jnp.int32),
          pltpu.VMEM((_NBUF * _CH, 128), jnp.float32),
          pltpu.VMEM_SHARED((N_pad, 128), jnp.float32),
      ] + [pltpu.SemaphoreType.DMA] * _NBUF,
  )
  def edge_pass(xr_hbm, gidx_hbm, didx_hbm, zeros_hbm, out_hbm,
                gidx_v, didx_v, rows_v, acc_sh, *sems):
    c = lax.axis_index("c")
    s = lax.axis_index("s")
    wid = s * _NC + c
    pltpu.sync_copy(zeros_hbm.at[pl.ds(s * rpt, rpt)],
                    acc_sh.at[pl.ds(s * rpt, rpt)])
    plsc.subcore_barrier()

    def start(lc, k):
      pltpu.async_copy(xr_hbm.at[gidx_v.at[lc]],
                       rows_v.at[pl.ds(k * _CH, _CH)], sems[k])

    def body(j, carry):
      for k in range(_NBUF):
        lc = j * _NBUF + k
        pltpu.make_async_copy(xr_hbm.at[pl.ds(0, _CH)],
                              rows_v.at[pl.ds(k * _CH, _CH)], sems[k]).wait()
        pltpu.sync_copy(rows_v.at[pl.ds(k * _CH, _CH)],
                        acc_sh.at[didx_v.at[lc]], add=True)

        @pl.when(lc + _NBUF < nhalf)
        def _():
          start(lc + _NBUF, k)
      return carry

    for p in range(2):
      base = wid * nch + p * nhalf
      pltpu.sync_copy(gidx_hbm.at[pl.ds(base, nhalf)], gidx_v)
      pltpu.sync_copy(didx_hbm.at[pl.ds(base, nhalf)], didx_v)
      for k in range(_NBUF):
        start(k, k)
      lax.fori_loop(0, ngrp, body, 0)

    plsc.subcore_barrier()
    pltpu.sync_copy(acc_sh.at[pl.ds(s * rpt, rpt)],
                    out_hbm.at[c, pl.ds(s * rpt, rpt)])

  return edge_pass


def _rel0_body(R, h_ref, w_ref, xr_ref):
  h = h_ref[...]
  for r in range(R):
    xr_ref[r] = jnp.dot(h, w_ref[r], preferred_element_type=jnp.float32)


def _post_body(EA, B, p_ref, h_ref, ae_ref, wself_ref, wedge_ref, b_ref,
               w1_ref, b1_ref, w2_ref, b2_ref, hpre_ref, st_ref):
  i = pl.program_id(0)
  ae = ae_ref[0] + ae_ref[1]
  cnt = jnp.maximum(ae[:, EA:EA + 1], 1.0)
  psum = p_ref[0] + p_ref[1]
  agg = (psum + jnp.dot(ae[:, :EA], wedge_ref[...],
                        preferred_element_type=jnp.float32,
                  precision=lax.Precision.HIGHEST)) / cnt
  t = agg + jnp.dot(h_ref[...], wself_ref[...],
                    preferred_element_type=jnp.float32) + b_ref[...]
  u = jnp.maximum(jnp.dot(t, w1_ref[...],
                          preferred_element_type=jnp.float32) + b1_ref[...], 0.0)
  hp = jnp.dot(u, w2_ref[...], preferred_element_type=jnp.float32) + b2_ref[...]
  hpre_ref[...] = hp
  ones8 = jnp.ones((8, B), jnp.float32)
  ssum = jnp.dot(ones8, hp, preferred_element_type=jnp.float32,
                  precision=lax.Precision.HIGHEST)
  ssq = jnp.dot(ones8, hp * hp, preferred_element_type=jnp.float32,
                  precision=lax.Precision.HIGHEST)

  @pl.when(i == 0)
  def _():
    st_ref[0] = ssum
    st_ref[1] = ssq

  @pl.when(i > 0)
  def _():
    st_ref[0] += ssum
    st_ref[1] += ssq


def _relbn_body(R, N, hp_ref, st_ref, g_ref, be_ref, w_ref, h_ref, xr_ref):
  mu = st_ref[0, 0:1, :] * (1.0 / N)
  ex2 = st_ref[1, 0:1, :] * (1.0 / N)
  var = ex2 - mu * mu
  rstd = lax.rsqrt(var + 1e-5)
  hb = (hp_ref[...] - mu) * (rstd * g_ref[...]) + be_ref[...]
  hb = jnp.maximum(hb, 0.0)
  h_ref[...] = hb
  for r in range(R):
    xr_ref[r] = jnp.dot(hb, w_ref[r], preferred_element_type=jnp.float32)


def _bnfin_body(N, hp_ref, st_ref, g_ref, be_ref, out_ref):
  mu = st_ref[0, 0:1, :] * (1.0 / N)
  ex2 = st_ref[1, 0:1, :] * (1.0 / N)
  var = ex2 - mu * mu
  rstd = lax.rsqrt(var + 1e-5)
  out_ref[...] = (hp_ref[...] - mu) * (rstd * g_ref[...]) + be_ref[...]


def kernel(x, edge_index, edge_attr, edge_type, Wrel, Wself, Wedge, b,
           W1, b1, W2, b2, gamma, beta):
  N, D = x.shape
  E = edge_index.shape[1]
  EA = edge_attr.shape[1]
  L, R = Wrel.shape[0], Wrel.shape[1]

  src = edge_index[0]
  dst = edge_index[1]
  gidx = edge_type * N + src

  E_pad = _ceil_to(E, _NW * _CH * 8)
  nch = E_pad // (_NW * _CH)
  N_pad = _ceil_to(N + _NS, _NS * 8)
  npad_e = E_pad - E
  pad_dst = N + (jnp.arange(npad_e, dtype=jnp.int32) % _NS)
  gidx_p = jnp.concatenate([gidx, jnp.zeros((npad_e,), jnp.int32)])
  didx_p = jnp.concatenate([dst, pad_dst])
  attr_bf = edge_attr.astype(jnp.bfloat16).astype(jnp.float32)
  wedge_bf = Wedge.astype(jnp.bfloat16).astype(jnp.float32)
  attr_ext = jnp.zeros((E_pad, 128), jnp.float32)
  attr_ext = attr_ext.at[:E, :EA].set(attr_bf)
  attr_ext = attr_ext.at[:E, EA].set(1.0)

  zeros_d = jnp.zeros((N_pad, D), jnp.float32)

  b2d = b.reshape(L, 1, D)
  b12d = b1.reshape(L, 1, 2 * D)
  b22d = b2.reshape(L, 1, D)
  g2d = gamma.reshape(L, 1, D)
  be2d = beta.reshape(L, 1, D)

  B = 1000
  nb = N // B

  attr_pass = _build_attr_pass(E_pad, N_pad, nch)
  edge_pass = _build_edge_pass(R * N, D, E_pad, N_pad, nch)

  gidx2 = gidx_p.reshape(E_pad // _CH, _CH)
  didx2 = didx_p.reshape(E_pad // _CH, _CH)

  ae_part = attr_pass(attr_ext, didx2, zeros_d)

  rel0 = pl.pallas_call(
      functools.partial(_rel0_body, R),
      grid=(nb,),
      in_specs=[
          pl.BlockSpec((B, D), lambda i: (i, 0)),
          pl.BlockSpec((R, D, D), lambda i: (0, 0, 0)),
      ],
      out_specs=pl.BlockSpec((R, B, D), lambda i: (0, i, 0)),
      out_shape=jax.ShapeDtypeStruct((R, N, D), jnp.float32),
  )

  post = pl.pallas_call(
      functools.partial(_post_body, EA, B),
      grid=(nb,),
      in_specs=[
          pl.BlockSpec((_NC, B, D), lambda i: (0, i, 0)),
          pl.BlockSpec((B, D), lambda i: (i, 0)),
          pl.BlockSpec((_NC, B, 128), lambda i: (0, i, 0)),
          pl.BlockSpec((D, D), lambda i: (0, 0)),
          pl.BlockSpec((EA, D), lambda i: (0, 0)),
          pl.BlockSpec((1, D), lambda i: (0, 0)),
          pl.BlockSpec((D, 2 * D), lambda i: (0, 0)),
          pl.BlockSpec((1, 2 * D), lambda i: (0, 0)),
          pl.BlockSpec((2 * D, D), lambda i: (0, 0)),
          pl.BlockSpec((1, D), lambda i: (0, 0)),
      ],
      out_specs=[
          pl.BlockSpec((B, D), lambda i: (i, 0)),
          pl.BlockSpec((2, 8, D), lambda i: (0, 0, 0)),
      ],
      out_shape=[
          jax.ShapeDtypeStruct((N, D), jnp.float32),
          jax.ShapeDtypeStruct((2, 8, D), jnp.float32),
      ],
  )

  relbn = pl.pallas_call(
      functools.partial(_relbn_body, R, N),
      grid=(nb,),
      in_specs=[
          pl.BlockSpec((B, D), lambda i: (i, 0)),
          pl.BlockSpec((2, 8, D), lambda i: (0, 0, 0)),
          pl.BlockSpec((1, D), lambda i: (0, 0)),
          pl.BlockSpec((1, D), lambda i: (0, 0)),
          pl.BlockSpec((R, D, D), lambda i: (0, 0, 0)),
      ],
      out_specs=[
          pl.BlockSpec((B, D), lambda i: (i, 0)),
          pl.BlockSpec((R, B, D), lambda i: (0, i, 0)),
      ],
      out_shape=[
          jax.ShapeDtypeStruct((N, D), jnp.float32),
          jax.ShapeDtypeStruct((R, N, D), jnp.float32),
      ],
  )

  bnfin = pl.pallas_call(
      functools.partial(_bnfin_body, N),
      grid=(nb,),
      in_specs=[
          pl.BlockSpec((B, D), lambda i: (i, 0)),
          pl.BlockSpec((2, 8, D), lambda i: (0, 0, 0)),
          pl.BlockSpec((1, D), lambda i: (0, 0)),
          pl.BlockSpec((1, D), lambda i: (0, 0)),
      ],
      out_specs=pl.BlockSpec((B, D), lambda i: (i, 0)),
      out_shape=jax.ShapeDtypeStruct((N, D), jnp.float32),
  )

  h = x
  xr = rel0(x, Wrel[0])
  for l in range(L):
    P = edge_pass(xr.reshape(R * N, D), gidx2, didx2, zeros_d)
    h_pre, stats = post(P, h, ae_part, Wself[l], wedge_bf[l], b2d[l],
                        W1[l], b12d[l], W2[l], b22d[l])
    if l < L - 1:
      h, xr = relbn(h_pre, stats, g2d[l], be2d[l], Wrel[l + 1])
    else:
      return bnfin(h_pre, stats, g2d[l], be2d[l])

# --- scband reference (transcript-rebuilt; emitter-appended) ---
"""Pipeline reference for scband-edge-type-multi-layer-message-passing-8486855377373 (READ-ONLY COPY).

The authoritative reference and input builder live on the scoring server;
editing this copy changes nothing except your own understanding.
"""

import jax, jax.numpy as jnp
import numpy as np

N = 10000
E = 320000
D = 128
EA = 16
R = 4
L = 3


def setup_inputs(seed: int = 0) -> dict:
    key = jax.random.key(seed)
    ks = jax.random.split(key, 16)
    x = jax.random.normal(ks[0], (N, D), dtype=jnp.float32)
    edge_index = jax.random.randint(ks[1], (2, E), 0, N, dtype=jnp.int32)
    edge_attr = jax.random.normal(ks[2], (E, EA), dtype=jnp.float32)
    edge_type = jax.random.randint(ks[3], (E,), 0, R, dtype=jnp.int32)
    s = 0.05
    Wrel = jax.random.normal(ks[4], (L, R, D, D), dtype=jnp.float32) * s
    Wself = jax.random.normal(ks[5], (L, D, D), dtype=jnp.float32) * s
    Wedge = jax.random.normal(ks[6], (L, EA, D), dtype=jnp.float32) * s
    b = jnp.zeros((L, D), dtype=jnp.float32)
    W1 = jax.random.normal(ks[7], (L, D, 2 * D), dtype=jnp.float32) * s
    b1 = jnp.zeros((L, 2 * D), dtype=jnp.float32)
    W2 = jax.random.normal(ks[8], (L, 2 * D, D), dtype=jnp.float32) * s
    b2 = jnp.zeros((L, D), dtype=jnp.float32)
    gamma = jnp.ones((L, D), dtype=jnp.float32)
    beta = jnp.zeros((L, D), dtype=jnp.float32)
    return {"x": x, "edge_index": edge_index, "edge_attr": edge_attr,
            "edge_type": edge_type, "Wrel": Wrel, "Wself": Wself,
            "Wedge": Wedge, "b": b, "W1": W1, "b1": b1, "W2": W2,
            "b2": b2, "gamma": gamma, "beta": beta}


def reference(x, edge_index, edge_attr, edge_type, Wrel, Wself, Wedge, b,
              W1, b1, W2, b2, gamma, beta):
    src = edge_index[0]
    dst = edge_index[1]
    h = x
    for l in range(L):
        # relation-typed GNN layer (RGCN-style GeneralGNN with edge attrs)
        xr = jnp.einsum('nd,rde->rne', h, Wrel[l])        # [R, N, D]
        msg = xr[edge_type, src] + edge_attr @ Wedge[l]    # [E, D] gather
        agg = jax.ops.segment_sum(msg, dst, num_segments=N)
        cnt = jax.ops.segment_sum(jnp.ones((E,), jnp.float32), dst,
                                  num_segments=N)
        agg = agg / jnp.maximum(cnt, 1.0)[:, None]         # aggr='mean'
        h = agg + h @ Wself[l] + b[l]
        # per-layer MLP: Linear(D,2D) -> ReLU -> Linear(2D,D)
        h = jnp.maximum(h @ W1[l] + b1[l], 0.0) @ W2[l] + b2[l]
        # BatchNorm1d (training-mode batch statistics)
        mu = jnp.mean(h, axis=0)
        var = jnp.var(h, axis=0)
        h = (h - mu) / jnp.sqrt(var + 1e-5) * gamma[l] + beta[l]
        if l != L - 1:
            h = jnp.maximum(h, 0.0)
        # dropout p=0 -> identity
    # JK == 'last'
    return h

if __name__ == "__main__":
    import jax
    _d = setup_inputs()
    print(jax.jit(kernel)(*tuple(_d.values())))

</pallas_src>

<mosaic_0001>
#map = affine_map<(d0, d1) -> (0, 0)>
#map1 = affine_map<(d0, d1) -> (0, 0, 0)>
module attributes {stable_mosaic.version = 14 : i64} {
  func.func @attr_pass(%arg0: i32, %arg1: i32, %arg2: memref<327680x128xf32, #tpu.memory_space<hbm>>, %arg3: memref<2560x128xi32, #tpu.memory_space<hbm>>, %arg4: memref<10112x128xf32, #tpu.memory_space<hbm>>, %arg5: memref<2x10112x128xf32, #tpu.memory_space<hbm>>, %arg6: memref<80x128xi32, #tpu.memory_space<vmem>>, %arg7: memref<256x128xf32, #tpu.memory_space<vmem>>, %arg8: memref<10112x128xf32, #tpu.memory_space<vmem_shared>>, %arg9: memref<!tpu.dma_semaphore, #tpu.memory_space<semaphore_mem>>, %arg10: memref<!tpu.dma_semaphore, #tpu.memory_space<semaphore_mem>>) attributes {dimension_semantics = [#tpu.dimension_semantics<core_parallel>, #tpu.dimension_semantics<subcore_parallel>], iteration_bounds = array<i64: 2, 16>, scalar_prefetch = 0 : i64, scratch_operands = 5 : i64, tpu.core_type = #tpu.core_type<sc_vector_subcore>, window_params = [{transform_indices = #map}, {transform_indices = #map}, {transform_indices = #map}, {transform_indices = #map1}]} {
    %mul3A = arith.constant 2 : i32
    %mul3A_0 = arith.muli %arg1, %mul3A : i32
    %add3A = arith.addi %mul3A_0, %arg0 : i32
    %mul3A_1 = arith.constant 80 : i32
    %mul3A_2 = arith.muli %add3A, %mul3A_1 : i32
    "tpu.region"() ({
      %run_scoped3A = tpu.sem_alloc : memref<!tpu.dma_semaphore, #tpu.memory_space<semaphore_mem>>
      %dma_start3A_44 = arith.constant 0 : i32
      %dma_start3A_45 = tpu.memref_slice %arg3[%mul3A_2, %dma_start3A_44] : memref<2560x128xi32, #tpu.memory_space<hbm>> -> memref<80x128xi32, #tpu.memory_space<hbm>>
      %dma_start3A_46 = arith.constant 0 : i32
      %dma_start3A_47 = tpu.memref_slice %arg3[%mul3A_2, %dma_start3A_46] : memref<2560x128xi32, #tpu.memory_space<hbm>> -> memref<80x128xi32, #tpu.memory_space<hbm>>
      tpu.enqueue_dma source(%dma_start3A_47 : memref<80x128xi32, #tpu.memory_space<hbm>>) target(%arg6 : memref<80x128xi32, #tpu.memory_space<vmem>>) target_semaphore(%run_scoped3A : memref<!tpu.dma_semaphore, #tpu.memory_space<semaphore_mem>>)
      %dma_wait3A = arith.constant 0 : i32
      %dma_wait3A_48 = tpu.memref_slice %arg3[%mul3A_2, %dma_wait3A] : memref<2560x128xi32, #tpu.memory_space<hbm>> -> memref<80x128xi32, #tpu.memory_space<hbm>>
      %dma_wait3A_49 = arith.constant 0 : i32
      %dma_wait3A_50 = tpu.memref_slice %arg3[%mul3A_2, %dma_wait3A_49] : memref<2560x128xi32, #tpu.memory_space<hbm>> -> memref<80x128xi32, #tpu.memory_space<hbm>>
      tpu.wait_dma2 semaphore(%run_scoped3A : memref<!tpu.dma_semaphore, #tpu.memory_space<semaphore_mem>>) src(%dma_wait3A_50 : memref<80x128xi32, #tpu.memory_space<hbm>>) dst(%arg6 : memref<80x128xi32, #tpu.memory_space<vmem>>)
      tpu.yield
    }) : () -> ()
    %mul3A_3 = arith.constant 632 : i32
    %mul3A_4 = arith.muli %arg1, %mul3A_3 : i32
    %mul3A_5 = arith.constant 632 : i32
    %mul3A_6 = arith.muli %arg1, %mul3A_5 : i32
    "tpu.region"() ({
      %run_scoped3A = tpu.sem_alloc : memref<!tpu.dma_semaphore, #tpu.memory_space<semaphore_mem>>
      %dma_start3A_44 = arith.constant 0 : i32
      %dma_start3A_45 = tpu.memref_slice %arg8[%mul3A_6, %dma_start3A_44] : memref<10112x128xf32, #tpu.memory_space<vmem_shared>> -> memref<632x128xf32, #tpu.memory_space<vmem_shared>>
      %dma_start3A_46 = arith.constant 0 : i32
      %dma_start3A_47 = tpu.memref_slice %arg4[%mul3A_4, %dma_start3A_46] : memref<10112x128xf32, #tpu.memory_space<hbm>> -> memref<632x128xf32, #tpu.memory_space<hbm>>
      tpu.enqueue_dma source(%dma_start3A_47 : memref<632x128xf32, #tpu.memory_space<hbm>>) target(%dma_start3A_45 : memref<632x128xf32, #tpu.memory_space<vmem_shared>>) target_semaphore(%run_scoped3A : memref<!tpu.dma_semaphore, #tpu.memory_space<semaphore_mem>>)
      %dma_wait3A = arith.constant 0 : i32
      %dma_wait3A_48 = tpu.memref_slice %arg8[%mul3A_6, %dma_wait3A] : memref<10112x128xf32, #tpu.memory_space<vmem_shared>> -> memref<632x128xf32, #tpu.memory_space<vmem_shared>>
      %dma_wait3A_49 = arith.constant 0 : i32
      %dma_wait3A_50 = tpu.memref_slice %arg4[%mul3A_4, %dma_wait3A_49] : memref<10112x128xf32, #tpu.memory_space<hbm>> -> memref<632x128xf32, #tpu.memory_space<hbm>>
      tpu.wait_dma2 semaphore(%run_scoped3A : memref<!tpu.dma_semaphore, #tpu.memory_space<semaphore_mem>>) src(%dma_wait3A_50 : memref<632x128xf32, #tpu.memory_space<hbm>>) dst(%dma_wait3A_48 : memref<632x128xf32, #tpu.memory_space<vmem_shared>>)
      tpu.yield
    }) : () -> ()
    %barrier3A = arith.constant 0 : index
    tpu.barrier barrier_id(%barrier3A)
    %mul3A_7 = arith.constant 10240 : i32
    %mul3A_8 = arith.muli %add3A, %mul3A_7 : i32
    %add3A_9 = arith.constant 0 : i32
    %add3A_10 = arith.addi %mul3A_8, %add3A_9 : i32
    %dma_start3A = arith.constant 0 : i32
    %dma_start3A_11 = arith.constant 0 : i32
    %dma_start3A_12 = tpu.memref_slice %arg7[%dma_start3A, %dma_start3A_11] : memref<256x128xf32, #tpu.memory_space<vmem>> -> memref<128x128xf32, #tpu.memory_space<vmem>>
    %dma_start3A_13 = arith.constant 0 : i32
    %dma_start3A_14 = tpu.memref_slice %arg2[%add3A_10, %dma_start3A_13] : memref<327680x128xf32, #tpu.memory_space<hbm>> -> memref<128x128xf32, #tpu.memory_space<hbm>>
    %dma_start3A_15 = arith.constant 0 : i32
    %dma_start3A_16 = arith.constant 0 : i32
    %dma_start3A_17 = tpu.memref_slice %arg7[%dma_start3A_15, %dma_start3A_16] : memref<256x128xf32, #tpu.memory_space<vmem>> -> memref<128x128xf32, #tpu.memory_space<vmem>>
    %dma_start3A_18 = arith.constant 0 : i32
    %dma_start3A_19 = tpu.memref_slice %arg2[%add3A_10, %dma_start3A_18] : memref<327680x128xf32, #tpu.memory_space<hbm>> -> memref<128x128xf32, #tpu.memory_space<hbm>>
    tpu.enqueue_dma source(%dma_start3A_19 : memref<128x128xf32, #tpu.memory_space<hbm>>) target(%dma_start3A_17 : memref<128x128xf32, #tpu.memory_space<vmem>>) target_semaphore(%arg9 : memref<!tpu.dma_semaphore, #tpu.memory_space<semaphore_mem>>)
    %mul3A_20 = arith.constant 10240 : i32
    %mul3A_21 = arith.muli %add3A, %mul3A_20 : i32
    %add3A_22 = arith.constant 128 : i32
    %add3A_23 = arith.addi %mul3A_21, %add3A_22 : i32
    %dma_start3A_24 = arith.constant 128 : i32
    %dma_start3A_25 = arith.constant 0 : i32
    %dma_start3A_26 = tpu.memref_slice %arg7[%dma_start3A_24, %dma_start3A_25] : memref<256x128xf32, #tpu.memory_space<vmem>> -> memref<128x128xf32, #tpu.memory_space<vmem>>
    %dma_start3A_27 = arith.constant 0 : i32
    %dma_start3A_28 = tpu.memref_slice %arg2[%add3A_23, %dma_start3A_27] : memref<327680x128xf32, #tpu.memory_space<hbm>> -> memref<128x128xf32, #tpu.memory_space<hbm>>
    %dma_start3A_29 = arith.constant 128 : i32
    %dma_start3A_30 = arith.constant 0 : i32
    %dma_start3A_31 = tpu.memref_slice %arg7[%dma_start3A_29, %dma_start3A_30] : memref<256x128xf32, #tpu.memory_space<vmem>> -> memref<128x128xf32, #tpu.memory_space<vmem>>
    %dma_start3A_32 = arith.constant 0 : i32
    %dma_start3A_33 = tpu.memref_slice %arg2[%add3A_23, %dma_start3A_32] : memref<327680x128xf32, #tpu.memory_space<hbm>> -> memref<128x128xf32, #tpu.memory_space<hbm>>
    tpu.enqueue_dma source(%dma_start3A_33 : memref<128x128xf32, #tpu.memory_space<hbm>>) target(%dma_start3A_31 : memref<128x128xf32, #tpu.memory_space<vmem>>) target_semaphore(%arg10 : memref<!tpu.dma_semaphore, #tpu.memory_space<semaphore_mem>>)
    %scan3A = arith.constant 0 : i32
    %scan3A_34 = arith.constant 0 : i32
    %scan3A_35 = arith.constant 40 : i32
    %scan3A_36 = arith.addi %scan3A_34, %scan3A_35 : i32
    %scan3A_37 = arith.constant 1 : i32
    scf.for %scan3A_44 = %scan3A_34 to %scan3A_36 step %scan3A_37  : i32 {
      %mul3A_45 = arith.constant 2 : i32
      %mul3A_46 = arith.muli %scan3A_44, %mul3A_45 : i32
      %add3A_47 = arith.constant 0 : i32
      %add3A_48 = arith.addi %mul3A_46, %add3A_47 : i32
      %dma_wait3A = arith.constant 0 : i32
      %dma_wait3A_49 = arith.constant 0 : i32
      %dma_wait3A_50 = tpu.memref_slice %arg7[%dma_wait3A, %dma_wait3A_49] : memref<256x128xf32, #tpu.memory_space<vmem>> -> memref<128x128xf32, #tpu.memory_space<vmem>>
      %dma_wait3A_51 = arith.constant 0 : i32
      %dma_wait3A_52 = arith.constant 0 : i32
      %dma_wait3A_53 = tpu.memref_slice %arg2[%dma_wait3A_51, %dma_wait3A_52] : memref<327680x128xf32, #tpu.memory_space<hbm>> -> memref<128x128xf32, #tpu.memory_space<hbm>>
      %dma_wait3A_54 = arith.constant 0 : i32
      %dma_wait3A_55 = arith.constant 0 : i32
      %dma_wait3A_56 = tpu.memref_slice %arg7[%dma_wait3A_54, %dma_wait3A_55] : memref<256x128xf32, #tpu.memory_space<vmem>> -> memref<128x128xf32, #tpu.memory_space<vmem>>
      %dma_wait3A_57 = arith.constant 0 : i32
      %dma_wait3A_58 = arith.constant 0 : i32
      %dma_wait3A_59 = tpu.memref_slice %arg2[%dma_wait3A_57, %dma_wait3A_58] : memref<327680x128xf32, #tpu.memory_space<hbm>> -> memref<128x128xf32, #tpu.memory_space<hbm>>
      tpu.wait_dma2 semaphore(%arg9 : memref<!tpu.dma_semaphore, #tpu.memory_space<semaphore_mem>>) src(%dma_wait3A_59 : memref<128x128xf32, #tpu.memory_space<hbm>>) dst(%dma_wait3A_56 : memref<128x128xf32, #tpu.memory_space<vmem>>)
      "tpu.region"() ({
        %run_scoped3A = tpu.sem_alloc : memref<!tpu.dma_semaphore, #tpu.memory_space<semaphore_mem>>
        %dma_start3A_87 = arith.constant 0 : i32
        %dma_start3A_88 = arith.constant 0 : i32
        %dma_start3A_89 = tpu.memref_slice %arg7[%dma_start3A_87, %dma_start3A_88] : memref<256x128xf32, #tpu.memory_space<vmem>> -> memref<128x128xf32, #tpu.memory_space<vmem>>
        %dma_start3A_90 = arith.constant 0 : i32
        %dma_start3A_91 = tpu.memref_slice %arg6[%add3A_48, %dma_start3A_90] : memref<80x128xi32, #tpu.memory_space<vmem>> -> memref<1x128xi32, #tpu.memory_space<vmem>>
        %dma_start3A_92 = tpu.memref_squeeze %dma_start3A_91 : memref<1x128xi32, #tpu.memory_space<vmem>> -> memref<128xi32, #tpu.memory_space<vmem>>
        %dma_start3A_93 = arith.constant 0 : i32
        %dma_start3A_94 = arith.constant 0 : i32
        %dma_start3A_95 = tpu.memref_slice %arg8[%dma_start3A_93, %dma_start3A_94] : memref<10112x128xf32, #tpu.memory_space<vmem_shared>> -> memref<10112x128xf32, #tpu.memory_space<vmem_shared>>
        tpu.enqueue_indirect_dma source(%dma_start3A_89 : memref<128x128xf32, #tpu.memory_space<vmem>>) target(%dma_start3A_95 : memref<10112x128xf32, #tpu.memory_space<vmem_shared>>) offsets(%dma_start3A_92 : memref<128xi32, #tpu.memory_space<vmem>>) semaphore(%run_scoped3A : memref<!tpu.dma_semaphore, #tpu.memory_space<semaphore_mem>>) {add = true}
        %dma_wait3A_96 = arith.constant 0 : i32
        %dma_wait3A_97 = arith.constant 0 : i32
        %dma_wait3A_98 = tpu.memref_slice %arg7[%dma_wait3A_96, %dma_wait3A_97] : memref<256x128xf32, #tpu.memory_space<vmem>> -> memref<128x128xf32, #tpu.memory_space<vmem>>
        %dma_wait3A_99 = arith.constant 0 : i32
        %dma_wait3A_100 = tpu.memref_slice %arg6[%add3A_48, %dma_wait3A_99] : memref<80x128xi32, #tpu.memory_space<vmem>> -> memref<1x128xi32, #tpu.memory_space<vmem>>
        %dma_wait3A_101 = tpu.memref_squeeze %dma_wait3A_100 : memref<1x128xi32, #tpu.memory_space<vmem>> -> memref<128xi32, #tpu.memory_space<vmem>>
        %dma_wait3A_102 = arith.constant 0 : i32
        %dma_wait3A_103 = arith.constant 0 : i32
        %dma_wait3A_104 = tpu.memref_slice %arg8[%dma_wait3A_102, %dma_wait3A_103] : memref<10112x128xf32, #tpu.memory_space<vmem_shared>> -> memref<10112x128xf32, #tpu.memory_space<vmem_shared>>
        tpu.wait_indirect_dma semaphore(%run_scoped3A : memref<!tpu.dma_semaphore, #tpu.memory_space<semaphore_mem>>) src(%dma_wait3A_98 : memref<128x128xf32, #tpu.memory_space<vmem>>) dst(%dma_wait3A_104 : memref<10112x128xf32, #tpu.memory_space<vmem_shared>>)
        tpu.yield
      }) : () -> ()
      %add3A_60 = arith.constant 2 : i32
      %add3A_61 = arith.addi %add3A_48, %add3A_60 : i32
      %lt3A = arith.constant 80 : i32
      %lt3A_62 = arith.cmpi slt, %add3A_61, %lt3A : i32
      %convert_element_type3A = arith.extui %lt3A_62 : i1 to i32
      %cond3A = arith.constant 0 : i32
      %cond3A_63 = arith.cmpi ne, %convert_element_type3A, %cond3A : i32
      scf.if %cond3A_63 {
        %add3A_87 = arith.constant 2 : i32
        %add3A_88 = arith.addi %add3A_48, %add3A_87 : i32
        %mul3A_89 = arith.constant 10240 : i32
        %mul3A_90 = arith.muli %add3A, %mul3A_89 : i32
        %mul3A_91 = arith.constant 128 : i32
        %mul3A_92 = arith.muli %add3A_88, %mul3A_91 : i32
        %add3A_93 = arith.addi %mul3A_90, %mul3A_92 : i32
        %dma_start3A_94 = arith.constant 0 : i32
        %dma_start3A_95 = arith.constant 0 : i32
        %dma_start3A_96 = tpu.memref_slice %arg7[%dma_start3A_94, %dma_start3A_95] : memref<256x128xf32, #tpu.memory_space<vmem>> -> memref<128x128xf32, #tpu.memory_space<vmem>>
        %dma_start3A_97 = arith.constant 0 : i32
        %dma_start3A_98 = tpu.memref_slice %arg2[%add3A_93, %dma_start3A_97] : memref<327680x128xf32, #tpu.memory_space<hbm>> -> memref<128x128xf32, #tpu.memory_space<hbm>>
        %dma_start3A_99 = arith.constant 0 : i32
        %dma_start3A_100 = arith.constant 0 : i32
        %dma_start3A_101 = tpu.memref_slice %arg7[%dma_start3A_99, %dma_start3A_100] : memref<256x128xf32, #tpu.memory_space<vmem>> -> memref<128x128xf32, #tpu.memory_space<vmem>>
        %dma_start3A_102 = arith.constant 0 : i32
        %dma_start3A_103 = tpu.memref_slice %arg2[%add3A_93, %dma_start3A_102] : memref<327680x128xf32, #tpu.memory_space<hbm>> -> memref<128x128xf32, #tpu.memory_space<hbm>>
        tpu.enqueue_dma source(%dma_start3A_103 : memref<128x128xf32, #tpu.memory_space<hbm>>) target(%dma_start3A_101 : memref<128x128xf32, #tpu.memory_space<vmem>>) target_semaphore(%arg9 : memref<!tpu.dma_semaphore, #tpu.memory_space<semaphore_mem>>)
      } else {
      }
      %mul3A_64 = arith.constant 2 : i32
      %mul3A_65 = arith.muli %scan3A_44, %mul3A_64 : i32
      %add3A_66 = arith.constant 1 : i32
      %add3A_67 = arith.addi %mul3A_65, %add3A_66 : i32
      %dma_wait3A_68 = arith.constant 128 : i32
      %dma_wait3A_69 = arith.constant 0 : i32
      %dma_wait3A_70 = tpu.memref_slice %arg7[%dma_wait3A_68, %dma_wait3A_69] : memref<256x128xf32, #tpu.memory_space<vmem>> -> memref<128x128xf32, #tpu.memory_space<vmem>>
      %dma_wait3A_71 = arith.constant 0 : i32
      %dma_wait3A_72 = arith.constant 0 : i32
      %dma_wait3A_73 = tpu.memref_slice %arg2[%dma_wait3A_71, %dma_wait3A_72] : memref<327680x128xf32, #tpu.memory_space<hbm>> -> memref<128x128xf32, #tpu.memory_space<hbm>>
      %dma_wait3A_74 = arith.constant 128 : i32
      %dma_wait3A_75 = arith.constant 0 : i32
      %dma_wait3A_76 = tpu.memref_slice %arg7[%dma_wait3A_74, %dma_wait3A_75] : memref<256x128xf32, #tpu.memory_space<vmem>> -> memref<128x128xf32, #tpu.memory_space<vmem>>
      %dma_wait3A_77 = arith.constant 0 : i32
      %dma_wait3A_78 = arith.constant 0 : i32
      %dma_wait3A_79 = tpu.memref_slice %arg2[%dma_wait3A_77, %dma_wait3A_78] : memref<327680x128xf32, #tpu.memory_space<hbm>> -> memref<128x128xf32, #tpu.memory_space<hbm>>
      tpu.wait_dma2 semaphore(%arg10 : memref<!tpu.dma_semaphore, #tpu.memory_space<semaphore_mem>>) src(%dma_wait3A_79 : memref<128x128xf32, #tpu.memory_space<hbm>>) dst(%dma_wait3A_76 : memref<128x128xf32, #tpu.memory_space<vmem>>)
      "tpu.region"() ({
        %run_scoped3A = tpu.sem_alloc : memref<!tpu.dma_semaphore, #tpu.memory_space<semaphore_mem>>
        %dma_start3A_87 = arith.constant 128 : i32
        %dma_start3A_88 = arith.constant 0 : i32
        %dma_start3A_89 = tpu.memref_slice %arg7[%dma_start3A_87, %dma_start3A_88] : memref<256x128xf32, #tpu.memory_space<vmem>> -> memref<128x128xf32, #tpu.memory_space<vmem>>
        %dma_start3A_90 = arith.constant 0 : i32
        %dma_start3A_91 = tpu.memref_slice %arg6[%add3A_67, %dma_start3A_90] : memref<80x128xi32, #tpu.memory_space<vmem>> -> memref<1x128xi32, #tpu.memory_space<vmem>>
        %dma_start3A_92 = tpu.memref_squeeze %dma_start3A_91 : memref<1x128xi32, #tpu.memory_space<vmem>> -> memref<128xi32, #tpu.memory_space<vmem>>
        %dma_start3A_93 = arith.constant 0 : i32
        %dma_start3A_94 = arith.constant 0 : i32
        %dma_start3A_95 = tpu.memref_slice %arg8[%dma_start3A_93, %dma_start3A_94] : memref<10112x128xf32, #tpu.memory_space<vmem_shared>> -> memref<10112x128xf32, #tpu.memory_space<vmem_shared>>
        tpu.enqueue_indirect_dma source(%dma_start3A_89 : memref<128x128xf32, #tpu.memory_space<vmem>>) target(%dma_start3A_95 : memref<10112x128xf32, #tpu.memory_space<vmem_shared>>) offsets(%dma_start3A_92 : memref<128xi32, #tpu.memory_space<vmem>>) semaphore(%run_scoped3A : memref<!tpu.dma_semaphore, #tpu.memory_space<semaphore_mem>>) {add = true}
        %dma_wait3A_96 = arith.constant 128 : i32
        %dma_wait3A_97 = arith.constant 0 : i32
        %dma_wait3A_98 = tpu.memref_slice %arg7[%dma_wait3A_96, %dma_wait3A_97] : memref<256x128xf32, #tpu.memory_space<vmem>> -> memref<128x128xf32, #tpu.memory_space<vmem>>
        %dma_wait3A_99 = arith.constant 0 : i32
        %dma_wait3A_100 = tpu.memref_slice %arg6[%add3A_67, %dma_wait3A_99] : memref<80x128xi32, #tpu.memory_space<vmem>> -> memref<1x128xi32, #tpu.memory_space<vmem>>
        %dma_wait3A_101 = tpu.memref_squeeze %dma_wait3A_100 : memref<1x128xi32, #tpu.memory_space<vmem>> -> memref<128xi32, #tpu.memory_space<vmem>>
        %dma_wait3A_102 = arith.constant 0 : i32
        %dma_wait3A_103 = arith.constant 0 : i32
        %dma_wait3A_104 = tpu.memref_slice %arg8[%dma_wait3A_102, %dma_wait3A_103] : memref<10112x128xf32, #tpu.memory_space<vmem_shared>> -> memref<10112x128xf32, #tpu.memory_space<vmem_shared>>
        tpu.wait_indirect_dma semaphore(%run_scoped3A : memref<!tpu.dma_semaphore, #tpu.memory_space<semaphore_mem>>) src(%dma_wait3A_98 : memref<128x128xf32, #tpu.memory_space<vmem>>) dst(%dma_wait3A_104 : memref<10112x128xf32, #tpu.memory_space<vmem_shared>>)
        tpu.yield
      }) : () -> ()
      %add3A_80 = arith.constant 2 : i32
      %add3A_81 = arith.addi %add3A_67, %add3A_80 : i32
      %lt3A_82 = arith.constant 80 : i32
      %lt3A_83 = arith.cmpi slt, %add3A_81, %lt3A_82 : i32
      %convert_element_type3A_84 = arith.extui %lt3A_83 : i1 to i32
      %cond3A_85 = arith.constant 0 : i32
      %cond3A_86 = arith.cmpi ne, %convert_element_type3A_84, %cond3A_85 : i32
      scf.if %cond3A_86 {
        %add3A_87 = arith.constant 2 : i32
        %add3A_88 = arith.addi %add3A_67, %add3A_87 : i32
        %mul3A_89 = arith.constant 10240 : i32
        %mul3A_90 = arith.muli %add3A, %mul3A_89 : i32
        %mul3A_91 = arith.constant 128 : i32
        %mul3A_92 = arith.muli %add3A_88, %mul3A_91 : i32
        %add3A_93 = arith.addi %mul3A_90, %mul3A_92 : i32
        %dma_start3A_94 = arith.constant 128 : i32
        %dma_start3A_95 = arith.constant 0 : i32
        %dma_start3A_96 = tpu.memref_slice %arg7[%dma_start3A_94, %dma_start3A_95] : memref<256x128xf32, #tpu.memory_space<vmem>> -> memref<128x128xf32, #tpu.memory_space<vmem>>
        %dma_start3A_97 = arith.constant 0 : i32
        %dma_start3A_98 = tpu.memref_slice %arg2[%add3A_93, %dma_start3A_97] : memref<327680x128xf32, #tpu.memory_space<hbm>> -> memref<128x128xf32, #tpu.memory_space<hbm>>
        %dma_start3A_99 = arith.constant 128 : i32
        %dma_start3A_100 = arith.constant 0 : i32
        %dma_start3A_101 = tpu.memref_slice %arg7[%dma_start3A_99, %dma_start3A_100] : memref<256x128xf32, #tpu.memory_space<vmem>> -> memref<128x128xf32, #tpu.memory_space<vmem>>
        %dma_start3A_102 = arith.constant 0 : i32
        %dma_start3A_103 = tpu.memref_slice %arg2[%add3A_93, %dma_start3A_102] : memref<327680x128xf32, #tpu.memory_space<hbm>> -> memref<128x128xf32, #tpu.memory_space<hbm>>
        tpu.enqueue_dma source(%dma_start3A_103 : memref<128x128xf32, #tpu.memory_space<hbm>>) target(%dma_start3A_101 : memref<128x128xf32, #tpu.memory_space<vmem>>) target_semaphore(%arg10 : memref<!tpu.dma_semaphore, #tpu.memory_space<semaphore_mem>>)
      } else {
      }
    }
    %scan3A_38 = arith.constant 40 : i32
    %barrier3A_39 = arith.constant 0 : index
    tpu.barrier barrier_id(%barrier3A_39)
    %mul3A_40 = arith.constant 632 : i32
    %mul3A_41 = arith.muli %arg1, %mul3A_40 : i32
    %mul3A_42 = arith.constant 632 : i32
    %mul3A_43 = arith.muli %arg1, %mul3A_42 : i32
    "tpu.region"() ({
      %run_scoped3A = tpu.sem_alloc : memref<!tpu.dma_semaphore, #tpu.memory_space<semaphore_mem>>
      %dma_start3A_44 = arith.constant 0 : i32
      %dma_start3A_45 = tpu.memref_slice %arg5[%arg0, %mul3A_43, %dma_start3A_44] : memref<2x10112x128xf32, #tpu.memory_space<hbm>> -> memref<1x632x128xf32, #tpu.memory_space<hbm>>
      %dma_start3A_46 = tpu.memref_squeeze %dma_start3A_45 : memref<1x632x128xf32, #tpu.memory_space<hbm>> -> memref<632x128xf32, #tpu.memory_space<hbm>>
      %dma_start3A_47 = arith.constant 0 : i32
      %dma_start3A_48 = tpu.memref_slice %arg8[%mul3A_41, %dma_start3A_47] : memref<10112x128xf32, #tpu.memory_space<vmem_shared>> -> memref<632x128xf32, #tpu.memory_space<vmem_shared>>
      tpu.enqueue_dma source(%dma_start3A_48 : memref<632x128xf32, #tpu.memory_space<vmem_shared>>) target(%dma_start3A_46 : memref<632x128xf32, #tpu.memory_space<hbm>>) target_semaphore(%run_scoped3A : memref<!tpu.dma_semaphore, #tpu.memory_space<semaphore_mem>>)
      %dma_wait3A = arith.constant 0 : i32
      %dma_wait3A_49 = tpu.memref_slice %arg5[%arg0, %mul3A_43, %dma_wait3A] : memref<2x10112x128xf32, #tpu.memory_space<hbm>> -> memref<1x632x128xf32, #tpu.memory_space<hbm>>
      %dma_wait3A_50 = tpu.memref_squeeze %dma_wait3A_49 : memref<1x632x128xf32, #tpu.memory_space<hbm>> -> memref<632x128xf32, #tpu.memory_space<hbm>>
      %dma_wait3A_51 = arith.constant 0 : i32
      %dma_wait3A_52 = tpu.memref_slice %arg8[%mul3A_41, %dma_wait3A_51] : memref<10112x128xf32, #tpu.memory_space<vmem_shared>> -> memref<632x128xf32, #tpu.memory_space<vmem_shared>>
      tpu.wait_dma2 semaphore(%run_scoped3A : memref<!tpu.dma_semaphore, #tpu.memory_space<semaphore_mem>>) src(%dma_wait3A_52 : memref<632x128xf32, #tpu.memory_space<vmem_shared>>) dst(%dma_wait3A_50 : memref<632x128xf32, #tpu.memory_space<hbm>>)
      tpu.yield
    }) : () -> ()
    return
  }
}

#map = affine_map<(d0, d1) -> (0, 0)>
#map1 = affine_map<(d0, d1) -> (0, 0, 0)>
module attributes {stable_mosaic.version = 14 : i64} {
  func.func @edge_pass(%arg0: i32, %arg1: i32, %arg2: memref<40000x128xf32, #tpu.memory_space<hbm>>, %arg3: memref<2560x128xi32, #tpu.memory_space<hbm>>, %arg4: memref<2560x128xi32, #tpu.memory_space<hbm>>, %arg5: memref<10112x128xf32, #tpu.memory_space<hbm>>, %arg6: memref<2x10112x128xf32, #tpu.memory_space<hbm>>, %arg7: memref<40x128xi32, #tpu.memory_space<vmem>>, %arg8: memref<40x128xi32, #tpu.memory_space<vmem>>, %arg9: memref<256x128xf32, #tpu.memory_space<vmem>>, %arg10: memref<10112x128xf32, #tpu.memory_space<vmem_shared>>, %arg11: memref<!tpu.dma_semaphore, #tpu.memory_space<semaphore_mem>>, %arg12: memref<!tpu.dma_semaphore, #tpu.memory_space<semaphore_mem>>) attributes {dimension_semantics = [#tpu.dimension_semantics<core_parallel>, #tpu.dimension_semantics<subcore_parallel>], iteration_bounds = array<i64: 2, 16>, scalar_prefetch = 0 : i64, scratch_operands = 6 : i64, tpu.core_type = #tpu.core_type<sc_vector_subcore>, window_params = [{transform_indices = #map}, {transform_indices = #map}, {transform_indices = #map}, {transform_indices = #map}, {transform_indices = #map1}]} {
    %mul3A = arith.constant 2 : i32
    %mul3A_0 = arith.muli %arg1, %mul3A : i32
    %add3A = arith.addi %mul3A_0, %arg0 : i32
    %mul3A_1 = arith.constant 632 : i32
    %mul3A_2 = arith.muli %arg1, %mul3A_1 : i32
    %mul3A_3 = arith.constant 632 : i32
    %mul3A_4 = arith.muli %arg1, %mul3A_3 : i32
    "tpu.region"() ({
      %run_scoped3A = tpu.sem_alloc : memref<!tpu.dma_semaphore, #tpu.memory_space<semaphore_mem>>
      %dma_start3A_68 = arith.constant 0 : i32
      %dma_start3A_69 = tpu.memref_slice %arg10[%mul3A_4, %dma_start3A_68] : memref<10112x128xf32, #tpu.memory_space<vmem_shared>> -> memref<632x128xf32, #tpu.memory_space<vmem_shared>>
      %dma_start3A_70 = arith.constant 0 : i32
      %dma_start3A_71 = tpu.memref_slice %arg5[%mul3A_2, %dma_start3A_70] : memref<10112x128xf32, #tpu.memory_space<hbm>> -> memref<632x128xf32, #tpu.memory_space<hbm>>
      tpu.enqueue_dma source(%dma_start3A_71 : memref<632x128xf32, #tpu.memory_space<hbm>>) target(%dma_start3A_69 : memref<632x128xf32, #tpu.memory_space<vmem_shared>>) target_semaphore(%run_scoped3A : memref<!tpu.dma_semaphore, #tpu.memory_space<semaphore_mem>>)
      %dma_wait3A = arith.constant 0 : i32
      %dma_wait3A_72 = tpu.memref_slice %arg10[%mul3A_4, %dma_wait3A] : memref<10112x128xf32, #tpu.memory_space<vmem_shared>> -> memref<632x128xf32, #tpu.memory_space<vmem_shared>>
      %dma_wait3A_73 = arith.constant 0 : i32
      %dma_wait3A_74 = tpu.memref_slice %arg5[%mul3A_2, %dma_wait3A_73] : memref<10112x128xf32, #tpu.memory_space<hbm>> -> memref<632x128xf32, #tpu.memory_space<hbm>>
      tpu.wait_dma2 semaphore(%run_scoped3A : memref<!tpu.dma_semaphore, #tpu.memory_space<semaphore_mem>>) src(%dma_wait3A_74 : memref<632x128xf32, #tpu.memory_space<hbm>>) dst(%dma_wait3A_72 : memref<632x128xf32, #tpu.memory_space<vmem_shared>>)
      tpu.yield
    }) : () -> ()
    %barrier3A = arith.constant 0 : index
    tpu.barrier barrier_id(%barrier3A)
    %mul3A_5 = arith.constant 80 : i32
    %mul3A_6 = arith.muli %add3A, %mul3A_5 : i32
    %add3A_7 = arith.constant 0 : i32
    %add3A_8 = arith.addi %mul3A_6, %add3A_7 : i32
    "tpu.region"() ({
      %run_scoped3A = tpu.sem_alloc : memref<!tpu.dma_semaphore, #tpu.memory_space<semaphore_mem>>
      %dma_start3A_68 = arith.constant 0 : i32
      %dma_start3A_69 = tpu.memref_slice %arg3[%add3A_8, %dma_start3A_68] : memref<2560x128xi32, #tpu.memory_space<hbm>> -> memref<40x128xi32, #tpu.memory_space<hbm>>
      %dma_start3A_70 = arith.constant 0 : i32
      %dma_start3A_71 = tpu.memref_slice %arg3[%add3A_8, %dma_start3A_70] : memref<2560x128xi32, #tpu.memory_space<hbm>> -> memref<40x128xi32, #tpu.memory_space<hbm>>
      tpu.enqueue_dma source(%dma_start3A_71 : memref<40x128xi32, #tpu.memory_space<hbm>>) target(%arg7 : memref<40x128xi32, #tpu.memory_space<vmem>>) target_semaphore(%run_scoped3A : memref<!tpu.dma_semaphore, #tpu.memory_space<semaphore_mem>>)
      %dma_wait3A = arith.constant 0 : i32
      %dma_wait3A_72 = tpu.memref_slice %arg3[%add3A_8, %dma_wait3A] : memref<2560x128xi32, #tpu.memory_space<hbm>> -> memref<40x128xi32, #tpu.memory_space<hbm>>
      %dma_wait3A_73 = arith.constant 0 : i32
      %dma_wait3A_74 = tpu.memref_slice %arg3[%add3A_8, %dma_wait3A_73] : memref<2560x128xi32, #tpu.memory_space<hbm>> -> memref<40x128xi32, #tpu.memory_space<hbm>>
      tpu.wait_dma2 semaphore(%run_scoped3A : memref<!tpu.dma_semaphore, #tpu.memory_space<semaphore_mem>>) src(%dma_wait3A_74 : memref<40x128xi32, #tpu.memory_space<hbm>>) dst(%arg7 : memref<40x128xi32, #tpu.memory_space<vmem>>)
      tpu.yield
    }) : () -> ()
    "tpu.region"() ({
      %run_scoped3A = tpu.sem_alloc : memref<!tpu.dma_semaphore, #tpu.memory_space<semaphore_mem>>
      %dma_start3A_68 = arith.constant 0 : i32
      %dma_start3A_69 = tpu.memref_slice %arg4[%add3A_8, %dma_start3A_68] : memref<2560x128xi32, #tpu.memory_space<hbm>> -> memref<40x128xi32, #tpu.memory_space<hbm>>
      %dma_start3A_70 = arith.constant 0 : i32
      %dma_start3A_71 = tpu.memref_slice %arg4[%add3A_8, %dma_start3A_70] : memref<2560x128xi32, #tpu.memory_space<hbm>> -> memref<40x128xi32, #tpu.memory_space<hbm>>
      tpu.enqueue_dma source(%dma_start3A_71 : memref<40x128xi32, #tpu.memory_space<hbm>>) target(%arg8 : memref<40x128xi32, #tpu.memory_space<vmem>>) target_semaphore(%run_scoped3A : memref<!tpu.dma_semaphore, #tpu.memory_space<semaphore_mem>>)
      %dma_wait3A = arith.constant 0 : i32
      %dma_wait3A_72 = tpu.memref_slice %arg4[%add3A_8, %dma_wait3A] : memref<2560x128xi32, #tpu.memory_space<hbm>> -> memref<40x128xi32, #tpu.memory_space<hbm>>
      %dma_wait3A_73 = arith.constant 0 : i32
      %dma_wait3A_74 = tpu.memref_slice %arg4[%add3A_8, %dma_wait3A_73] : memref<2560x128xi32, #tpu.memory_space<hbm>> -> memref<40x128xi32, #tpu.memory_space<hbm>>
      tpu.wait_dma2 semaphore(%run_scoped3A : memref<!tpu.dma_semaphore, #tpu.memory_space<semaphore_mem>>) src(%dma_wait3A_74 : memref<40x128xi32, #tpu.memory_space<hbm>>) dst(%arg8 : memref<40x128xi32, #tpu.memory_space<vmem>>)
      tpu.yield
    }) : () -> ()
    %dma_start3A = arith.constant 0 : i32
    %dma_start3A_9 = arith.constant 0 : i32
    %dma_start3A_10 = arith.constant 0 : i32
    %dma_start3A_11 = tpu.memref_slice %arg9[%dma_start3A_9, %dma_start3A_10] : memref<256x128xf32, #tpu.memory_space<vmem>> -> memref<128x128xf32, #tpu.memory_space<vmem>>
    %dma_start3A_12 = arith.constant 0 : i32
    %dma_start3A_13 = tpu.memref_slice %arg7[%dma_start3A, %dma_start3A_12] : memref<40x128xi32, #tpu.memory_space<vmem>> -> memref<1x128xi32, #tpu.memory_space<vmem>>
    %dma_start3A_14 = tpu.memref_squeeze %dma_start3A_13 : memref<1x128xi32, #tpu.memory_space<vmem>> -> memref<128xi32, #tpu.memory_space<vmem>>
    %dma_start3A_15 = arith.constant 0 : i32
    %dma_start3A_16 = arith.constant 0 : i32
    %dma_start3A_17 = tpu.memref_slice %arg2[%dma_start3A_15, %dma_start3A_16] : memref<40000x128xf32, #tpu.memory_space<hbm>> -> memref<40000x128xf32, #tpu.memory_space<hbm>>
    tpu.enqueue_indirect_dma source(%dma_start3A_17 : memref<40000x128xf32, #tpu.memory_space<hbm>>) target(%dma_start3A_11 : memref<128x128xf32, #tpu.memory_space<vmem>>) offsets(%dma_start3A_14 : memref<128xi32, #tpu.memory_space<vmem>>) semaphore(%arg11 : memref<!tpu.dma_semaphore, #tpu.memory_space<semaphore_mem>>)
    %dma_start3A_18 = arith.constant 1 : i32
    %dma_start3A_19 = arith.constant 128 : i32
    %dma_start3A_20 = arith.constant 0 : i32
    %dma_start3A_21 = tpu.memref_slice %arg9[%dma_start3A_19, %dma_start3A_20] : memref<256x128xf32, #tpu.memory_space<vmem>> -> memref<128x128xf32, #tpu.memory_space<vmem>>
    %dma_start3A_22 = arith.constant 0 : i32
    %dma_start3A_23 = tpu.memref_slice %arg7[%dma_start3A_18, %dma_start3A_22] : memref<40x128xi32, #tpu.memory_space<vmem>> -> memref<1x128xi32, #tpu.memory_space<vmem>>
    %dma_start3A_24 = tpu.memref_squeeze %dma_start3A_23 : memref<1x128xi32, #tpu.memory_space<vmem>> -> memref<128xi32, #tpu.memory_space<vmem>>
    %dma_start3A_25 = arith.constant 0 : i32
    %dma_start3A_26 = arith.constant 0 : i32
    %dma_start3A_27 = tpu.memref_slice %arg2[%dma_start3A_25, %dma_start3A_26] : memref<40000x128xf32, #tpu.memory_space<hbm>> -> memref<40000x128xf32, #tpu.memory_space<hbm>>
    tpu.enqueue_indirect_dma source(%dma_start3A_27 : memref<40000x128xf32, #tpu.memory_space<hbm>>) target(%dma_start3A_21 : memref<128x128xf32, #tpu.memory_space<vmem>>) offsets(%dma_start3A_24 : memref<128xi32, #tpu.memory_space<vmem>>) semaphore(%arg12 : memref<!tpu.dma_semaphore, #tpu.memory_space<semaphore_mem>>)
    %scan3A = arith.constant 0 : i32
    %scan3A_28 = arith.constant 0 : i32
    %scan3A_29 = arith.constant 20 : i32
    %scan3A_30 = arith.addi %scan3A_28, %scan3A_29 : i32
    %scan3A_31 = arith.constant 1 : i32
    scf.for %scan3A_68 = %scan3A_28 to %scan3A_30 step %scan3A_31  : i32 {
      %mul3A_69 = arith.constant 2 : i32
      %mul3A_70 = arith.muli %scan3A_68, %mul3A_69 : i32
      %add3A_71 = arith.constant 0 : i32
      %add3A_72 = arith.addi %mul3A_70, %add3A_71 : i32
      %dma_wait3A = arith.constant 0 : i32
      %dma_wait3A_73 = arith.constant 0 : i32
      %dma_wait3A_74 = tpu.memref_slice %arg9[%dma_wait3A, %dma_wait3A_73] : memref<256x128xf32, #tpu.memory_space<vmem>> -> memref<128x128xf32, #tpu.memory_space<vmem>>
      %dma_wait3A_75 = arith.constant 0 : i32
      %dma_wait3A_76 = arith.constant 0 : i32
      %dma_wait3A_77 = tpu.memref_slice %arg2[%dma_wait3A_75, %dma_wait3A_76] : memref<40000x128xf32, #tpu.memory_space<hbm>> -> memref<128x128xf32, #tpu.memory_space<hbm>>
      %dma_wait3A_78 = arith.constant 0 : i32
      %dma_wait3A_79 = arith.constant 0 : i32
      %dma_wait3A_80 = tpu.memref_slice %arg9[%dma_wait3A_78, %dma_wait3A_79] : memref<256x128xf32, #tpu.memory_space<vmem>> -> memref<128x128xf32, #tpu.memory_space<vmem>>
      %dma_wait3A_81 = arith.constant 0 : i32
      %dma_wait3A_82 = arith.constant 0 : i32
      %dma_wait3A_83 = tpu.memref_slice %arg2[%dma_wait3A_81, %dma_wait3A_82] : memref<40000x128xf32, #tpu.memory_space<hbm>> -> memref<128x128xf32, #tpu.memory_space<hbm>>
      tpu.wait_dma2 semaphore(%arg11 : memref<!tpu.dma_semaphore, #tpu.memory_space<semaphore_mem>>) src(%dma_wait3A_83 : memref<128x128xf32, #tpu.memory_space<hbm>>) dst(%dma_wait3A_80 : memref<128x128xf32, #tpu.memory_space<vmem>>)
      "tpu.region"() ({
        %run_scoped3A = tpu.sem_alloc : memref<!tpu.dma_semaphore, #tpu.memory_space<semaphore_mem>>
        %dma_start3A_111 = arith.constant 0 : i32
        %dma_start3A_112 = arith.constant 0 : i32
        %dma_start3A_113 = tpu.memref_slice %arg9[%dma_start3A_111, %dma_start3A_112] : memref<256x128xf32, #tpu.memory_space<vmem>> -> memref<128x128xf32, #tpu.memory_space<vmem>>
        %dma_start3A_114 = arith.constant 0 : i32
        %dma_start3A_115 = tpu.memref_slice %arg8[%add3A_72, %dma_start3A_114] : memref<40x128xi32, #tpu.memory_space<vmem>> -> memref<1x128xi32, #tpu.memory_space<vmem>>
        %dma_start3A_116 = tpu.memref_squeeze %dma_start3A_115 : memref<1x128xi32, #tpu.memory_space<vmem>> -> memref<128xi32, #tpu.memory_space<vmem>>
        %dma_start3A_117 = arith.constant 0 : i32
        %dma_start3A_118 = arith.constant 0 : i32
        %dma_start3A_119 = tpu.memref_slice %arg10[%dma_start3A_117, %dma_start3A_118] : memref<10112x128xf32, #tpu.memory_space<vmem_shared>> -> memref<10112x128xf32, #tpu.memory_space<vmem_shared>>
        tpu.enqueue_indirect_dma source(%dma_start3A_113 : memref<128x128xf32, #tpu.memory_space<vmem>>) target(%dma_start3A_119 : memref<10112x128xf32, #tpu.memory_space<vmem_shared>>) offsets(%dma_start3A_116 : memref<128xi32, #tpu.memory_space<vmem>>) semaphore(%run_scoped3A : memref<!tpu.dma_semaphore, #tpu.memory_space<semaphore_mem>>) {add = true}
        %dma_wait3A_120 = arith.constant 0 : i32
        %dma_wait3A_121 = arith.constant 0 : i32
        %dma_wait3A_122 = tpu.memref_slice %arg9[%dma_wait3A_120, %dma_wait3A_121] : memref<256x128xf32, #tpu.memory_space<vmem>> -> memref<128x128xf32, #tpu.memory_space<vmem>>
        %dma_wait3A_123 = arith.constant 0 : i32
        %dma_wait3A_124 = tpu.memref_slice %arg8[%add3A_72, %dma_wait3A_123] : memref<40x128xi32, #tpu.memory_space<vmem>> -> memref<1x128xi32, #tpu.memory_space<vmem>>
        %dma_wait3A_125 = tpu.memref_squeeze %dma_wait3A_124 : memref<1x128xi32, #tpu.memory_space<vmem>> -> memref<128xi32, #tpu.memory_space<vmem>>
        %dma_wait3A_126 = arith.constant 0 : i32
        %dma_wait3A_127 = arith.constant 0 : i32
        %dma_wait3A_128 = tpu.memref_slice %arg10[%dma_wait3A_126, %dma_wait3A_127] : memref<10112x128xf32, #tpu.memory_space<vmem_shared>> -> memref<10112x128xf32, #tpu.memory_space<vmem_shared>>
        tpu.wait_indirect_dma semaphore(%run_scoped3A : memref<!tpu.dma_semaphore, #tpu.memory_space<semaphore_mem>>) src(%dma_wait3A_122 : memref<128x128xf32, #tpu.memory_space<vmem>>) dst(%dma_wait3A_128 : memref<10112x128xf32, #tpu.memory_space<vmem_shared>>)
        tpu.yield
      }) : () -> ()
      %add3A_84 = arith.constant 2 : i32
      %add3A_85 = arith.addi %add3A_72, %add3A_84 : i32
      %lt3A = arith.constant 40 : i32
      %lt3A_86 = arith.cmpi slt, %add3A_85, %lt3A : i32
      %convert_element_type3A = arith.extui %lt3A_86 : i1 to i32
      %cond3A = arith.constant 0 : i32
      %cond3A_87 = arith.cmpi ne, %convert_element_type3A, %cond3A : i32
      scf.if %cond3A_87 {
        %add3A_111 = arith.constant 2 : i32
        %add3A_112 = arith.addi %add3A_72, %add3A_111 : i32
        %dma_start3A_113 = arith.constant 0 : i32
        %dma_start3A_114 = arith.constant 0 : i32
        %dma_start3A_115 = tpu.memref_slice %arg9[%dma_start3A_113, %dma_start3A_114] : memref<256x128xf32, #tpu.memory_space<vmem>> -> memref<128x128xf32, #tpu.memory_space<vmem>>
        %dma_start3A_116 = arith.constant 0 : i32
        %dma_start3A_117 = tpu.memref_slice %arg7[%add3A_112, %dma_start3A_116] : memref<40x128xi32, #tpu.memory_space<vmem>> -> memref<1x128xi32, #tpu.memory_space<vmem>>
        %dma_start3A_118 = tpu.memref_squeeze %dma_start3A_117 : memref<1x128xi32, #tpu.memory_space<vmem>> -> memref<128xi32, #tpu.memory_space<vmem>>
        %dma_start3A_119 = arith.constant 0 : i32
        %dma_start3A_120 = arith.constant 0 : i32
        %dma_start3A_121 = tpu.memref_slice %arg2[%dma_start3A_119, %dma_start3A_120] : memref<40000x128xf32, #tpu.memory_space<hbm>> -> memref<40000x128xf32, #tpu.memory_space<hbm>>
        tpu.enqueue_indirect_dma source(%dma_start3A_121 : memref<40000x128xf32, #tpu.memory_space<hbm>>) target(%dma_start3A_115 : memref<128x128xf32, #tpu.memory_space<vmem>>) offsets(%dma_start3A_118 : memref<128xi32, #tpu.memory_space<vmem>>) semaphore(%arg11 : memref<!tpu.dma_semaphore, #tpu.memory_space<semaphore_mem>>)
      } else {
      }
      %mul3A_88 = arith.constant 2 : i32
      %mul3A_89 = arith.muli %scan3A_68, %mul3A_88 : i32
      %add3A_90 = arith.constant 1 : i32
      %add3A_91 = arith.addi %mul3A_89, %add3A_90 : i32
      %dma_wait3A_92 = arith.constant 128 : i32
      %dma_wait3A_93 = arith.constant 0 : i32
      %dma_wait3A_94 = tpu.memref_slice %arg9[%dma_wait3A_92, %dma_wait3A_93] : memref<256x128xf32, #tpu.memory_space<vmem>> -> memref<128x128xf32, #tpu.memory_space<vmem>>
      %dma_wait3A_95 = arith.constant 0 : i32
      %dma_wait3A_96 = arith.constant 0 : i32
      %dma_wait3A_97 = tpu.memref_slice %arg2[%dma_wait3A_95, %dma_wait3A_96] : memref<40000x128xf32, #tpu.memory_space<hbm>> -> memref<128x128xf32, #tpu.memory_space<hbm>>
      %dma_wait3A_98 = arith.constant 128 : i32
      %dma_wait3A_99 = arith.constant 0 : i32
      %dma_wait3A_100 = tpu.memref_slice %arg9[%dma_wait3A_98, %dma_wait3A_99] : memref<256x128xf32, #tpu.memory_space<vmem>> -> memref<128x128xf32, #tpu.memory_space<vmem>>
      %dma_wait3A_101 = arith.constant 0 : i32
      %dma_wait3A_102 = arith.constant 0 : i32
      %dma_wait3A_103 = tpu.memref_slice %arg2[%dma_wait3A_101, %dma_wait3A_102] : memref<40000x128xf32, #tpu.memory_space<hbm>> -> memref<128x128xf32, #tpu.memory_space<hbm>>
      tpu.wait_dma2 semaphore(%arg12 : memref<!tpu.dma_semaphore, #tpu.memory_space<semaphore_mem>>) src(%dma_wait3A_103 : memref<128x128xf32, #tpu.memory_space<hbm>>) dst(%dma_wait3A_100 : memref<128x128xf32, #tpu.memory_space<vmem>>)
      "tpu.region"() ({
        %run_scoped3A = tpu.sem_alloc : memref<!tpu.dma_semaphore, #tpu.memory_space<semaphore_mem>>
        %dma_start3A_111 = arith.constant 128 : i32
        %dma_start3A_112 = arith.constant 0 : i32
        %dma_start3A_113 = tpu.memref_slice %arg9[%dma_start3A_111, %dma_start3A_112] : memref<256x128xf32, #tpu.memory_space<vmem>> -> memref<128x128xf32, #tpu.memory_space<vmem>>
        %dma_start3A_114 = arith.constant 0 : i32
        %dma_start3A_115 = tpu.memref_slice %arg8[%add3A_91, %dma_start3A_114] : memref<40x128xi32, #tpu.memory_space<vmem>> -> memref<1x128xi32, #tpu.memory_space<vmem>>
        %dma_start3A_116 = tpu.memref_squeeze %dma_start3A_115 : memref<1x128xi32, #tpu.memory_space<vmem>> -> memref<128xi32, #tpu.memory_space<vmem>>
        %dma_start3A_117 = arith.constant 0 : i32
        %dma_start3A_118 = arith.constant 0 : i32
        %dma_start3A_119 = tpu.memref_slice %arg10[%dma_start3A_117, %dma_start3A_118] : memref<10112x128xf32, #tpu.memory_space<vmem_shared>> -> memref<10112x128xf32, #tpu.memory_space<vmem_shared>>
        tpu.enqueue_indirect_dma source(%dma_start3A_113 : memref<128x128xf32, #tpu.memory_space<vmem>>) target(%dma_start3A_119 : memref<10112x128xf32, #tpu.memory_space<vmem_shared>>) offsets(%dma_start3A_116 : memref<128xi32, #tpu.memory_space<vmem>>) semaphore(%run_scoped3A : memref<!tpu.dma_semaphore, #tpu.memory_space<semaphore_mem>>) {add = true}
        %dma_wait3A_120 = arith.constant 128 : i32
        %dma_wait3A_121 = arith.constant 0 : i32
        %dma_wait3A_122 = tpu.memref_slice %arg9[%dma_wait3A_120, %dma_wait3A_121] : memref<256x128xf32, #tpu.memory_space<vmem>> -> memref<128x128xf32, #tpu.memory_space<vmem>>
        %dma_wait3A_123 = arith.constant 0 : i32
        %dma_wait3A_124 = tpu.memref_slice %arg8[%add3A_91, %dma_wait3A_123] : memref<40x128xi32, #tpu.memory_space<vmem>> -> memref<1x128xi32, #tpu.memory_space<vmem>>
        %dma_wait3A_125 = tpu.memref_squeeze %dma_wait3A_124 : memref<1x128xi32, #tpu.memory_space<vmem>> -> memref<128xi32, #tpu.memory_space<vmem>>
        %dma_wait3A_126 = arith.constant 0 : i32
        %dma_wait3A_127 = arith.constant 0 : i32
        %dma_wait3A_128 = tpu.memref_slice %arg10[%dma_wait3A_126, %dma_wait3A_127] : memref<10112x128xf32, #tpu.memory_space<vmem_shared>> -> memref<10112x128xf32, #tpu.memory_space<vmem_shared>>
        tpu.wait_indirect_dma semaphore(%run_scoped3A : memref<!tpu.dma_semaphore, #tpu.memory_space<semaphore_mem>>) src(%dma_wait3A_122 : memref<128x128xf32, #tpu.memory_space<vmem>>) dst(%dma_wait3A_128 : memref<10112x128xf32, #tpu.memory_space<vmem_shared>>)
        tpu.yield
      }) : () -> ()
      %add3A_104 = arith.constant 2 : i32
      %add3A_105 = arith.addi %add3A_91, %add3A_104 : i32
      %lt3A_106 = arith.constant 40 : i32
      %lt3A_107 = arith.cmpi slt, %add3A_105, %lt3A_106 : i32
      %convert_element_type3A_108 = arith.extui %lt3A_107 : i1 to i32
      %cond3A_109 = arith.constant 0 : i32
      %cond3A_110 = arith.cmpi ne, %convert_element_type3A_108, %cond3A_109 : i32
      scf.if %cond3A_110 {
        %add3A_111 = arith.constant 2 : i32
        %add3A_112 = arith.addi %add3A_91, %add3A_111 : i32
        %dma_start3A_113 = arith.constant 128 : i32
        %dma_start3A_114 = arith.constant 0 : i32
        %dma_start3A_115 = tpu.memref_slice %arg9[%dma_start3A_113, %dma_start3A_114] : memref<256x128xf32, #tpu.memory_space<vmem>> -> memref<128x128xf32, #tpu.memory_space<vmem>>
        %dma_start3A_116 = arith.constant 0 : i32
        %dma_start3A_117 = tpu.memref_slice %arg7[%add3A_112, %dma_start3A_116] : memref<40x128xi32, #tpu.memory_space<vmem>> -> memref<1x128xi32, #tpu.memory_space<vmem>>
        %dma_start3A_118 = tpu.memref_squeeze %dma_start3A_117 : memref<1x128xi32, #tpu.memory_space<vmem>> -> memref<128xi32, #tpu.memory_space<vmem>>
        %dma_start3A_119 = arith.constant 0 : i32
        %dma_start3A_120 = arith.constant 0 : i32
        %dma_start3A_121 = tpu.memref_slice %arg2[%dma_start3A_119, %dma_start3A_120] : memref<40000x128xf32, #tpu.memory_space<hbm>> -> memref<40000x128xf32, #tpu.memory_space<hbm>>
        tpu.enqueue_indirect_dma source(%dma_start3A_121 : memref<40000x128xf32, #tpu.memory_space<hbm>>) target(%dma_start3A_115 : memref<128x128xf32, #tpu.memory_space<vmem>>) offsets(%dma_start3A_118 : memref<128xi32, #tpu.memory_space<vmem>>) semaphore(%arg12 : memref<!tpu.dma_semaphore, #tpu.memory_space<semaphore_mem>>)
      } else {
      }
    }
    %scan3A_32 = arith.constant 20 : i32
    %mul3A_33 = arith.constant 80 : i32
    %mul3A_34 = arith.muli %add3A, %mul3A_33 : i32
    %add3A_35 = arith.constant 40 : i32
    %add3A_36 = arith.addi %mul3A_34, %add3A_35 : i32
    "tpu.region"() ({
      %run_scoped3A = tpu.sem_alloc : memref<!tpu.dma_semaphore, #tpu.memory_space<semaphore_mem>>
      %dma_start3A_68 = arith.constant 0 : i32
      %dma_start3A_69 = tpu.memref_slice %arg3[%add3A_36, %dma_start3A_68] : memref<2560x128xi32, #tpu.memory_space<hbm>> -> memref<40x128xi32, #tpu.memory_space<hbm>>
      %dma_start3A_70 = arith.constant 0 : i32
      %dma_start3A_71 = tpu.memref_slice %arg3[%add3A_36, %dma_start3A_70] : memref<2560x128xi32, #tpu.memory_space<hbm>> -> memref<40x128xi32, #tpu.memory_space<hbm>>
      tpu.enqueue_dma source(%dma_start3A_71 : memref<40x128xi32, #tpu.memory_space<hbm>>) target(%arg7 : memref<40x128xi32, #tpu.memory_space<vmem>>) target_semaphore(%run_scoped3A : memref<!tpu.dma_semaphore, #tpu.memory_space<semaphore_mem>>)
      %dma_wait3A = arith.constant 0 : i32
      %dma_wait3A_72 = tpu.memref_slice %arg3[%add3A_36, %dma_wait3A] : memref<2560x128xi32, #tpu.memory_space<hbm>> -> memref<40x128xi32, #tpu.memory_space<hbm>>
      %dma_wait3A_73 = arith.constant 0 : i32
      %dma_wait3A_74 = tpu.memref_slice %arg3[%add3A_36, %dma_wait3A_73] : memref<2560x128xi32, #tpu.memory_space<hbm>> -> memref<40x128xi32, #tpu.memory_space<hbm>>
      tpu.wait_dma2 semaphore(%run_scoped3A : memref<!tpu.dma_semaphore, #tpu.memory_space<semaphore_mem>>) src(%dma_wait3A_74 : memref<40x128xi32, #tpu.memory_space<hbm>>) dst(%arg7 : memref<40x128xi32, #tpu.memory_space<vmem>>)
      tpu.yield
    }) : () -> ()
    "tpu.region"() ({
      %run_scoped3A = tpu.sem_alloc : memref<!tpu.dma_semaphore, #tpu.memory_space<semaphore_mem>>
      %dma_start3A_68 = arith.constant 0 : i32
      %dma_start3A_69 = tpu.memref_slice %arg4[%add3A_36, %dma_start3A_68] : memref<2560x128xi32, #tpu.memory_space<hbm>> -> memref<40x128xi32, #tpu.memory_space<hbm>>
      %dma_start3A_70 = arith.constant 0 : i32
      %dma_start3A_71 = tpu.memref_slice %arg4[%add3A_36, %dma_start3A_70] : memref<2560x128xi32, #tpu.memory_space<hbm>> -> memref<40x128xi32, #tpu.memory_space<hbm>>
      tpu.enqueue_dma source(%dma_start3A_71 : memref<40x128xi32, #tpu.memory_space<hbm>>) target(%arg8 : memref<40x128xi32, #tpu.memory_space<vmem>>) target_semaphore(%run_scoped3A : memref<!tpu.dma_semaphore, #tpu.memory_space<semaphore_mem>>)
      %dma_wait3A = arith.constant 0 : i32
      %dma_wait3A_72 = tpu.memref_slice %arg4[%add3A_36, %dma_wait3A] : memref<2560x128xi32, #tpu.memory_space<hbm>> -> memref<40x128xi32, #tpu.memory_space<hbm>>
      %dma_wait3A_73 = arith.constant 0 : i32
      %dma_wait3A_74 = tpu.memref_slice %arg4[%add3A_36, %dma_wait3A_73] : memref<2560x128xi32, #tpu.memory_space<hbm>> -> memref<40x128xi32, #tpu.memory_space<hbm>>
      tpu.wait_dma2 semaphore(%run_scoped3A : memref<!tpu.dma_semaphore, #tpu.memory_space<semaphore_mem>>) src(%dma_wait3A_74 : memref<40x128xi32, #tpu.memory_space<hbm>>) dst(%arg8 : memref<40x128xi32, #tpu.memory_space<vmem>>)
      tpu.yield
    }) : () -> ()
    %dma_start3A_37 = arith.constant 0 : i32
    %dma_start3A_38 = arith.constant 0 : i32
    %dma_start3A_39 = arith.constant 0 : i32
    %dma_start3A_40 = tpu.memref_slice %arg9[%dma_start3A_38, %dma_start3A_39] : memref<256x128xf32, #tpu.memory_space<vmem>> -> memref<128x128xf32, #tpu.memory_space<vmem>>
    %dma_start3A_41 = arith.constant 0 : i32
    %dma_start3A_42 = tpu.memref_slice %arg7[%dma_start3A_37, %dma_start3A_41] : memref<40x128xi32, #tpu.memory_space<vmem>> -> memref<1x128xi32, #tpu.memory_space<vmem>>
    %dma_start3A_43 = tpu.memref_squeeze %dma_start3A_42 : memref<1x128xi32, #tpu.memory_space<vmem>> -> memref<128xi32, #tpu.memory_space<vmem>>
    %dma_start3A_44 = arith.constant 0 : i32
    %dma_start3A_45 = arith.constant 0 : i32
    %dma_start3A_46 = tpu.memref_slice %arg2[%dma_start3A_44, %dma_start3A_45] : memref<40000x128xf32, #tpu.memory_space<hbm>> -> memref<40000x128xf32, #tpu.memory_space<hbm>>
    tpu.enqueue_indirect_dma source(%dma_start3A_46 : memref<40000x128xf32, #tpu.memory_space<hbm>>) target(%dma_start3A_40 : memref<128x128xf32, #tpu.memory_space<vmem>>) offsets(%dma_start3A_43 : memref<128xi32, #tpu.memory_space<vmem>>) semaphore(%arg11 : memref<!tpu.dma_semaphore, #tpu.memory_space<semaphore_mem>>)
    %dma_start3A_47 = arith.constant 1 : i32
    %dma_start3A_48 = arith.constant 128 : i32
    %dma_start3A_49 = arith.constant 0 : i32
    %dma_start3A_50 = tpu.memref_slice %arg9[%dma_start3A_48, %dma_start3A_49] : memref<256x128xf32, #tpu.memory_space<vmem>> -> memref<128x128xf32, #tpu.memory_space<vmem>>
    %dma_start3A_51 = arith.constant 0 : i32
    %dma_start3A_52 = tpu.memref_slice %arg7[%dma_start3A_47, %dma_start3A_51] : memref<40x128xi32, #tpu.memory_space<vmem>> -> memref<1x128xi32, #tpu.memory_space<vmem>>
    %dma_start3A_53 = tpu.memref_squeeze %dma_start3A_52 : memref<1x128xi32, #tpu.memory_space<vmem>> -> memref<128xi32, #tpu.memory_space<vmem>>
    %dma_start3A_54 = arith.constant 0 : i32
    %dma_start3A_55 = arith.constant 0 : i32
    %dma_start3A_56 = tpu.memref_slice %arg2[%dma_start3A_54, %dma_start3A_55] : memref<40000x128xf32, #tpu.memory_space<hbm>> -> memref<40000x128xf32, #tpu.memory_space<hbm>>
    tpu.enqueue_indirect_dma source(%dma_start3A_56 : memref<40000x128xf32, #tpu.memory_space<hbm>>) target(%dma_start3A_50 : memref<128x128xf32, #tpu.memory_space<vmem>>) offsets(%dma_start3A_53 : memref<128xi32, #tpu.memory_space<vmem>>) semaphore(%arg12 : memref<!tpu.dma_semaphore, #tpu.memory_space<semaphore_mem>>)
    %scan3A_57 = arith.constant 0 : i32
    %scan3A_58 = arith.constant 0 : i32
    %scan3A_59 = arith.constant 20 : i32
    %scan3A_60 = arith.addi %scan3A_58, %scan3A_59 : i32
    %scan3A_61 = arith.constant 1 : i32
    scf.for %scan3A_68 = %scan3A_58 to %scan3A_60 step %scan3A_61  : i32 {
      %mul3A_69 = arith.constant 2 : i32
      %mul3A_70 = arith.muli %scan3A_68, %mul3A_69 : i32
      %add3A_71 = arith.constant 0 : i32
      %add3A_72 = arith.addi %mul3A_70, %add3A_71 : i32
      %dma_wait3A = arith.constant 0 : i32
      %dma_wait3A_73 = arith.constant 0 : i32
      %dma_wait3A_74 = tpu.memref_slice %arg9[%dma_wait3A, %dma_wait3A_73] : memref<256x128xf32, #tpu.memory_space<vmem>> -> memref<128x128xf32, #tpu.memory_space<vmem>>
      %dma_wait3A_75 = arith.constant 0 : i32
      %dma_wait3A_76 = arith.constant 0 : i32
      %dma_wait3A_77 = tpu.memref_slice %arg2[%dma_wait3A_75, %dma_wait3A_76] : memref<40000x128xf32, #tpu.memory_space<hbm>> -> memref<128x128xf32, #tpu.memory_space<hbm>>
      %dma_wait3A_78 = arith.constant 0 : i32
      %dma_wait3A_79 = arith.constant 0 : i32
      %dma_wait3A_80 = tpu.memref_slice %arg9[%dma_wait3A_78, %dma_wait3A_79] : memref<256x128xf32, #tpu.memory_space<vmem>> -> memref<128x128xf32, #tpu.memory_space<vmem>>
      %dma_wait3A_81 = arith.constant 0 : i32
      %dma_wait3A_82 = arith.constant 0 : i32
      %dma_wait3A_83 = tpu.memref_slice %arg2[%dma_wait3A_81, %dma_wait3A_82] : memref<40000x128xf32, #tpu.memory_space<hbm>> -> memref<128x128xf32, #tpu.memory_space<hbm>>
      tpu.wait_dma2 semaphore(%arg11 : memref<!tpu.dma_semaphore, #tpu.memory_space<semaphore_mem>>) src(%dma_wait3A_83 : memref<128x128xf32, #tpu.memory_space<hbm>>) dst(%dma_wait3A_80 : memref<128x128xf32, #tpu.memory_space<vmem>>)
      "tpu.region"() ({
        %run_scoped3A = tpu.sem_alloc : memref<!tpu.dma_semaphore, #tpu.memory_space<semaphore_mem>>
        %dma_start3A_111 = arith.constant 0 : i32
        %dma_start3A_112 = arith.constant 0 : i32
        %dma_start3A_113 = tpu.memref_slice %arg9[%dma_start3A_111, %dma_start3A_112] : memref<256x128xf32, #tpu.memory_space<vmem>> -> memref<128x128xf32, #tpu.memory_space<vmem>>
        %dma_start3A_114 = arith.constant 0 : i32
        %dma_start3A_115 = tpu.memref_slice %arg8[%add3A_72, %dma_start3A_114] : memref<40x128xi32, #tpu.memory_space<vmem>> -> memref<1x128xi32, #tpu.memory_space<vmem>>
        %dma_start3A_116 = tpu.memref_squeeze %dma_start3A_115 : memref<1x128xi32, #tpu.memory_space<vmem>> -> memref<128xi32, #tpu.memory_space<vmem>>
        %dma_start3A_117 = arith.constant 0 : i32
        %dma_start3A_118 = arith.constant 0 : i32
        %dma_start3A_119 = tpu.memref_slice %arg10[%dma_start3A_117, %dma_start3A_118] : memref<10112x128xf32, #tpu.memory_space<vmem_shared>> -> memref<10112x128xf32, #tpu.memory_space<vmem_shared>>
        tpu.enqueue_indirect_dma source(%dma_start3A_113 : memref<128x128xf32, #tpu.memory_space<vmem>>) target(%dma_start3A_119 : memref<10112x128xf32, #tpu.memory_space<vmem_shared>>) offsets(%dma_start3A_116 : memref<128xi32, #tpu.memory_space<vmem>>) semaphore(%run_scoped3A : memref<!tpu.dma_semaphore, #tpu.memory_space<semaphore_mem>>) {add = true}
        %dma_wait3A_120 = arith.constant 0 : i32
        %dma_wait3A_121 = arith.constant 0 : i32
        %dma_wait3A_122 = tpu.memref_slice %arg9[%dma_wait3A_120, %dma_wait3A_121] : memref<256x128xf32, #tpu.memory_space<vmem>> -> memref<128x128xf32, #tpu.memory_space<vmem>>
        %dma_wait3A_123 = arith.constant 0 : i32
        %dma_wait3A_124 = tpu.memref_slice %arg8[%add3A_72, %dma_wait3A_123] : memref<40x128xi32, #tpu.memory_space<vmem>> -> memref<1x128xi32, #tpu.memory_space<vmem>>
        %dma_wait3A_125 = tpu.memref_squeeze %dma_wait3A_124 : memref<1x128xi32, #tpu.memory_space<vmem>> -> memref<128xi32, #tpu.memory_space<vmem>>
        %dma_wait3A_126 = arith.constant 0 : i32
        %dma_wait3A_127 = arith.constant 0 : i32
        %dma_wait3A_128 = tpu.memref_slice %arg10[%dma_wait3A_126, %dma_wait3A_127] : memref<10112x128xf32, #tpu.memory_space<vmem_shared>> -> memref<10112x128xf32, #tpu.memory_space<vmem_shared>>
        tpu.wait_indirect_dma semaphore(%run_scoped3A : memref<!tpu.dma_semaphore, #tpu.memory_space<semaphore_mem>>) src(%dma_wait3A_122 : memref<128x128xf32, #tpu.memory_space<vmem>>) dst(%dma_wait3A_128 : memref<10112x128xf32, #tpu.memory_space<vmem_shared>>)
        tpu.yield
      }) : () -> ()
      %add3A_84 = arith.constant 2 : i32
      %add3A_85 = arith.addi %add3A_72, %add3A_84 : i32
      %lt3A = arith.constant 40 : i32
      %lt3A_86 = arith.cmpi slt, %add3A_85, %lt3A : i32
      %convert_element_type3A = arith.extui %lt3A_86 : i1 to i32
      %cond3A = arith.constant 0 : i32
      %cond3A_87 = arith.cmpi ne, %convert_element_type3A, %cond3A : i32
      scf.if %cond3A_87 {
        %add3A_111 = arith.constant 2 : i32
        %add3A_112 = arith.addi %add3A_72, %add3A_111 : i32
        %dma_start3A_113 = arith.constant 0 : i32
        %dma_start3A_114 = arith.constant 0 : i32
        %dma_start3A_115 = tpu.memref_slice %arg9[%dma_start3A_113, %dma_start3A_114] : memref<256x128xf32, #tpu.memory_space<vmem>> -> memref<128x128xf32, #tpu.memory_space<vmem>>
        %dma_start3A_116 = arith.constant 0 : i32
        %dma_start3A_117 = tpu.memref_slice %arg7[%add3A_112, %dma_start3A_116] : memref<40x128xi32, #tpu.memory_space<vmem>> -> memref<1x128xi32, #tpu.memory_space<vmem>>
        %dma_start3A_118 = tpu.memref_squeeze %dma_start3A_117 : memref<1x128xi32, #tpu.memory_space<vmem>> -> memref<128xi32, #tpu.memory_space<vmem>>
        %dma_start3A_119 = arith.constant 0 : i32
        %dma_start3A_120 = arith.constant 0 : i32
        %dma_start3A_121 = tpu.memref_slice %arg2[%dma_start3A_119, %dma_start3A_120] : memref<40000x128xf32, #tpu.memory_space<hbm>> -> memref<40000x128xf32, #tpu.memory_space<hbm>>
        tpu.enqueue_indirect_dma source(%dma_start3A_121 : memref<40000x128xf32, #tpu.memory_space<hbm>>) target(%dma_start3A_115 : memref<128x128xf32, #tpu.memory_space<vmem>>) offsets(%dma_start3A_118 : memref<128xi32, #tpu.memory_space<vmem>>) semaphore(%arg11 : memref<!tpu.dma_semaphore, #tpu.memory_space<semaphore_mem>>)
      } else {
      }
      %mul3A_88 = arith.constant 2 : i32
      %mul3A_89 = arith.muli %scan3A_68, %mul3A_88 : i32
      %add3A_90 = arith.constant 1 : i32
      %add3A_91 = arith.addi %mul3A_89, %add3A_90 : i32
      %dma_wait3A_92 = arith.constant 128 : i32
      %dma_wait3A_93 = arith.constant 0 : i32
      %dma_wait3A_94 = tpu.memref_slice %arg9[%dma_wait3A_92, %dma_wait3A_93] : memref<256x128xf32, #tpu.memory_space<vmem>> -> memref<128x128xf32, #tpu.memory_space<vmem>>
      %dma_wait3A_95 = arith.constant 0 : i32
      %dma_wait3A_96 = arith.constant 0 : i32
      %dma_wait3A_97 = tpu.memref_slice %arg2[%dma_wait3A_95, %dma_wait3A_96] : memref<40000x128xf32, #tpu.memory_space<hbm>> -> memref<128x128xf32, #tpu.memory_space<hbm>>
      %dma_wait3A_98 = arith.constant 128 : i32
      %dma_wait3A_99 = arith.constant 0 : i32
      %dma_wait3A_100 = tpu.memref_slice %arg9[%dma_wait3A_98, %dma_wait3A_99] : memref<256x128xf32, #tpu.memory_space<vmem>> -> memref<128x128xf32, #tpu.memory_space<vmem>>
      %dma_wait3A_101 = arith.constant 0 : i32
      %dma_wait3A_102 = arith.constant 0 : i32
      %dma_wait3A_103 = tpu.memref_slice %arg2[%dma_wait3A_101, %dma_wait3A_102] : memref<40000x128xf32, #tpu.memory_space<hbm>> -> memref<128x128xf32, #tpu.memory_space<hbm>>
      tpu.wait_dma2 semaphore(%arg12 : memref<!tpu.dma_semaphore, #tpu.memory_space<semaphore_mem>>) src(%dma_wait3A_103 : memref<128x128xf32, #tpu.memory_space<hbm>>) dst(%dma_wait3A_100 : memref<128x128xf32, #tpu.memory_space<vmem>>)
      "tpu.region"() ({
        %run_scoped3A = tpu.sem_alloc : memref<!tpu.dma_semaphore, #tpu.memory_space<semaphore_mem>>
        %dma_start3A_111 = arith.constant 128 : i32
        %dma_start3A_112 = arith.constant 0 : i32
        %dma_start3A_113 = tpu.memref_slice %arg9[%dma_start3A_111, %dma_start3A_112] : memref<256x128xf32, #tpu.memory_space<vmem>> -> memref<128x128xf32, #tpu.memory_space<vmem>>
        %dma_start3A_114 = arith.constant 0 : i32
        %dma_start3A_115 = tpu.memref_slice %arg8[%add3A_91, %dma_start3A_114] : memref<40x128xi32, #tpu.memory_space<vmem>> -> memref<1x128xi32, #tpu.memory_space<vmem>>
        %dma_start3A_116 = tpu.memref_squeeze %dma_start3A_115 : memref<1x128xi32, #tpu.memory_space<vmem>> -> memref<128xi32, #tpu.memory_space<vmem>>
        %dma_start3A_117 = arith.constant 0 : i32
        %dma_start3A_118 = arith.constant 0 : i32
        %dma_start3A_119 = tpu.memref_slice %arg10[%dma_start3A_117, %dma_start3A_118] : memref<10112x128xf32, #tpu.memory_space<vmem_shared>> -> memref<10112x128xf32, #tpu.memory_space<vmem_shared>>
        tpu.enqueue_indirect_dma source(%dma_start3A_113 : memref<128x128xf32, #tpu.memory_space<vmem>>) target(%dma_start3A_119 : memref<10112x128xf32, #tpu.memory_space<vmem_shared>>) offsets(%dma_start3A_116 : memref<128xi32, #tpu.memory_space<vmem>>) semaphore(%run_scoped3A : memref<!tpu.dma_semaphore, #tpu.memory_space<semaphore_mem>>) {add = true}
        %dma_wait3A_120 = arith.constant 128 : i32
        %dma_wait3A_121 = arith.constant 0 : i32
        %dma_wait3A_122 = tpu.memref_slice %arg9[%dma_wait3A_120, %dma_wait3A_121] : memref<256x128xf32, #tpu.memory_space<vmem>> -> memref<128x128xf32, #tpu.memory_space<vmem>>
        %dma_wait3A_123 = arith.constant 0 : i32
        %dma_wait3A_124 = tpu.memref_slice %arg8[%add3A_91, %dma_wait3A_123] : memref<40x128xi32, #tpu.memory_space<vmem>> -> memref<1x128xi32, #tpu.memory_space<vmem>>
        %dma_wait3A_125 = tpu.memref_squeeze %dma_wait3A_124 : memref<1x128xi32, #tpu.memory_space<vmem>> -> memref<128xi32, #tpu.memory_space<vmem>>
        %dma_wait3A_126 = arith.constant 0 : i32
        %dma_wait3A_127 = arith.constant 0 : i32
        %dma_wait3A_128 = tpu.memref_slice %arg10[%dma_wait3A_126, %dma_wait3A_127] : memref<10112x128xf32, #tpu.memory_space<vmem_shared>> -> memref<10112x128xf32, #tpu.memory_space<vmem_shared>>
        tpu.wait_indirect_dma semaphore(%run_scoped3A : memref<!tpu.dma_semaphore, #tpu.memory_space<semaphore_mem>>) src(%dma_wait3A_122 : memref<128x128xf32, #tpu.memory_space<vmem>>) dst(%dma_wait3A_128 : memref<10112x128xf32, #tpu.memory_space<vmem_shared>>)
        tpu.yield
      }) : () -> ()
      %add3A_104 = arith.constant 2 : i32
      %add3A_105 = arith.addi %add3A_91, %add3A_104 : i32
      %lt3A_106 = arith.constant 40 : i32
      %lt3A_107 = arith.cmpi slt, %add3A_105, %lt3A_106 : i32
      %convert_element_type3A_108 = arith.extui %lt3A_107 : i1 to i32
      %cond3A_109 = arith.constant 0 : i32
      %cond3A_110 = arith.cmpi ne, %convert_element_type3A_108, %cond3A_109 : i32
      scf.if %cond3A_110 {
        %add3A_111 = arith.constant 2 : i32
        %add3A_112 = arith.addi %add3A_91, %add3A_111 : i32
        %dma_start3A_113 = arith.constant 128 : i32
        %dma_start3A_114 = arith.constant 0 : i32
        %dma_start3A_115 = tpu.memref_slice %arg9[%dma_start3A_113, %dma_start3A_114] : memref<256x128xf32, #tpu.memory_space<vmem>> -> memref<128x128xf32, #tpu.memory_space<vmem>>
        %dma_start3A_116 = arith.constant 0 : i32
        %dma_start3A_117 = tpu.memref_slice %arg7[%add3A_112, %dma_start3A_116] : memref<40x128xi32, #tpu.memory_space<vmem>> -> memref<1x128xi32, #tpu.memory_space<vmem>>
        %dma_start3A_118 = tpu.memref_squeeze %dma_start3A_117 : memref<1x128xi32, #tpu.memory_space<vmem>> -> memref<128xi32, #tpu.memory_space<vmem>>
        %dma_start3A_119 = arith.constant 0 : i32
        %dma_start3A_120 = arith.constant 0 : i32
        %dma_start3A_121 = tpu.memref_slice %arg2[%dma_start3A_119, %dma_start3A_120] : memref<40000x128xf32, #tpu.memory_space<hbm>> -> memref<40000x128xf32, #tpu.memory_space<hbm>>
        tpu.enqueue_indirect_dma source(%dma_start3A_121 : memref<40000x128xf32, #tpu.memory_space<hbm>>) target(%dma_start3A_115 : memref<128x128xf32, #tpu.memory_space<vmem>>) offsets(%dma_start3A_118 : memref<128xi32, #tpu.memory_space<vmem>>) semaphore(%arg12 : memref<!tpu.dma_semaphore, #tpu.memory_space<semaphore_mem>>)
      } else {
      }
    }
    %scan3A_62 = arith.constant 20 : i32
    %barrier3A_63 = arith.constant 0 : index
    tpu.barrier barrier_id(%barrier3A_63)
    %mul3A_64 = arith.constant 632 : i32
    %mul3A_65 = arith.muli %arg1, %mul3A_64 : i32
    %mul3A_66 = arith.constant 632 : i32
    %mul3A_67 = arith.muli %arg1, %mul3A_66 : i32
    "tpu.region"() ({
      %run_scoped3A = tpu.sem_alloc : memref<!tpu.dma_semaphore, #tpu.memory_space<semaphore_mem>>
      %dma_start3A_68 = arith.constant 0 : i32
      %dma_start3A_69 = tpu.memref_slice %arg6[%arg0, %mul3A_67, %dma_start3A_68] : memref<2x10112x128xf32, #tpu.memory_space<hbm>> -> memref<1x632x128xf32, #tpu.memory_space<hbm>>
      %dma_start3A_70 = tpu.memref_squeeze %dma_start3A_69 : memref<1x632x128xf32, #tpu.memory_space<hbm>> -> memref<632x128xf32, #tpu.memory_space<hbm>>
      %dma_start3A_71 = arith.constant 0 : i32
      %dma_start3A_72 = tpu.memref_slice %arg10[%mul3A_65, %dma_start3A_71] : memref<10112x128xf32, #tpu.memory_space<vmem_shared>> -> memref<632x128xf32, #tpu.memory_space<vmem_shared>>
      tpu.enqueue_dma source(%dma_start3A_72 : memref<632x128xf32, #tpu.memory_space<vmem_shared>>) target(%dma_start3A_70 : memref<632x128xf32, #tpu.memory_space<hbm>>) target_semaphore(%run_scoped3A : memref<!tpu.dma_semaphore, #tpu.memory_space<semaphore_mem>>)
      %dma_wait3A = arith.constant 0 : i32
      %dma_wait3A_73 = tpu.memref_slice %arg6[%arg0, %mul3A_67, %dma_wait3A] : memref<2x10112x128xf32, #tpu.memory_space<hbm>> -> memref<1x632x128xf32, #tpu.memory_space<hbm>>
      %dma_wait3A_74 = tpu.memref_squeeze %dma_wait3A_73 : memref<1x632x128xf32, #tpu.memory_space<hbm>> -> memref<632x128xf32, #tpu.memory_space<hbm>>
      %dma_wait3A_75 = arith.constant 0 : i32
      %dma_wait3A_76 = tpu.memref_slice %arg10[%mul3A_65, %dma_wait3A_75] : memref<10112x128xf32, #tpu.memory_space<vmem_shared>> -> memref<632x128xf32, #tpu.memory_space<vmem_shared>>
      tpu.wait_dma2 semaphore(%run_scoped3A : memref<!tpu.dma_semaphore, #tpu.memory_space<semaphore_mem>>) src(%dma_wait3A_76 : memref<632x128xf32, #tpu.memory_space<vmem_shared>>) dst(%dma_wait3A_74 : memref<632x128xf32, #tpu.memory_space<hbm>>)
      tpu.yield
    }) : () -> ()
    return
  }
}

#map = affine_map<(d0, d1) -> (0, 0)>
#map1 = affine_map<(d0, d1) -> (0, 0, 0)>
module attributes {stable_mosaic.version = 14 : i64} {
  func.func @edge_pass(%arg0: i32, %arg1: i32, %arg2: memref<40000x128xf32, #tpu.memory_space<hbm>>, %arg3: memref<2560x128xi32, #tpu.memory_space<hbm>>, %arg4: memref<2560x128xi32, #tpu.memory_space<hbm>>, %arg5: memref<10112x128xf32, #tpu.memory_space<hbm>>, %arg6: memref<2x10112x128xf32, #tpu.memory_space<hbm>>, %arg7: memref<40x128xi32, #tpu.memory_space<vmem>>, %arg8: memref<40x128xi32, #tpu.memory_space<vmem>>, %arg9: memref<256x128xf32, #tpu.memory_space<vmem>>, %arg10: memref<10112x128xf32, #tpu.memory_space<vmem_shared>>, %arg11: memref<!tpu.dma_semaphore, #tpu.memory_space<semaphore_mem>>, %arg12: memref<!tpu.dma_semaphore, #tpu.memory_space<semaphore_mem>>) attributes {dimension_semantics = [#tpu.dimension_semantics<core_parallel>, #tpu.dimension_semantics<subcore_parallel>], iteration_bounds = array<i64: 2, 16>, scalar_prefetch = 0 : i64, scratch_operands = 6 : i64, tpu.core_type = #tpu.core_type<sc_vector_subcore>, window_params = [{transform_indices = #map}, {transform_indices = #map}, {transform_indices = #map}, {transform_indices = #map}, {transform_indices = #map1}]} {
    %mul3A = arith.constant 2 : i32
    %mul3A_0 = arith.muli %arg1, %mul3A : i32
    %add3A = arith.addi %mul3A_0, %arg0 : i32
    %mul3A_1 = arith.constant 632 : i32
    %mul3A_2 = arith.muli %arg1, %mul3A_1 : i32
    %mul3A_3 = arith.constant 632 : i32
    %mul3A_4 = arith.muli %arg1, %mul3A_3 : i32
    "tpu.region"() ({
      %run_scoped3A = tpu.sem_alloc : memref<!tpu.dma_semaphore, #tpu.memory_space<semaphore_mem>>
      %dma_start3A_68 = arith.constant 0 : i32
      %dma_start3A_69 = tpu.memref_slice %arg10[%mul3A_4, %dma_start3A_68] : memref<10112x128xf32, #tpu.memory_space<vmem_shared>> -> memref<632x128xf32, #tpu.memory_space<vmem_shared>>
      %dma_start3A_70 = arith.constant 0 : i32
      %dma_start3A_71 = tpu.memref_slice %arg5[%mul3A_2, %dma_start3A_70] : memref<10112x128xf32, #tpu.memory_space<hbm>> -> memref<632x128xf32, #tpu.memory_space<hbm>>
      tpu.enqueue_dma source(%dma_start3A_71 : memref<632x128xf32, #tpu.memory_space<hbm>>) target(%dma_start3A_69 : memref<632x128xf32, #tpu.memory_space<vmem_shared>>) target_semaphore(%run_scoped3A : memref<!tpu.dma_semaphore, #tpu.memory_space<semaphore_mem>>)
      %dma_wait3A = arith.constant 0 : i32
      %dma_wait3A_72 = tpu.memref_slice %arg10[%mul3A_4, %dma_wait3A] : memref<10112x128xf32, #tpu.memory_space<vmem_shared>> -> memref<632x128xf32, #tpu.memory_space<vmem_shared>>
      %dma_wait3A_73 = arith.constant 0 : i32
      %dma_wait3A_74 = tpu.memref_slice %arg5[%mul3A_2, %dma_wait3A_73] : memref<10112x128xf32, #tpu.memory_space<hbm>> -> memref<632x128xf32, #tpu.memory_space<hbm>>
      tpu.wait_dma2 semaphore(%run_scoped3A : memref<!tpu.dma_semaphore, #tpu.memory_space<semaphore_mem>>) src(%dma_wait3A_74 : memref<632x128xf32, #tpu.memory_space<hbm>>) dst(%dma_wait3A_72 : memref<632x128xf32, #tpu.memory_space<vmem_shared>>)
      tpu.yield
    }) : () -> ()
    %barrier3A = arith.constant 0 : index
    tpu.barrier barrier_id(%barrier3A)
    %mul3A_5 = arith.constant 80 : i32
    %mul3A_6 = arith.muli %add3A, %mul3A_5 : i32
    %add3A_7 = arith.constant 0 : i32
    %add3A_8 = arith.addi %mul3A_6, %add3A_7 : i32
    "tpu.region"() ({
      %run_scoped3A = tpu.sem_alloc : memref<!tpu.dma_semaphore, #tpu.memory_space<semaphore_mem>>
      %dma_start3A_68 = arith.constant 0 : i32
      %dma_start3A_69 = tpu.memref_slice %arg3[%add3A_8, %dma_start3A_68] : memref<2560x128xi32, #tpu.memory_space<hbm>> -> memref<40x128xi32, #tpu.memory_space<hbm>>
      %dma_start3A_70 = arith.constant 0 : i32
      %dma_start3A_71 = tpu.memref_slice %arg3[%add3A_8, %dma_start3A_70] : memref<2560x128xi32, #tpu.memory_space<hbm>> -> memref<40x128xi32, #tpu.memory_space<hbm>>
      tpu.enqueue_dma source(%dma_start3A_71 : memref<40x128xi32, #tpu.memory_space<hbm>>) target(%arg7 : memref<40x128xi32, #tpu.memory_space<vmem>>) target_semaphore(%run_scoped3A : memref<!tpu.dma_semaphore, #tpu.memory_space<semaphore_mem>>)
      %dma_wait3A = arith.constant 0 : i32
      %dma_wait3A_72 = tpu.memref_slice %arg3[%add3A_8, %dma_wait3A] : memref<2560x128xi32, #tpu.memory_space<hbm>> -> memref<40x128xi32, #tpu.memory_space<hbm>>
      %dma_wait3A_73 = arith.constant 0 : i32
      %dma_wait3A_74 = tpu.memref_slice %arg3[%add3A_8, %dma_wait3A_73] : memref<2560x128xi32, #tpu.memory_space<hbm>> -> memref<40x128xi32, #tpu.memory_space<hbm>>
      tpu.wait_dma2 semaphore(%run_scoped3A : memref<!tpu.dma_semaphore, #tpu.memory_space<semaphore_mem>>) src(%dma_wait3A_74 : memref<40x128xi32, #tpu.memory_space<hbm>>) dst(%arg7 : memref<40x128xi32, #tpu.memory_space<vmem>>)
      tpu.yield
    }) : () -> ()
    "tpu.region"() ({
      %run_scoped3A = tpu.sem_alloc : memref<!tpu.dma_semaphore, #tpu.memory_space<semaphore_mem>>
      %dma_start3A_68 = arith.constant 0 : i32
      %dma_start3A_69 = tpu.memref_slice %arg4[%add3A_8, %dma_start3A_68] : memref<2560x128xi32, #tpu.memory_space<hbm>> -> memref<40x128xi32, #tpu.memory_space<hbm>>
      %dma_start3A_70 = arith.constant 0 : i32
      %dma_start3A_71 = tpu.memref_slice %arg4[%add3A_8, %dma_start3A_70] : memref<2560x128xi32, #tpu.memory_space<hbm>> -> memref<40x128xi32, #tpu.memory_space<hbm>>
      tpu.enqueue_dma source(%dma_start3A_71 : memref<40x128xi32, #tpu.memory_space<hbm>>) target(%arg8 : memref<40x128xi32, #tpu.memory_space<vmem>>) target_semaphore(%run_scoped3A : memref<!tpu.dma_semaphore, #tpu.memory_space<semaphore_mem>>)
      %dma_wait3A = arith.constant 0 : i32
      %dma_wait3A_72 = tpu.memref_slice %arg4[%add3A_8, %dma_wait3A] : memref<2560x128xi32, #tpu.memory_space<hbm>> -> memref<40x128xi32, #tpu.memory_space<hbm>>
      %dma_wait3A_73 = arith.constant 0 : i32
      %dma_wait3A_74 = tpu.memref_slice %arg4[%add3A_8, %dma_wait3A_73] : memref<2560x128xi32, #tpu.memory_space<hbm>> -> memref<40x128xi32, #tpu.memory_space<hbm>>
      tpu.wait_dma2 semaphore(%run_scoped3A : memref<!tpu.dma_semaphore, #tpu.memory_space<semaphore_mem>>) src(%dma_wait3A_74 : memref<40x128xi32, #tpu.memory_space<hbm>>) dst(%arg8 : memref<40x128xi32, #tpu.memory_space<vmem>>)
      tpu.yield
    }) : () -> ()
    %dma_start3A = arith.constant 0 : i32
    %dma_start3A_9 = arith.constant 0 : i32
    %dma_start3A_10 = arith.constant 0 : i32
    %dma_start3A_11 = tpu.memref_slice %arg9[%dma_start3A_9, %dma_start3A_10] : memref<256x128xf32, #tpu.memory_space<vmem>> -> memref<128x128xf32, #tpu.memory_space<vmem>>
    %dma_start3A_12 = arith.constant 0 : i32
    %dma_start3A_13 = tpu.memref_slice %arg7[%dma_start3A, %dma_start3A_12] : memref<40x128xi32, #tpu.memory_space<vmem>> -> memref<1x128xi32, #tpu.memory_space<vmem>>
    %dma_start3A_14 = tpu.memref_squeeze %dma_start3A_13 : memref<1x128xi32, #tpu.memory_space<vmem>> -> memref<128xi32, #tpu.memory_space<vmem>>
    %dma_start3A_15 = arith.constant 0 : i32
    %dma_start3A_16 = arith.constant 0 : i32
    %dma_start3A_17 = tpu.memref_slice %arg2[%dma_start3A_15, %dma_start3A_16] : memref<40000x128xf32, #tpu.memory_space<hbm>> -> memref<40000x128xf32, #tpu.memory_space<hbm>>
    tpu.enqueue_indirect_dma source(%dma_start3A_17 : memref<40000x128xf32, #tpu.memory_space<hbm>>) target(%dma_start3A_11 : memref<128x128xf32, #tpu.memory_space<vmem>>) offsets(%dma_start3A_14 : memref<128xi32, #tpu.memory_space<vmem>>) semaphore(%arg11 : memref<!tpu.dma_semaphore, #tpu.memory_space<semaphore_mem>>)
    %dma_start3A_18 = arith.constant 1 : i32
    %dma_start3A_19 = arith.constant 128 : i32
    %dma_start3A_20 = arith.constant 0 : i32
    %dma_start3A_21 = tpu.memref_slice %arg9[%dma_start3A_19, %dma_start3A_20] : memref<256x128xf32, #tpu.memory_space<vmem>> -> memref<128x128xf32, #tpu.memory_space<vmem>>
    %dma_start3A_22 = arith.constant 0 : i32
    %dma_start3A_23 = tpu.memref_slice %arg7[%dma_start3A_18, %dma_start3A_22] : memref<40x128xi32, #tpu.memory_space<vmem>> -> memref<1x128xi32, #tpu.memory_space<vmem>>
    %dma_start3A_24 = tpu.memref_squeeze %dma_start3A_23 : memref<1x128xi32, #tpu.memory_space<vmem>> -> memref<128xi32, #tpu.memory_space<vmem>>
    %dma_start3A_25 = arith.constant 0 : i32
    %dma_start3A_26 = arith.constant 0 : i32
    %dma_start3A_27 = tpu.memref_slice %arg2[%dma_start3A_25, %dma_start3A_26] : memref<40000x128xf32, #tpu.memory_space<hbm>> -> memref<40000x128xf32, #tpu.memory_space<hbm>>
    tpu.enqueue_indirect_dma source(%dma_start3A_27 : memref<40000x128xf32, #tpu.memory_space<hbm>>) target(%dma_start3A_21 : memref<128x128xf32, #tpu.memory_space<vmem>>) offsets(%dma_start3A_24 : memref<128xi32, #tpu.memory_space<vmem>>) semaphore(%arg12 : memref<!tpu.dma_semaphore, #tpu.memory_space<semaphore_mem>>)
    %scan3A = arith.constant 0 : i32
    %scan3A_28 = arith.constant 0 : i32
    %scan3A_29 = arith.constant 20 : i32
    %scan3A_30 = arith.addi %scan3A_28, %scan3A_29 : i32
    %scan3A_31 = arith.constant 1 : i32
    scf.for %scan3A_68 = %scan3A_28 to %scan3A_30 step %scan3A_31  : i32 {
      %mul3A_69 = arith.constant 2 : i32
      %mul3A_70 = arith.muli %scan3A_68, %mul3A_69 : i32
      %add3A_71 = arith.constant 0 : i32
      %add3A_72 = arith.addi %mul3A_70, %add3A_71 : i32
      %dma_wait3A = arith.constant 0 : i32
      %dma_wait3A_73 = arith.constant 0 : i32
      %dma_wait3A_74 = tpu.memref_slice %arg9[%dma_wait3A, %dma_wait3A_73] : memref<256x128xf32, #tpu.memory_space<vmem>> -> memref<128x128xf32, #tpu.memory_space<vmem>>
      %dma_wait3A_75 = arith.constant 0 : i32
      %dma_wait3A_76 = arith.constant 0 : i32
      %dma_wait3A_77 = tpu.memref_slice %arg2[%dma_wait3A_75, %dma_wait3A_76] : memref<40000x128xf32, #tpu.memory_space<hbm>> -> memref<128x128xf32, #tpu.memory_space<hbm>>
      %dma_wait3A_78 = arith.constant 0 : i32
      %dma_wait3A_79 = arith.constant 0 : i32
      %dma_wait3A_80 = tpu.memref_slice %arg9[%dma_wait3A_78, %dma_wait3A_79] : memref<256x128xf32, #tpu.memory_space<vmem>> -> memref<128x128xf32, #tpu.memory_space<vmem>>
      %dma_wait3A_81 = arith.constant 0 : i32
      %dma_wait3A_82 = arith.constant 0 : i32
      %dma_wait3A_83 = tpu.memref_slice %arg2[%dma_wait3A_81, %dma_wait3A_82] : memref<40000x128xf32, #tpu.memory_space<hbm>> -> memref<128x128xf32, #tpu.memory_space<hbm>>
      tpu.wait_dma2 semaphore(%arg11 : memref<!tpu.dma_semaphore, #tpu.memory_space<semaphore_mem>>) src(%dma_wait3A_83 : memref<128x128xf32, #tpu.memory_space<hbm>>) dst(%dma_wait3A_80 : memref<128x128xf32, #tpu.memory_space<vmem>>)
      "tpu.region"() ({
        %run_scoped3A = tpu.sem_alloc : memref<!tpu.dma_semaphore, #tpu.memory_space<semaphore_mem>>
        %dma_start3A_111 = arith.constant 0 : i32
        %dma_start3A_112 = arith.constant 0 : i32
        %dma_start3A_113 = tpu.memref_slice %arg9[%dma_start3A_111, %dma_start3A_112] : memref<256x128xf32, #tpu.memory_space<vmem>> -> memref<128x128xf32, #tpu.memory_space<vmem>>
        %dma_start3A_114 = arith.constant 0 : i32
        %dma_start3A_115 = tpu.memref_slice %arg8[%add3A_72, %dma_start3A_114] : memref<40x128xi32, #tpu.memory_space<vmem>> -> memref<1x128xi32, #tpu.memory_space<vmem>>
        %dma_start3A_116 = tpu.memref_squeeze %dma_start3A_115 : memref<1x128xi32, #tpu.memory_space<vmem>> -> memref<128xi32, #tpu.memory_space<vmem>>
        %dma_start3A_117 = arith.constant 0 : i32
        %dma_start3A_118 = arith.constant 0 : i32
        %dma_start3A_119 = tpu.memref_slice %arg10[%dma_start3A_117, %dma_start3A_118] : memref<10112x128xf32, #tpu.memory_space<vmem_shared>> -> memref<10112x128xf32, #tpu.memory_space<vmem_shared>>
        tpu.enqueue_indirect_dma source(%dma_start3A_113 : memref<128x128xf32, #tpu.memory_space<vmem>>) target(%dma_start3A_119 : memref<10112x128xf32, #tpu.memory_space<vmem_shared>>) offsets(%dma_start3A_116 : memref<128xi32, #tpu.memory_space<vmem>>) semaphore(%run_scoped3A : memref<!tpu.dma_semaphore, #tpu.memory_space<semaphore_mem>>) {add = true}
        %dma_wait3A_120 = arith.constant 0 : i32
        %dma_wait3A_121 = arith.constant 0 : i32
        %dma_wait3A_122 = tpu.memref_slice %arg9[%dma_wait3A_120, %dma_wait3A_121] : memref<256x128xf32, #tpu.memory_space<vmem>> -> memref<128x128xf32, #tpu.memory_space<vmem>>
        %dma_wait3A_123 = arith.constant 0 : i32
        %dma_wait3A_124 = tpu.memref_slice %arg8[%add3A_72, %dma_wait3A_123] : memref<40x128xi32, #tpu.memory_space<vmem>> -> memref<1x128xi32, #tpu.memory_space<vmem>>
        %dma_wait3A_125 = tpu.memref_squeeze %dma_wait3A_124 : memref<1x128xi32, #tpu.memory_space<vmem>> -> memref<128xi32, #tpu.memory_space<vmem>>
        %dma_wait3A_126 = arith.constant 0 : i32
        %dma_wait3A_127 = arith.constant 0 : i32
        %dma_wait3A_128 = tpu.memref_slice %arg10[%dma_wait3A_126, %dma_wait3A_127] : memref<10112x128xf32, #tpu.memory_space<vmem_shared>> -> memref<10112x128xf32, #tpu.memory_space<vmem_shared>>
        tpu.wait_indirect_dma semaphore(%run_scoped3A : memref<!tpu.dma_semaphore, #tpu.memory_space<semaphore_mem>>) src(%dma_wait3A_122 : memref<128x128xf32, #tpu.memory_space<vmem>>) dst(%dma_wait3A_128 : memref<10112x128xf32, #tpu.memory_space<vmem_shared>>)
        tpu.yield
      }) : () -> ()
      %add3A_84 = arith.constant 2 : i32
      %add3A_85 = arith.addi %add3A_72, %add3A_84 : i32
      %lt3A = arith.constant 40 : i32
      %lt3A_86 = arith.cmpi slt, %add3A_85, %lt3A : i32
      %convert_element_type3A = arith.extui %lt3A_86 : i1 to i32
      %cond3A = arith.constant 0 : i32
      %cond3A_87 = arith.cmpi ne, %convert_element_type3A, %cond3A : i32
      scf.if %cond3A_87 {
        %add3A_111 = arith.constant 2 : i32
        %add3A_112 = arith.addi %add3A_72, %add3A_111 : i32
        %dma_start3A_113 = arith.constant 0 : i32
        %dma_start3A_114 = arith.constant 0 : i32
        %dma_start3A_115 = tpu.memref_slice %arg9[%dma_start3A_113, %dma_start3A_114] : memref<256x128xf32, #tpu.memory_space<vmem>> -> memref<128x128xf32, #tpu.memory_space<vmem>>
        %dma_start3A_116 = arith.constant 0 : i32
        %dma_start3A_117 = tpu.memref_slice %arg7[%add3A_112, %dma_start3A_116] : memref<40x128xi32, #tpu.memory_space<vmem>> -> memref<1x128xi32, #tpu.memory_space<vmem>>
        %dma_start3A_118 = tpu.memref_squeeze %dma_start3A_117 : memref<1x128xi32, #tpu.memory_space<vmem>> -> memref<128xi32, #tpu.memory_space<vmem>>
        %dma_start3A_119 = arith.constant 0 : i32
        %dma_start3A_120 = arith.constant 0 : i32
        %dma_start3A_121 = tpu.memref_slice %arg2[%dma_start3A_119, %dma_start3A_120] : memref<40000x128xf32, #tpu.memory_space<hbm>> -> memref<40000x128xf32, #tpu.memory_space<hbm>>
        tpu.enqueue_indirect_dma source(%dma_start3A_121 : memref<40000x128xf32, #tpu.memory_space<hbm>>) target(%dma_start3A_115 : memref<128x128xf32, #tpu.memory_space<vmem>>) offsets(%dma_start3A_118 : memref<128xi32, #tpu.memory_space<vmem>>) semaphore(%arg11 : memref<!tpu.dma_semaphore, #tpu.memory_space<semaphore_mem>>)
      } else {
      }
      %mul3A_88 = arith.constant 2 : i32
      %mul3A_89 = arith.muli %scan3A_68, %mul3A_88 : i32
      %add3A_90 = arith.constant 1 : i32
      %add3A_91 = arith.addi %mul3A_89, %add3A_90 : i32
      %dma_wait3A_92 = arith.constant 128 : i32
      %dma_wait3A_93 = arith.constant 0 : i32
      %dma_wait3A_94 = tpu.memref_slice %arg9[%dma_wait3A_92, %dma_wait3A_93] : memref<256x128xf32, #tpu.memory_space<vmem>> -> memref<128x128xf32, #tpu.memory_space<vmem>>
      %dma_wait3A_95 = arith.constant 0 : i32
      %dma_wait3A_96 = arith.constant 0 : i32
      %dma_wait3A_97 = tpu.memref_slice %arg2[%dma_wait3A_95, %dma_wait3A_96] : memref<40000x128xf32, #tpu.memory_space<hbm>> -> memref<128x128xf32, #tpu.memory_space<hbm>>
      %dma_wait3A_98 = arith.constant 128 : i32
      %dma_wait3A_99 = arith.constant 0 : i32
      %dma_wait3A_100 = tpu.memref_slice %arg9[%dma_wait3A_98, %dma_wait3A_99] : memref<256x128xf32, #tpu.memory_space<vmem>> -> memref<128x128xf32, #tpu.memory_space<vmem>>
      %dma_wait3A_101 = arith.constant 0 : i32
      %dma_wait3A_102 = arith.constant 0 : i32
      %dma_wait3A_103 = tpu.memref_slice %arg2[%dma_wait3A_101, %dma_wait3A_102] : memref<40000x128xf32, #tpu.memory_space<hbm>> -> memref<128x128xf32, #tpu.memory_space<hbm>>
      tpu.wait_dma2 semaphore(%arg12 : memref<!tpu.dma_semaphore, #tpu.memory_space<semaphore_mem>>) src(%dma_wait3A_103 : memref<128x128xf32, #tpu.memory_space<hbm>>) dst(%dma_wait3A_100 : memref<128x128xf32, #tpu.memory_space<vmem>>)
      "tpu.region"() ({
        %run_scoped3A = tpu.sem_alloc : memref<!tpu.dma_semaphore, #tpu.memory_space<semaphore_mem>>
        %dma_start3A_111 = arith.constant 128 : i32
        %dma_start3A_112 = arith.constant 0 : i32
        %dma_start3A_113 = tpu.memref_slice %arg9[%dma_start3A_111, %dma_start3A_112] : memref<256x128xf32, #tpu.memory_space<vmem>> -> memref<128x128xf32, #tpu.memory_space<vmem>>
        %dma_start3A_114 = arith.constant 0 : i32
        %dma_start3A_115 = tpu.memref_slice %arg8[%add3A_91, %dma_start3A_114] : memref<40x128xi32, #tpu.memory_space<vmem>> -> memref<1x128xi32, #tpu.memory_space<vmem>>
        %dma_start3A_116 = tpu.memref_squeeze %dma_start3A_115 : memref<1x128xi32, #tpu.memory_space<vmem>> -> memref<128xi32, #tpu.memory_space<vmem>>
        %dma_start3A_117 = arith.constant 0 : i32
        %dma_start3A_118 = arith.constant 0 : i32
        %dma_start3A_119 = tpu.memref_slice %arg10[%dma_start3A_117, %dma_start3A_118] : memref<10112x128xf32, #tpu.memory_space<vmem_shared>> -> memref<10112x128xf32, #tpu.memory_space<vmem_shared>>
        tpu.enqueue_indirect_dma source(%dma_start3A_113 : memref<128x128xf32, #tpu.memory_space<vmem>>) target(%dma_start3A_119 : memref<10112x128xf32, #tpu.memory_space<vmem_shared>>) offsets(%dma_start3A_116 : memref<128xi32, #tpu.memory_space<vmem>>) semaphore(%run_scoped3A : memref<!tpu.dma_semaphore, #tpu.memory_space<semaphore_mem>>) {add = true}
        %dma_wait3A_120 = arith.constant 128 : i32
        %dma_wait3A_121 = arith.constant 0 : i32
        %dma_wait3A_122 = tpu.memref_slice %arg9[%dma_wait3A_120, %dma_wait3A_121] : memref<256x128xf32, #tpu.memory_space<vmem>> -> memref<128x128xf32, #tpu.memory_space<vmem>>
        %dma_wait3A_123 = arith.constant 0 : i32
        %dma_wait3A_124 = tpu.memref_slice %arg8[%add3A_91, %dma_wait3A_123] : memref<40x128xi32, #tpu.memory_space<vmem>> -> memref<1x128xi32, #tpu.memory_space<vmem>>
        %dma_wait3A_125 = tpu.memref_squeeze %dma_wait3A_124 : memref<1x128xi32, #tpu.memory_space<vmem>> -> memref<128xi32, #tpu.memory_space<vmem>>
        %dma_wait3A_126 = arith.constant 0 : i32
        %dma_wait3A_127 = arith.constant 0 : i32
        %dma_wait3A_128 = tpu.memref_slice %arg10[%dma_wait3A_126, %dma_wait3A_127] : memref<10112x128xf32, #tpu.memory_space<vmem_shared>> -> memref<10112x128xf32, #tpu.memory_space<vmem_shared>>
        tpu.wait_indirect_dma semaphore(%run_scoped3A : memref<!tpu.dma_semaphore, #tpu.memory_space<semaphore_mem>>) src(%dma_wait3A_122 : memref<128x128xf32, #tpu.memory_space<vmem>>) dst(%dma_wait3A_128 : memref<10112x128xf32, #tpu.memory_space<vmem_shared>>)
        tpu.yield
      }) : () -> ()
      %add3A_104 = arith.constant 2 : i32
      %add3A_105 = arith.addi %add3A_91, %add3A_104 : i32
      %lt3A_106 = arith.constant 40 : i32
      %lt3A_107 = arith.cmpi slt, %add3A_105, %lt3A_106 : i32
      %convert_element_type3A_108 = arith.extui %lt3A_107 : i1 to i32
      %cond3A_109 = arith.constant 0 : i32
      %cond3A_110 = arith.cmpi ne, %convert_element_type3A_108, %cond3A_109 : i32
      scf.if %cond3A_110 {
        %add3A_111 = arith.constant 2 : i32
        %add3A_112 = arith.addi %add3A_91, %add3A_111 : i32
        %dma_start3A_113 = arith.constant 128 : i32
        %dma_start3A_114 = arith.constant 0 : i32
        %dma_start3A_115 = tpu.memref_slice %arg9[%dma_start3A_113, %dma_start3A_114] : memref<256x128xf32, #tpu.memory_space<vmem>> -> memref<128x128xf32, #tpu.memory_space<vmem>>
        %dma_start3A_116 = arith.constant 0 : i32
        %dma_start3A_117 = tpu.memref_slice %arg7[%add3A_112, %dma_start3A_116] : memref<40x128xi32, #tpu.memory_space<vmem>> -> memref<1x128xi32, #tpu.memory_space<vmem>>
        %dma_start3A_118 = tpu.memref_squeeze %dma_start3A_117 : memref<1x128xi32, #tpu.memory_space<vmem>> -> memref<128xi32, #tpu.memory_space<vmem>>
        %dma_start3A_119 = arith.constant 0 : i32
        %dma_start3A_120 = arith.constant 0 : i32
        %dma_start3A_121 = tpu.memref_slice %arg2[%dma_start3A_119, %dma_start3A_120] : memref<40000x128xf32, #tpu.memory_space<hbm>> -> memref<40000x128xf32, #tpu.memory_space<hbm>>
        tpu.enqueue_indirect_dma source(%dma_start3A_121 : memref<40000x128xf32, #tpu.memory_space<hbm>>) target(%dma_start3A_115 : memref<128x128xf32, #tpu.memory_space<vmem>>) offsets(%dma_start3A_118 : memref<128xi32, #tpu.memory_space<vmem>>) semaphore(%arg12 : memref<!tpu.dma_semaphore, #tpu.memory_space<semaphore_mem>>)
      } else {
      }
    }
    %scan3A_32 = arith.constant 20 : i32
    %mul3A_33 = arith.constant 80 : i32
    %mul3A_34 = arith.muli %add3A, %mul3A_33 : i32
    %add3A_35 = arith.constant 40 : i32
    %add3A_36 = arith.addi %mul3A_34, %add3A_35 : i32
    "tpu.region"() ({
      %run_scoped3A = tpu.sem_alloc : memref<!tpu.dma_semaphore, #tpu.memory_space<semaphore_mem>>
      %dma_start3A_68 = arith.constant 0 : i32
      %dma_start3A_69 = tpu.memref_slice %arg3[%add3A_36, %dma_start3A_68] : memref<2560x128xi32, #tpu.memory_space<hbm>> -> memref<40x128xi32, #tpu.memory_space<hbm>>
      %dma_start3A_70 = arith.constant 0 : i32
      %dma_start3A_71 = tpu.memref_slice %arg3[%add3A_36, %dma_start3A_70] : memref<2560x128xi32, #tpu.memory_space<hbm>> -> memref<40x128xi32, #tpu.memory_space<hbm>>
      tpu.enqueue_dma source(%dma_start3A_71 : memref<40x128xi32, #tpu.memory_space<hbm>>) target(%arg7 : memref<40x128xi32, #tpu.memory_space<vmem>>) target_semaphore(%run_scoped3A : memref<!tpu.dma_semaphore, #tpu.memory_space<semaphore_mem>>)
      %dma_wait3A = arith.constant 0 : i32
      %dma_wait3A_72 = tpu.memref_slice %arg3[%add3A_36, %dma_wait3A] : memref<2560x128xi32, #tpu.memory_space<hbm>> -> memref<40x128xi32, #tpu.memory_space<hbm>>
      %dma_wait3A_73 = arith.constant 0 : i32
      %dma_wait3A_74 = tpu.memref_slice %arg3[%add3A_36, %dma_wait3A_73] : memref<2560x128xi32, #tpu.memory_space<hbm>> -> memref<40x128xi32, #tpu.memory_space<hbm>>
      tpu.wait_dma2 semaphore(%run_scoped3A : memref<!tpu.dma_semaphore, #tpu.memory_space<semaphore_mem>>) src(%dma_wait3A_74 : memref<40x128xi32, #tpu.memory_space<hbm>>) dst(%arg7 : memref<40x128xi32, #tpu.memory_space<vmem>>)
      tpu.yield
    }) : () -> ()
    "tpu.region"() ({
      %run_scoped3A = tpu.sem_alloc : memref<!tpu.dma_semaphore, #tpu.memory_space<semaphore_mem>>
      %dma_start3A_68 = arith.constant 0 : i32
      %dma_start3A_69 = tpu.memref_slice %arg4[%add3A_36, %dma_start3A_68] : memref<2560x128xi32, #tpu.memory_space<hbm>> -> memref<40x128xi32, #tpu.memory_space<hbm>>
      %dma_start3A_70 = arith.constant 0 : i32
      %dma_start3A_71 = tpu.memref_slice %arg4[%add3A_36, %dma_start3A_70] : memref<2560x128xi32, #tpu.memory_space<hbm>> -> memref<40x128xi32, #tpu.memory_space<hbm>>
      tpu.enqueue_dma source(%dma_start3A_71 : memref<40x128xi32, #tpu.memory_space<hbm>>) target(%arg8 : memref<40x128xi32, #tpu.memory_space<vmem>>) target_semaphore(%run_scoped3A : memref<!tpu.dma_semaphore, #tpu.memory_space<semaphore_mem>>)
      %dma_wait3A = arith.constant 0 : i32
      %dma_wait3A_72 = tpu.memref_slice %arg4[%add3A_36, %dma_wait3A] : memref<2560x128xi32, #tpu.memory_space<hbm>> -> memref<40x128xi32, #tpu.memory_space<hbm>>
      %dma_wait3A_73 = arith.constant 0 : i32
      %dma_wait3A_74 = tpu.memref_slice %arg4[%add3A_36, %dma_wait3A_73] : memref<2560x128xi32, #tpu.memory_space<hbm>> -> memref<40x128xi32, #tpu.memory_space<hbm>>
      tpu.wait_dma2 semaphore(%run_scoped3A : memref<!tpu.dma_semaphore, #tpu.memory_space<semaphore_mem>>) src(%dma_wait3A_74 : memref<40x128xi32, #tpu.memory_space<hbm>>) dst(%arg8 : memref<40x128xi32, #tpu.memory_space<vmem>>)
      tpu.yield
    }) : () -> ()
    %dma_start3A_37 = arith.constant 0 : i32
    %dma_start3A_38 = arith.constant 0 : i32
    %dma_start3A_39 = arith.constant 0 : i32
    %dma_start3A_40 = tpu.memref_slice %arg9[%dma_start3A_38, %dma_start3A_39] : memref<256x128xf32, #tpu.memory_space<vmem>> -> memref<128x128xf32, #tpu.memory_space<vmem>>
    %dma_start3A_41 = arith.constant 0 : i32
    %dma_start3A_42 = tpu.memref_slice %arg7[%dma_start3A_37, %dma_start3A_41] : memref<40x128xi32, #tpu.memory_space<vmem>> -> memref<1x128xi32, #tpu.memory_space<vmem>>
    %dma_start3A_43 = tpu.memref_squeeze %dma_start3A_42 : memref<1x128xi32, #tpu.memory_space<vmem>> -> memref<128xi32, #tpu.memory_space<vmem>>
    %dma_start3A_44 = arith.constant 0 : i32
    %dma_start3A_45 = arith.constant 0 : i32
    %dma_start3A_46 = tpu.memref_slice %arg2[%dma_start3A_44, %dma_start3A_45] : memref<40000x128xf32, #tpu.memory_space<hbm>> -> memref<40000x128xf32, #tpu.memory_space<hbm>>
    tpu.enqueue_indirect_dma source(%dma_start3A_46 : memref<40000x128xf32, #tpu.memory_space<hbm>>) target(%dma_start3A_40 : memref<128x128xf32, #tpu.memory_space<vmem>>) offsets(%dma_start3A_43 : memref<128xi32, #tpu.memory_space<vmem>>) semaphore(%arg11 : memref<!tpu.dma_semaphore, #tpu.memory_space<semaphore_mem>>)
    %dma_start3A_47 = arith.constant 1 : i32
    %dma_start3A_48 = arith.constant 128 : i32
    %dma_start3A_49 = arith.constant 0 : i32
    %dma_start3A_50 = tpu.memref_slice %arg9[%dma_start3A_48, %dma_start3A_49] : memref<256x128xf32, #tpu.memory_space<vmem>> -> memref<128x128xf32, #tpu.memory_space<vmem>>
    %dma_start3A_51 = arith.constant 0 : i32
    %dma_start3A_52 = tpu.memref_slice %arg7[%dma_start3A_47, %dma_start3A_51] : memref<40x128xi32, #tpu.memory_space<vmem>> -> memref<1x128xi32, #tpu.memory_space<vmem>>
    %dma_start3A_53 = tpu.memref_squeeze %dma_start3A_52 : memref<1x128xi32, #tpu.memory_space<vmem>> -> memref<128xi32, #tpu.memory_space<vmem>>
    %dma_start3A_54 = arith.constant 0 : i32
    %dma_start3A_55 = arith.constant 0 : i32
    %dma_start3A_56 = tpu.memref_slice %arg2[%dma_start3A_54, %dma_start3A_55] : memref<40000x128xf32, #tpu.memory_space<hbm>> -> memref<40000x128xf32, #tpu.memory_space<hbm>>
    tpu.enqueue_indirect_dma source(%dma_start3A_56 : memref<40000x128xf32, #tpu.memory_space<hbm>>) target(%dma_start3A_50 : memref<128x128xf32, #tpu.memory_space<vmem>>) offsets(%dma_start3A_53 : memref<128xi32, #tpu.memory_space<vmem>>) semaphore(%arg12 : memref<!tpu.dma_semaphore, #tpu.memory_space<semaphore_mem>>)
    %scan3A_57 = arith.constant 0 : i32
    %scan3A_58 = arith.constant 0 : i32
    %scan3A_59 = arith.constant 20 : i32
    %scan3A_60 = arith.addi %scan3A_58, %scan3A_59 : i32
    %scan3A_61 = arith.constant 1 : i32
    scf.for %scan3A_68 = %scan3A_58 to %scan3A_60 step %scan3A_61  : i32 {
      %mul3A_69 = arith.constant 2 : i32
      %mul3A_70 = arith.muli %scan3A_68, %mul3A_69 : i32
      %add3A_71 = arith.constant 0 : i32
      %add3A_72 = arith.addi %mul3A_70, %add3A_71 : i32
      %dma_wait3A = arith.constant 0 : i32
      %dma_wait3A_73 = arith.constant 0 : i32
      %dma_wait3A_74 = tpu.memref_slice %arg9[%dma_wait3A, %dma_wait3A_73] : memref<256x128xf32, #tpu.memory_space<vmem>> -> memref<128x128xf32, #tpu.memory_space<vmem>>
      %dma_wait3A_75 = arith.constant 0 : i32
      %dma_wait3A_76 = arith.constant 0 : i32
      %dma_wait3A_77 = tpu.memref_slice %arg2[%dma_wait3A_75, %dma_wait3A_76] : memref<40000x128xf32, #tpu.memory_space<hbm>> -> memref<128x128xf32, #tpu.memory_space<hbm>>
      %dma_wait3A_78 = arith.constant 0 : i32
      %dma_wait3A_79 = arith.constant 0 : i32
      %dma_wait3A_80 = tpu.memref_slice %arg9[%dma_wait3A_78, %dma_wait3A_79] : memref<256x128xf32, #tpu.memory_space<vmem>> -> memref<128x128xf32, #tpu.memory_space<vmem>>
      %dma_wait3A_81 = arith.constant 0 : i32
      %dma_wait3A_82 = arith.constant 0 : i32
      %dma_wait3A_83 = tpu.memref_slice %arg2[%dma_wait3A_81, %dma_wait3A_82] : memref<40000x128xf32, #tpu.memory_space<hbm>> -> memref<128x128xf32, #tpu.memory_space<hbm>>
      tpu.wait_dma2 semaphore(%arg11 : memref<!tpu.dma_semaphore, #tpu.memory_space<semaphore_mem>>) src(%dma_wait3A_83 : memref<128x128xf32, #tpu.memory_space<hbm>>) dst(%dma_wait3A_80 : memref<128x128xf32, #tpu.memory_space<vmem>>)
      "tpu.region"() ({
        %run_scoped3A = tpu.sem_alloc : memref<!tpu.dma_semaphore, #tpu.memory_space<semaphore_mem>>
        %dma_start3A_111 = arith.constant 0 : i32
        %dma_start3A_112 = arith.constant 0 : i32
        %dma_start3A_113 = tpu.memref_slice %arg9[%dma_start3A_111, %dma_start3A_112] : memref<256x128xf32, #tpu.memory_space<vmem>> -> memref<128x128xf32, #tpu.memory_space<vmem>>
        %dma_start3A_114 = arith.constant 0 : i32
        %dma_start3A_115 = tpu.memref_slice %arg8[%add3A_72, %dma_start3A_114] : memref<40x128xi32, #tpu.memory_space<vmem>> -> memref<1x128xi32, #tpu.memory_space<vmem>>
        %dma_start3A_116 = tpu.memref_squeeze %dma_start3A_115 : memref<1x128xi32, #tpu.memory_space<vmem>> -> memref<128xi32, #tpu.memory_space<vmem>>
        %dma_start3A_117 = arith.constant 0 : i32
        %dma_start3A_118 = arith.constant 0 : i32
        %dma_start3A_119 = tpu.memref_slice %arg10[%dma_start3A_117, %dma_start3A_118] : memref<10112x128xf32, #tpu.memory_space<vmem_shared>> -> memref<10112x128xf32, #tpu.memory_space<vmem_shared>>
        tpu.enqueue_indirect_dma source(%dma_start3A_113 : memref<128x128xf32, #tpu.memory_space<vmem>>) target(%dma_start3A_119 : memref<10112x128xf32, #tpu.memory_space<vmem_shared>>) offsets(%dma_start3A_116 : memref<128xi32, #tpu.memory_space<vmem>>) semaphore(%run_scoped3A : memref<!tpu.dma_semaphore, #tpu.memory_space<semaphore_mem>>) {add = true}
        %dma_wait3A_120 = arith.constant 0 : i32
        %dma_wait3A_121 = arith.constant 0 : i32
        %dma_wait3A_122 = tpu.memref_slice %arg9[%dma_wait3A_120, %dma_wait3A_121] : memref<256x128xf32, #tpu.memory_space<vmem>> -> memref<128x128xf32, #tpu.memory_space<vmem>>
        %dma_wait3A_123 = arith.constant 0 : i32
        %dma_wait3A_124 = tpu.memref_slice %arg8[%add3A_72, %dma_wait3A_123] : memref<40x128xi32, #tpu.memory_space<vmem>> -> memref<1x128xi32, #tpu.memory_space<vmem>>
        %dma_wait3A_125 = tpu.memref_squeeze %dma_wait3A_124 : memref<1x128xi32, #tpu.memory_space<vmem>> -> memref<128xi32, #tpu.memory_space<vmem>>
        %dma_wait3A_126 = arith.constant 0 : i32
        %dma_wait3A_127 = arith.constant 0 : i32
        %dma_wait3A_128 = tpu.memref_slice %arg10[%dma_wait3A_126, %dma_wait3A_127] : memref<10112x128xf32, #tpu.memory_space<vmem_shared>> -> memref<10112x128xf32, #tpu.memory_space<vmem_shared>>
        tpu.wait_indirect_dma semaphore(%run_scoped3A : memref<!tpu.dma_semaphore, #tpu.memory_space<semaphore_mem>>) src(%dma_wait3A_122 : memref<128x128xf32, #tpu.memory_space<vmem>>) dst(%dma_wait3A_128 : memref<10112x128xf32, #tpu.memory_space<vmem_shared>>)
        tpu.yield
      }) : () -> ()
      %add3A_84 = arith.constant 2 : i32
      %add3A_85 = arith.addi %add3A_72, %add3A_84 : i32
      %lt3A = arith.constant 40 : i32
      %lt3A_86 = arith.cmpi slt, %add3A_85, %lt3A : i32
      %convert_element_type3A = arith.extui %lt3A_86 : i1 to i32
      %cond3A = arith.constant 0 : i32
      %cond3A_87 = arith.cmpi ne, %convert_element_type3A, %cond3A : i32
      scf.if %cond3A_87 {
        %add3A_111 = arith.constant 2 : i32
        %add3A_112 = arith.addi %add3A_72, %add3A_111 : i32
        %dma_start3A_113 = arith.constant 0 : i32
        %dma_start3A_114 = arith.constant 0 : i32
        %dma_start3A_115 = tpu.memref_slice %arg9[%dma_start3A_113, %dma_start3A_114] : memref<256x128xf32, #tpu.memory_space<vmem>> -> memref<128x128xf32, #tpu.memory_space<vmem>>
        %dma_start3A_116 = arith.constant 0 : i32
        %dma_start3A_117 = tpu.memref_slice %arg7[%add3A_112, %dma_start3A_116] : memref<40x128xi32, #tpu.memory_space<vmem>> -> memref<1x128xi32, #tpu.memory_space<vmem>>
        %dma_start3A_118 = tpu.memref_squeeze %dma_start3A_117 : memref<1x128xi32, #tpu.memory_space<vmem>> -> memref<128xi32, #tpu.memory_space<vmem>>
        %dma_start3A_119 = arith.constant 0 : i32
        %dma_start3A_120 = arith.constant 0 : i32
        %dma_start3A_121 = tpu.memref_slice %arg2[%dma_start3A_119, %dma_start3A_120] : memref<40000x128xf32, #tpu.memory_space<hbm>> -> memref<40000x128xf32, #tpu.memory_space<hbm>>
        tpu.enqueue_indirect_dma source(%dma_start3A_121 : memref<40000x128xf32, #tpu.memory_space<hbm>>) target(%dma_start3A_115 : memref<128x128xf32, #tpu.memory_space<vmem>>) offsets(%dma_start3A_118 : memref<128xi32, #tpu.memory_space<vmem>>) semaphore(%arg11 : memref<!tpu.dma_semaphore, #tpu.memory_space<semaphore_mem>>)
      } else {
      }
      %mul3A_88 = arith.constant 2 : i32
      %mul3A_89 = arith.muli %scan3A_68, %mul3A_88 : i32
      %add3A_90 = arith.constant 1 : i32
      %add3A_91 = arith.addi %mul3A_89, %add3A_90 : i32
      %dma_wait3A_92 = arith.constant 128 : i32
      %dma_wait3A_93 = arith.constant 0 : i32
      %dma_wait3A_94 = tpu.memref_slice %arg9[%dma_wait3A_92, %dma_wait3A_93] : memref<256x128xf32, #tpu.memory_space<vmem>> -> memref<128x128xf32, #tpu.memory_space<vmem>>
      %dma_wait3A_95 = arith.constant 0 : i32
      %dma_wait3A_96 = arith.constant 0 : i32
      %dma_wait3A_97 = tpu.memref_slice %arg2[%dma_wait3A_95, %dma_wait3A_96] : memref<40000x128xf32, #tpu.memory_space<hbm>> -> memref<128x128xf32, #tpu.memory_space<hbm>>
      %dma_wait3A_98 = arith.constant 128 : i32
      %dma_wait3A_99 = arith.constant 0 : i32
      %dma_wait3A_100 = tpu.memref_slice %arg9[%dma_wait3A_98, %dma_wait3A_99] : memref<256x128xf32, #tpu.memory_space<vmem>> -> memref<128x128xf32, #tpu.memory_space<vmem>>
      %dma_wait3A_101 = arith.constant 0 : i32
      %dma_wait3A_102 = arith.constant 0 : i32
      %dma_wait3A_103 = tpu.memref_slice %arg2[%dma_wait3A_101, %dma_wait3A_102] : memref<40000x128xf32, #tpu.memory_space<hbm>> -> memref<128x128xf32, #tpu.memory_space<hbm>>
      tpu.wait_dma2 semaphore(%arg12 : memref<!tpu.dma_semaphore, #tpu.memory_space<semaphore_mem>>) src(%dma_wait3A_103 : memref<128x128xf32, #tpu.memory_space<hbm>>) dst(%dma_wait3A_100 : memref<128x128xf32, #tpu.memory_space<vmem>>)
      "tpu.region"() ({
        %run_scoped3A = tpu.sem_alloc : memref<!tpu.dma_semaphore, #tpu.memory_space<semaphore_mem>>
        %dma_start3A_111 = arith.constant 128 : i32
        %dma_start3A_112 = arith.constant 0 : i32
        %dma_start3A_113 = tpu.memref_slice %arg9[%dma_start3A_111, %dma_start3A_112] : memref<256x128xf32, #tpu.memory_space<vmem>> -> memref<128x128xf32, #tpu.memory_space<vmem>>
        %dma_start3A_114 = arith.constant 0 : i32
        %dma_start3A_115 = tpu.memref_slice %arg8[%add3A_91, %dma_start3A_114] : memref<40x128xi32, #tpu.memory_space<vmem>> -> memref<1x128xi32, #tpu.memory_space<vmem>>
        %dma_start3A_116 = tpu.memref_squeeze %dma_start3A_115 : memref<1x128xi32, #tpu.memory_space<vmem>> -> memref<128xi32, #tpu.memory_space<vmem>>
        %dma_start3A_117 = arith.constant 0 : i32
        %dma_start3A_118 = arith.constant 0 : i32
        %dma_start3A_119 = tpu.memref_slice %arg10[%dma_start3A_117, %dma_start3A_118] : memref<10112x128xf32, #tpu.memory_space<vmem_shared>> -> memref<10112x128xf32, #tpu.memory_space<vmem_shared>>
        tpu.enqueue_indirect_dma source(%dma_start3A_113 : memref<128x128xf32, #tpu.memory_space<vmem>>) target(%dma_start3A_119 : memref<10112x128xf32, #tpu.memory_space<vmem_shared>>) offsets(%dma_start3A_116 : memref<128xi32, #tpu.memory_space<vmem>>) semaphore(%run_scoped3A : memref<!tpu.dma_semaphore, #tpu.memory_space<semaphore_mem>>) {add = true}
        %dma_wait3A_120 = arith.constant 128 : i32
        %dma_wait3A_121 = arith.constant 0 : i32
        %dma_wait3A_122 = tpu.memref_slice %arg9[%dma_wait3A_120, %dma_wait3A_121] : memref<256x128xf32, #tpu.memory_space<vmem>> -> memref<128x128xf32, #tpu.memory_space<vmem>>
        %dma_wait3A_123 = arith.constant 0 : i32
        %dma_wait3A_124 = tpu.memref_slice %arg8[%add3A_91, %dma_wait3A_123] : memref<40x128xi32, #tpu.memory_space<vmem>> -> memref<1x128xi32, #tpu.memory_space<vmem>>
        %dma_wait3A_125 = tpu.memref_squeeze %dma_wait3A_124 : memref<1x128xi32, #tpu.memory_space<vmem>> -> memref<128xi32, #tpu.memory_space<vmem>>
        %dma_wait3A_126 = arith.constant 0 : i32
        %dma_wait3A_127 = arith.constant 0 : i32
        %dma_wait3A_128 = tpu.memref_slice %arg10[%dma_wait3A_126, %dma_wait3A_127] : memref<10112x128xf32, #tpu.memory_space<vmem_shared>> -> memref<10112x128xf32, #tpu.memory_space<vmem_shared>>
        tpu.wait_indirect_dma semaphore(%run_scoped3A : memref<!tpu.dma_semaphore, #tpu.memory_space<semaphore_mem>>) src(%dma_wait3A_122 : memref<128x128xf32, #tpu.memory_space<vmem>>) dst(%dma_wait3A_128 : memref<10112x128xf32, #tpu.memory_space<vmem_shared>>)
        tpu.yield
      }) : () -> ()
      %add3A_104 = arith.constant 2 : i32
      %add3A_105 = arith.addi %add3A_91, %add3A_104 : i32
      %lt3A_106 = arith.constant 40 : i32
      %lt3A_107 = arith.cmpi slt, %add3A_105, %lt3A_106 : i32
      %convert_element_type3A_108 = arith.extui %lt3A_107 : i1 to i32
      %cond3A_109 = arith.constant 0 : i32
      %cond3A_110 = arith.cmpi ne, %convert_element_type3A_108, %cond3A_109 : i32
      scf.if %cond3A_110 {
        %add3A_111 = arith.constant 2 : i32
        %add3A_112 = arith.addi %add3A_91, %add3A_111 : i32
        %dma_start3A_113 = arith.constant 128 : i32
        %dma_start3A_114 = arith.constant 0 : i32
        %dma_start3A_115 = tpu.memref_slice %arg9[%dma_start3A_113, %dma_start3A_114] : memref<256x128xf32, #tpu.memory_space<vmem>> -> memref<128x128xf32, #tpu.memory_space<vmem>>
        %dma_start3A_116 = arith.constant 0 : i32
        %dma_start3A_117 = tpu.memref_slice %arg7[%add3A_112, %dma_start3A_116] : memref<40x128xi32, #tpu.memory_space<vmem>> -> memref<1x128xi32, #tpu.memory_space<vmem>>
        %dma_start3A_118 = tpu.memref_squeeze %dma_start3A_117 : memref<1x128xi32, #tpu.memory_space<vmem>> -> memref<128xi32, #tpu.memory_space<vmem>>
        %dma_start3A_119 = arith.constant 0 : i32
        %dma_start3A_120 = arith.constant 0 : i32
        %dma_start3A_121 = tpu.memref_slice %arg2[%dma_start3A_119, %dma_start3A_120] : memref<40000x128xf32, #tpu.memory_space<hbm>> -> memref<40000x128xf32, #tpu.memory_space<hbm>>
        tpu.enqueue_indirect_dma source(%dma_start3A_121 : memref<40000x128xf32, #tpu.memory_space<hbm>>) target(%dma_start3A_115 : memref<128x128xf32, #tpu.memory_space<vmem>>) offsets(%dma_start3A_118 : memref<128xi32, #tpu.memory_space<vmem>>) semaphore(%arg12 : memref<!tpu.dma_semaphore, #tpu.memory_space<semaphore_mem>>)
      } else {
      }
    }
    %scan3A_62 = arith.constant 20 : i32
    %barrier3A_63 = arith.constant 0 : index
    tpu.barrier barrier_id(%barrier3A_63)
    %mul3A_64 = arith.constant 632 : i32
    %mul3A_65 = arith.muli %arg1, %mul3A_64 : i32
    %mul3A_66 = arith.constant 632 : i32
    %mul3A_67 = arith.muli %arg1, %mul3A_66 : i32
    "tpu.region"() ({
      %run_scoped3A = tpu.sem_alloc : memref<!tpu.dma_semaphore, #tpu.memory_space<semaphore_mem>>
      %dma_start3A_68 = arith.constant 0 : i32
      %dma_start3A_69 = tpu.memref_slice %arg6[%arg0, %mul3A_67, %dma_start3A_68] : memref<2x10112x128xf32, #tpu.memory_space<hbm>> -> memref<1x632x128xf32, #tpu.memory_space<hbm>>
      %dma_start3A_70 = tpu.memref_squeeze %dma_start3A_69 : memref<1x632x128xf32, #tpu.memory_space<hbm>> -> memref<632x128xf32, #tpu.memory_space<hbm>>
      %dma_start3A_71 = arith.constant 0 : i32
      %dma_start3A_72 = tpu.memref_slice %arg10[%mul3A_65, %dma_start3A_71] : memref<10112x128xf32, #tpu.memory_space<vmem_shared>> -> memref<632x128xf32, #tpu.memory_space<vmem_shared>>
      tpu.enqueue_dma source(%dma_start3A_72 : memref<632x128xf32, #tpu.memory_space<vmem_shared>>) target(%dma_start3A_70 : memref<632x128xf32, #tpu.memory_space<hbm>>) target_semaphore(%run_scoped3A : memref<!tpu.dma_semaphore, #tpu.memory_space<semaphore_mem>>)
      %dma_wait3A = arith.constant 0 : i32
      %dma_wait3A_73 = tpu.memref_slice %arg6[%arg0, %mul3A_67, %dma_wait3A] : memref<2x10112x128xf32, #tpu.memory_space<hbm>> -> memref<1x632x128xf32, #tpu.memory_space<hbm>>
      %dma_wait3A_74 = tpu.memref_squeeze %dma_wait3A_73 : memref<1x632x128xf32, #tpu.memory_space<hbm>> -> memref<632x128xf32, #tpu.memory_space<hbm>>
      %dma_wait3A_75 = arith.constant 0 : i32
      %dma_wait3A_76 = tpu.memref_slice %arg10[%mul3A_65, %dma_wait3A_75] : memref<10112x128xf32, #tpu.memory_space<vmem_shared>> -> memref<632x128xf32, #tpu.memory_space<vmem_shared>>
      tpu.wait_dma2 semaphore(%run_scoped3A : memref<!tpu.dma_semaphore, #tpu.memory_space<semaphore_mem>>) src(%dma_wait3A_76 : memref<632x128xf32, #tpu.memory_space<vmem_shared>>) dst(%dma_wait3A_74 : memref<632x128xf32, #tpu.memory_space<hbm>>)
      tpu.yield
    }) : () -> ()
    return
  }
}

#map = affine_map<(d0, d1) -> (0, 0)>
#map1 = affine_map<(d0, d1) -> (0, 0, 0)>
module attributes {stable_mosaic.version = 14 : i64} {
  func.func @edge_pass(%arg0: i32, %arg1: i32, %arg2: memref<40000x128xf32, #tpu.memory_space<hbm>>, %arg3: memref<2560x128xi32, #tpu.memory_space<hbm>>, %arg4: memref<2560x128xi32, #tpu.memory_space<hbm>>, %arg5: memref<10112x128xf32, #tpu.memory_space<hbm>>, %arg6: memref<2x10112x128xf32, #tpu.memory_space<hbm>>, %arg7: memref<40x128xi32, #tpu.memory_space<vmem>>, %arg8: memref<40x128xi32, #tpu.memory_space<vmem>>, %arg9: memref<256x128xf32, #tpu.memory_space<vmem>>, %arg10: memref<10112x128xf32, #tpu.memory_space<vmem_shared>>, %arg11: memref<!tpu.dma_semaphore, #tpu.memory_space<semaphore_mem>>, %arg12: memref<!tpu.dma_semaphore, #tpu.memory_space<semaphore_mem>>) attributes {dimension_semantics = [#tpu.dimension_semantics<core_parallel>, #tpu.dimension_semantics<subcore_parallel>], iteration_bounds = array<i64: 2, 16>, scalar_prefetch = 0 : i64, scratch_operands = 6 : i64, tpu.core_type = #tpu.core_type<sc_vector_subcore>, window_params = [{transform_indices = #map}, {transform_indices = #map}, {transform_indices = #map}, {transform_indices = #map}, {transform_indices = #map1}]} {
    %mul3A = arith.constant 2 : i32
    %mul3A_0 = arith.muli %arg1, %mul3A : i32
    %add3A = arith.addi %mul3A_0, %arg0 : i32
    %mul3A_1 = arith.constant 632 : i32
    %mul3A_2 = arith.muli %arg1, %mul3A_1 : i32
    %mul3A_3 = arith.constant 632 : i32
    %mul3A_4 = arith.muli %arg1, %mul3A_3 : i32
    "tpu.region"() ({
      %run_scoped3A = tpu.sem_alloc : memref<!tpu.dma_semaphore, #tpu.memory_space<semaphore_mem>>
      %dma_start3A_68 = arith.constant 0 : i32
      %dma_start3A_69 = tpu.memref_slice %arg10[%mul3A_4, %dma_start3A_68] : memref<10112x128xf32, #tpu.memory_space<vmem_shared>> -> memref<632x128xf32, #tpu.memory_space<vmem_shared>>
      %dma_start3A_70 = arith.constant 0 : i32
      %dma_start3A_71 = tpu.memref_slice %arg5[%mul3A_2, %dma_start3A_70] : memref<10112x128xf32, #tpu.memory_space<hbm>> -> memref<632x128xf32, #tpu.memory_space<hbm>>
      tpu.enqueue_dma source(%dma_start3A_71 : memref<632x128xf32, #tpu.memory_space<hbm>>) target(%dma_start3A_69 : memref<632x128xf32, #tpu.memory_space<vmem_shared>>) target_semaphore(%run_scoped3A : memref<!tpu.dma_semaphore, #tpu.memory_space<semaphore_mem>>)
      %dma_wait3A = arith.constant 0 : i32
      %dma_wait3A_72 = tpu.memref_slice %arg10[%mul3A_4, %dma_wait3A] : memref<10112x128xf32, #tpu.memory_space<vmem_shared>> -> memref<632x128xf32, #tpu.memory_space<vmem_shared>>
      %dma_wait3A_73 = arith.constant 0 : i32
      %dma_wait3A_74 = tpu.memref_slice %arg5[%mul3A_2, %dma_wait3A_73] : memref<10112x128xf32, #tpu.memory_space<hbm>> -> memref<632x128xf32, #tpu.memory_space<hbm>>
      tpu.wait_dma2 semaphore(%run_scoped3A : memref<!tpu.dma_semaphore, #tpu.memory_space<semaphore_mem>>) src(%dma_wait3A_74 : memref<632x128xf32, #tpu.memory_space<hbm>>) dst(%dma_wait3A_72 : memref<632x128xf32, #tpu.memory_space<vmem_shared>>)
      tpu.yield
    }) : () -> ()
    %barrier3A = arith.constant 0 : index
    tpu.barrier barrier_id(%barrier3A)
    %mul3A_5 = arith.constant 80 : i32
    %mul3A_6 = arith.muli %add3A, %mul3A_5 : i32
    %add3A_7 = arith.constant 0 : i32
    %add3A_8 = arith.addi %mul3A_6, %add3A_7 : i32
    "tpu.region"() ({
      %run_scoped3A = tpu.sem_alloc : memref<!tpu.dma_semaphore, #tpu.memory_space<semaphore_mem>>
      %dma_start3A_68 = arith.constant 0 : i32
      %dma_start3A_69 = tpu.memref_slice %arg3[%add3A_8, %dma_start3A_68] : memref<2560x128xi32, #tpu.memory_space<hbm>> -> memref<40x128xi32, #tpu.memory_space<hbm>>
      %dma_start3A_70 = arith.constant 0 : i32
      %dma_start3A_71 = tpu.memref_slice %arg3[%add3A_8, %dma_start3A_70] : memref<2560x128xi32, #tpu.memory_space<hbm>> -> memref<40x128xi32, #tpu.memory_space<hbm>>
      tpu.enqueue_dma source(%dma_start3A_71 : memref<40x128xi32, #tpu.memory_space<hbm>>) target(%arg7 : memref<40x128xi32, #tpu.memory_space<vmem>>) target_semaphore(%run_scoped3A : memref<!tpu.dma_semaphore, #tpu.memory_space<semaphore_mem>>)
      %dma_wait3A = arith.constant 0 : i32
      %dma_wait3A_72 = tpu.memref_slice %arg3[%add3A_8, %dma_wait3A] : memref<2560x128xi32, #tpu.memory_space<hbm>> -> memref<40x128xi32, #tpu.memory_space<hbm>>
      %dma_wait3A_73 = arith.constant 0 : i32
      %dma_wait3A_74 = tpu.memref_slice %arg3[%add3A_8, %dma_wait3A_73] : memref<2560x128xi32, #tpu.memory_space<hbm>> -> memref<40x128xi32, #tpu.memory_space<hbm>>
      tpu.wait_dma2 semaphore(%run_scoped3A : memref<!tpu.dma_semaphore, #tpu.memory_space<semaphore_mem>>) src(%dma_wait3A_74 : memref<40x128xi32, #tpu.memory_space<hbm>>) dst(%arg7 : memref<40x128xi32, #tpu.memory_space<vmem>>)
      tpu.yield
    }) : () -> ()
    "tpu.region"() ({
      %run_scoped3A = tpu.sem_alloc : memref<!tpu.dma_semaphore, #tpu.memory_space<semaphore_mem>>
      %dma_start3A_68 = arith.constant 0 : i32
      %dma_start3A_69 = tpu.memref_slice %arg4[%add3A_8, %dma_start3A_68] : memref<2560x128xi32, #tpu.memory_space<hbm>> -> memref<40x128xi32, #tpu.memory_space<hbm>>
      %dma_start3A_70 = arith.constant 0 : i32
      %dma_start3A_71 = tpu.memref_slice %arg4[%add3A_8, %dma_start3A_70] : memref<2560x128xi32, #tpu.memory_space<hbm>> -> memref<40x128xi32, #tpu.memory_space<hbm>>
      tpu.enqueue_dma source(%dma_start3A_71 : memref<40x128xi32, #tpu.memory_space<hbm>>) target(%arg8 : memref<40x128xi32, #tpu.memory_space<vmem>>) target_semaphore(%run_scoped3A : memref<!tpu.dma_semaphore, #tpu.memory_space<semaphore_mem>>)
      %dma_wait3A = arith.constant 0 : i32
      %dma_wait3A_72 = tpu.memref_slice %arg4[%add3A_8, %dma_wait3A] : memref<2560x128xi32, #tpu.memory_space<hbm>> -> memref<40x128xi32, #tpu.memory_space<hbm>>
      %dma_wait3A_73 = arith.constant 0 : i32
      %dma_wait3A_74 = tpu.memref_slice %arg4[%add3A_8, %dma_wait3A_73] : memref<2560x128xi32, #tpu.memory_space<hbm>> -> memref<40x128xi32, #tpu.memory_space<hbm>>
      tpu.wait_dma2 semaphore(%run_scoped3A : memref<!tpu.dma_semaphore, #tpu.memory_space<semaphore_mem>>) src(%dma_wait3A_74 : memref<40x128xi32, #tpu.memory_space<hbm>>) dst(%arg8 : memref<40x128xi32, #tpu.memory_space<vmem>>)
      tpu.yield
    }) : () -> ()
    %dma_start3A = arith.constant 0 : i32
    %dma_start3A_9 = arith.constant 0 : i32
    %dma_start3A_10 = arith.constant 0 : i32
    %dma_start3A_11 = tpu.memref_slice %arg9[%dma_start3A_9, %dma_start3A_10] : memref<256x128xf32, #tpu.memory_space<vmem>> -> memref<128x128xf32, #tpu.memory_space<vmem>>
    %dma_start3A_12 = arith.constant 0 : i32
    %dma_start3A_13 = tpu.memref_slice %arg7[%dma_start3A, %dma_start3A_12] : memref<40x128xi32, #tpu.memory_space<vmem>> -> memref<1x128xi32, #tpu.memory_space<vmem>>
    %dma_start3A_14 = tpu.memref_squeeze %dma_start3A_13 : memref<1x128xi32, #tpu.memory_space<vmem>> -> memref<128xi32, #tpu.memory_space<vmem>>
    %dma_start3A_15 = arith.constant 0 : i32
    %dma_start3A_16 = arith.constant 0 : i32
    %dma_start3A_17 = tpu.memref_slice %arg2[%dma_start3A_15, %dma_start3A_16] : memref<40000x128xf32, #tpu.memory_space<hbm>> -> memref<40000x128xf32, #tpu.memory_space<hbm>>
    tpu.enqueue_indirect_dma source(%dma_start3A_17 : memref<40000x128xf32, #tpu.memory_space<hbm>>) target(%dma_start3A_11 : memref<128x128xf32, #tpu.memory_space<vmem>>) offsets(%dma_start3A_14 : memref<128xi32, #tpu.memory_space<vmem>>) semaphore(%arg11 : memref<!tpu.dma_semaphore, #tpu.memory_space<semaphore_mem>>)
    %dma_start3A_18 = arith.constant 1 : i32
    %dma_start3A_19 = arith.constant 128 : i32
    %dma_start3A_20 = arith.constant 0 : i32
    %dma_start3A_21 = tpu.memref_slice %arg9[%dma_start3A_19, %dma_start3A_20] : memref<256x128xf32, #tpu.memory_space<vmem>> -> memref<128x128xf32, #tpu.memory_space<vmem>>
    %dma_start3A_22 = arith.constant 0 : i32
    %dma_start3A_23 = tpu.memref_slice %arg7[%dma_start3A_18, %dma_start3A_22] : memref<40x128xi32, #tpu.memory_space<vmem>> -> memref<1x128xi32, #tpu.memory_space<vmem>>
    %dma_start3A_24 = tpu.memref_squeeze %dma_start3A_23 : memref<1x128xi32, #tpu.memory_space<vmem>> -> memref<128xi32, #tpu.memory_space<vmem>>
    %dma_start3A_25 = arith.constant 0 : i32
    %dma_start3A_26 = arith.constant 0 : i32
    %dma_start3A_27 = tpu.memref_slice %arg2[%dma_start3A_25, %dma_start3A_26] : memref<40000x128xf32, #tpu.memory_space<hbm>> -> memref<40000x128xf32, #tpu.memory_space<hbm>>
    tpu.enqueue_indirect_dma source(%dma_start3A_27 : memref<40000x128xf32, #tpu.memory_space<hbm>>) target(%dma_start3A_21 : memref<128x128xf32, #tpu.memory_space<vmem>>) offsets(%dma_start3A_24 : memref<128xi32, #tpu.memory_space<vmem>>) semaphore(%arg12 : memref<!tpu.dma_semaphore, #tpu.memory_space<semaphore_mem>>)
    %scan3A = arith.constant 0 : i32
    %scan3A_28 = arith.constant 0 : i32
    %scan3A_29 = arith.constant 20 : i32
    %scan3A_30 = arith.addi %scan3A_28, %scan3A_29 : i32
    %scan3A_31 = arith.constant 1 : i32
    scf.for %scan3A_68 = %scan3A_28 to %scan3A_30 step %scan3A_31  : i32 {
      %mul3A_69 = arith.constant 2 : i32
      %mul3A_70 = arith.muli %scan3A_68, %mul3A_69 : i32
      %add3A_71 = arith.constant 0 : i32
      %add3A_72 = arith.addi %mul3A_70, %add3A_71 : i32
      %dma_wait3A = arith.constant 0 : i32
      %dma_wait3A_73 = arith.constant 0 : i32
      %dma_wait3A_74 = tpu.memref_slice %arg9[%dma_wait3A, %dma_wait3A_73] : memref<256x128xf32, #tpu.memory_space<vmem>> -> memref<128x128xf32, #tpu.memory_space<vmem>>
      %dma_wait3A_75 = arith.constant 0 : i32
      %dma_wait3A_76 = arith.constant 0 : i32
      %dma_wait3A_77 = tpu.memref_slice %arg2[%dma_wait3A_75, %dma_wait3A_76] : memref<40000x128xf32, #tpu.memory_space<hbm>> -> memref<128x128xf32, #tpu.memory_space<hbm>>
      %dma_wait3A_78 = arith.constant 0 : i32
      %dma_wait3A_79 = arith.constant 0 : i32
      %dma_wait3A_80 = tpu.memref_slice %arg9[%dma_wait3A_78, %dma_wait3A_79] : memref<256x128xf32, #tpu.memory_space<vmem>> -> memref<128x128xf32, #tpu.memory_space<vmem>>
      %dma_wait3A_81 = arith.constant 0 : i32
      %dma_wait3A_82 = arith.constant 0 : i32
      %dma_wait3A_83 = tpu.memref_slice %arg2[%dma_wait3A_81, %dma_wait3A_82] : memref<40000x128xf32, #tpu.memory_space<hbm>> -> memref<128x128xf32, #tpu.memory_space<hbm>>
      tpu.wait_dma2 semaphore(%arg11 : memref<!tpu.dma_semaphore, #tpu.memory_space<semaphore_mem>>) src(%dma_wait3A_83 : memref<128x128xf32, #tpu.memory_space<hbm>>) dst(%dma_wait3A_80 : memref<128x128xf32, #tpu.memory_space<vmem>>)
      "tpu.region"() ({
        %run_scoped3A = tpu.sem_alloc : memref<!tpu.dma_semaphore, #tpu.memory_space<semaphore_mem>>
        %dma_start3A_111 = arith.constant 0 : i32
        %dma_start3A_112 = arith.constant 0 : i32
        %dma_start3A_113 = tpu.memref_slice %arg9[%dma_start3A_111, %dma_start3A_112] : memref<256x128xf32, #tpu.memory_space<vmem>> -> memref<128x128xf32, #tpu.memory_space<vmem>>
        %dma_start3A_114 = arith.constant 0 : i32
        %dma_start3A_115 = tpu.memref_slice %arg8[%add3A_72, %dma_start3A_114] : memref<40x128xi32, #tpu.memory_space<vmem>> -> memref<1x128xi32, #tpu.memory_space<vmem>>
        %dma_start3A_116 = tpu.memref_squeeze %dma_start3A_115 : memref<1x128xi32, #tpu.memory_space<vmem>> -> memref<128xi32, #tpu.memory_space<vmem>>
        %dma_start3A_117 = arith.constant 0 : i32
        %dma_start3A_118 = arith.constant 0 : i32
        %dma_start3A_119 = tpu.memref_slice %arg10[%dma_start3A_117, %dma_start3A_118] : memref<10112x128xf32, #tpu.memory_space<vmem_shared>> -> memref<10112x128xf32, #tpu.memory_space<vmem_shared>>
        tpu.enqueue_indirect_dma source(%dma_start3A_113 : memref<128x128xf32, #tpu.memory_space<vmem>>) target(%dma_start3A_119 : memref<10112x128xf32, #tpu.memory_space<vmem_shared>>) offsets(%dma_start3A_116 : memref<128xi32, #tpu.memory_space<vmem>>) semaphore(%run_scoped3A : memref<!tpu.dma_semaphore, #tpu.memory_space<semaphore_mem>>) {add = true}
        %dma_wait3A_120 = arith.constant 0 : i32
        %dma_wait3A_121 = arith.constant 0 : i32
        %dma_wait3A_122 = tpu.memref_slice %arg9[%dma_wait3A_120, %dma_wait3A_121] : memref<256x128xf32, #tpu.memory_space<vmem>> -> memref<128x128xf32, #tpu.memory_space<vmem>>
        %dma_wait3A_123 = arith.constant 0 : i32
        %dma_wait3A_124 = tpu.memref_slice %arg8[%add3A_72, %dma_wait3A_123] : memref<40x128xi32, #tpu.memory_space<vmem>> -> memref<1x128xi32, #tpu.memory_space<vmem>>
        %dma_wait3A_125 = tpu.memref_squeeze %dma_wait3A_124 : memref<1x128xi32, #tpu.memory_space<vmem>> -> memref<128xi32, #tpu.memory_space<vmem>>
        %dma_wait3A_126 = arith.constant 0 : i32
        %dma_wait3A_127 = arith.constant 0 : i32
        %dma_wait3A_128 = tpu.memref_slice %arg10[%dma_wait3A_126, %dma_wait3A_127] : memref<10112x128xf32, #tpu.memory_space<vmem_shared>> -> memref<10112x128xf32, #tpu.memory_space<vmem_shared>>
        tpu.wait_indirect_dma semaphore(%run_scoped3A : memref<!tpu.dma_semaphore, #tpu.memory_space<semaphore_mem>>) src(%dma_wait3A_122 : memref<128x128xf32, #tpu.memory_space<vmem>>) dst(%dma_wait3A_128 : memref<10112x128xf32, #tpu.memory_space<vmem_shared>>)
        tpu.yield
      }) : () -> ()
      %add3A_84 = arith.constant 2 : i32
      %add3A_85 = arith.addi %add3A_72, %add3A_84 : i32
      %lt3A = arith.constant 40 : i32
      %lt3A_86 = arith.cmpi slt, %add3A_85, %lt3A : i32
      %convert_element_type3A = arith.extui %lt3A_86 : i1 to i32
      %cond3A = arith.constant 0 : i32
      %cond3A_87 = arith.cmpi ne, %convert_element_type3A, %cond3A : i32
      scf.if %cond3A_87 {
        %add3A_111 = arith.constant 2 : i32
        %add3A_112 = arith.addi %add3A_72, %add3A_111 : i32
        %dma_start3A_113 = arith.constant 0 : i32
        %dma_start3A_114 = arith.constant 0 : i32
        %dma_start3A_115 = tpu.memref_slice %arg9[%dma_start3A_113, %dma_start3A_114] : memref<256x128xf32, #tpu.memory_space<vmem>> -> memref<128x128xf32, #tpu.memory_space<vmem>>
        %dma_start3A_116 = arith.constant 0 : i32
        %dma_start3A_117 = tpu.memref_slice %arg7[%add3A_112, %dma_start3A_116] : memref<40x128xi32, #tpu.memory_space<vmem>> -> memref<1x128xi32, #tpu.memory_space<vmem>>
        %dma_start3A_118 = tpu.memref_squeeze %dma_start3A_117 : memref<1x128xi32, #tpu.memory_space<vmem>> -> memref<128xi32, #tpu.memory_space<vmem>>
        %dma_start3A_119 = arith.constant 0 : i32
        %dma_start3A_120 = arith.constant 0 : i32
        %dma_start3A_121 = tpu.memref_slice %arg2[%dma_start3A_119, %dma_start3A_120] : memref<40000x128xf32, #tpu.memory_space<hbm>> -> memref<40000x128xf32, #tpu.memory_space<hbm>>
        tpu.enqueue_indirect_dma source(%dma_start3A_121 : memref<40000x128xf32, #tpu.memory_space<hbm>>) target(%dma_start3A_115 : memref<128x128xf32, #tpu.memory_space<vmem>>) offsets(%dma_start3A_118 : memref<128xi32, #tpu.memory_space<vmem>>) semaphore(%arg11 : memref<!tpu.dma_semaphore, #tpu.memory_space<semaphore_mem>>)
      } else {
      }
      %mul3A_88 = arith.constant 2 : i32
      %mul3A_89 = arith.muli %scan3A_68, %mul3A_88 : i32
      %add3A_90 = arith.constant 1 : i32
      %add3A_91 = arith.addi %mul3A_89, %add3A_90 : i32
      %dma_wait3A_92 = arith.constant 128 : i32
      %dma_wait3A_93 = arith.constant 0 : i32
      %dma_wait3A_94 = tpu.memref_slice %arg9[%dma_wait3A_92, %dma_wait3A_93] : memref<256x128xf32, #tpu.memory_space<vmem>> -> memref<128x128xf32, #tpu.memory_space<vmem>>
      %dma_wait3A_95 = arith.constant 0 : i32
      %dma_wait3A_96 = arith.constant 0 : i32
      %dma_wait3A_97 = tpu.memref_slice %arg2[%dma_wait3A_95, %dma_wait3A_96] : memref<40000x128xf32, #tpu.memory_space<hbm>> -> memref<128x128xf32, #tpu.memory_space<hbm>>
      %dma_wait3A_98 = arith.constant 128 : i32
      %dma_wait3A_99 = arith.constant 0 : i32
      %dma_wait3A_100 = tpu.memref_slice %arg9[%dma_wait3A_98, %dma_wait3A_99] : memref<256x128xf32, #tpu.memory_space<vmem>> -> memref<128x128xf32, #tpu.memory_space<vmem>>
      %dma_wait3A_101 = arith.constant 0 : i32
      %dma_wait3A_102 = arith.constant 0 : i32
      %dma_wait3A_103 = tpu.memref_slice %arg2[%dma_wait3A_101, %dma_wait3A_102] : memref<40000x128xf32, #tpu.memory_space<hbm>> -> memref<128x128xf32, #tpu.memory_space<hbm>>
      tpu.wait_dma2 semaphore(%arg12 : memref<!tpu.dma_semaphore, #tpu.memory_space<semaphore_mem>>) src(%dma_wait3A_103 : memref<128x128xf32, #tpu.memory_space<hbm>>) dst(%dma_wait3A_100 : memref<128x128xf32, #tpu.memory_space<vmem>>)
      "tpu.region"() ({
        %run_scoped3A = tpu.sem_alloc : memref<!tpu.dma_semaphore, #tpu.memory_space<semaphore_mem>>
        %dma_start3A_111 = arith.constant 128 : i32
        %dma_start3A_112 = arith.constant 0 : i32
        %dma_start3A_113 = tpu.memref_slice %arg9[%dma_start3A_111, %dma_start3A_112] : memref<256x128xf32, #tpu.memory_space<vmem>> -> memref<128x128xf32, #tpu.memory_space<vmem>>
        %dma_start3A_114 = arith.constant 0 : i32
        %dma_start3A_115 = tpu.memref_slice %arg8[%add3A_91, %dma_start3A_114] : memref<40x128xi32, #tpu.memory_space<vmem>> -> memref<1x128xi32, #tpu.memory_space<vmem>>
        %dma_start3A_116 = tpu.memref_squeeze %dma_start3A_115 : memref<1x128xi32, #tpu.memory_space<vmem>> -> memref<128xi32, #tpu.memory_space<vmem>>
        %dma_start3A_117 = arith.constant 0 : i32
        %dma_start3A_118 = arith.constant 0 : i32
        %dma_start3A_119 = tpu.memref_slice %arg10[%dma_start3A_117, %dma_start3A_118] : memref<10112x128xf32, #tpu.memory_space<vmem_shared>> -> memref<10112x128xf32, #tpu.memory_space<vmem_shared>>
        tpu.enqueue_indirect_dma source(%dma_start3A_113 : memref<128x128xf32, #tpu.memory_space<vmem>>) target(%dma_start3A_119 : memref<10112x128xf32, #tpu.memory_space<vmem_shared>>) offsets(%dma_start3A_116 : memref<128xi32, #tpu.memory_space<vmem>>) semaphore(%run_scoped3A : memref<!tpu.dma_semaphore, #tpu.memory_space<semaphore_mem>>) {add = true}
        %dma_wait3A_120 = arith.constant 128 : i32
        %dma_wait3A_121 = arith.constant 0 : i32
        %dma_wait3A_122 = tpu.memref_slice %arg9[%dma_wait3A_120, %dma_wait3A_121] : memref<256x128xf32, #tpu.memory_space<vmem>> -> memref<128x128xf32, #tpu.memory_space<vmem>>
        %dma_wait3A_123 = arith.constant 0 : i32
        %dma_wait3A_124 = tpu.memref_slice %arg8[%add3A_91, %dma_wait3A_123] : memref<40x128xi32, #tpu.memory_space<vmem>> -> memref<1x128xi32, #tpu.memory_space<vmem>>
        %dma_wait3A_125 = tpu.memref_squeeze %dma_wait3A_124 : memref<1x128xi32, #tpu.memory_space<vmem>> -> memref<128xi32, #tpu.memory_space<vmem>>
        %dma_wait3A_126 = arith.constant 0 : i32
        %dma_wait3A_127 = arith.constant 0 : i32
        %dma_wait3A_128 = tpu.memref_slice %arg10[%dma_wait3A_126, %dma_wait3A_127] : memref<10112x128xf32, #tpu.memory_space<vmem_shared>> -> memref<10112x128xf32, #tpu.memory_space<vmem_shared>>
        tpu.wait_indirect_dma semaphore(%run_scoped3A : memref<!tpu.dma_semaphore, #tpu.memory_space<semaphore_mem>>) src(%dma_wait3A_122 : memref<128x128xf32, #tpu.memory_space<vmem>>) dst(%dma_wait3A_128 : memref<10112x128xf32, #tpu.memory_space<vmem_shared>>)
        tpu.yield
      }) : () -> ()
      %add3A_104 = arith.constant 2 : i32
      %add3A_105 = arith.addi %add3A_91, %add3A_104 : i32
      %lt3A_106 = arith.constant 40 : i32
      %lt3A_107 = arith.cmpi slt, %add3A_105, %lt3A_106 : i32
      %convert_element_type3A_108 = arith.extui %lt3A_107 : i1 to i32
      %cond3A_109 = arith.constant 0 : i32
      %cond3A_110 = arith.cmpi ne, %convert_element_type3A_108, %cond3A_109 : i32
      scf.if %cond3A_110 {
        %add3A_111 = arith.constant 2 : i32
        %add3A_112 = arith.addi %add3A_91, %add3A_111 : i32
        %dma_start3A_113 = arith.constant 128 : i32
        %dma_start3A_114 = arith.constant 0 : i32
        %dma_start3A_115 = tpu.memref_slice %arg9[%dma_start3A_113, %dma_start3A_114] : memref<256x128xf32, #tpu.memory_space<vmem>> -> memref<128x128xf32, #tpu.memory_space<vmem>>
        %dma_start3A_116 = arith.constant 0 : i32
        %dma_start3A_117 = tpu.memref_slice %arg7[%add3A_112, %dma_start3A_116] : memref<40x128xi32, #tpu.memory_space<vmem>> -> memref<1x128xi32, #tpu.memory_space<vmem>>
        %dma_start3A_118 = tpu.memref_squeeze %dma_start3A_117 : memref<1x128xi32, #tpu.memory_space<vmem>> -> memref<128xi32, #tpu.memory_space<vmem>>
        %dma_start3A_119 = arith.constant 0 : i32
        %dma_start3A_120 = arith.constant 0 : i32
        %dma_start3A_121 = tpu.memref_slice %arg2[%dma_start3A_119, %dma_start3A_120] : memref<40000x128xf32, #tpu.memory_space<hbm>> -> memref<40000x128xf32, #tpu.memory_space<hbm>>
        tpu.enqueue_indirect_dma source(%dma_start3A_121 : memref<40000x128xf32, #tpu.memory_space<hbm>>) target(%dma_start3A_115 : memref<128x128xf32, #tpu.memory_space<vmem>>) offsets(%dma_start3A_118 : memref<128xi32, #tpu.memory_space<vmem>>) semaphore(%arg12 : memref<!tpu.dma_semaphore, #tpu.memory_space<semaphore_mem>>)
      } else {
      }
    }
    %scan3A_32 = arith.constant 20 : i32
    %mul3A_33 = arith.constant 80 : i32
    %mul3A_34 = arith.muli %add3A, %mul3A_33 : i32
    %add3A_35 = arith.constant 40 : i32
    %add3A_36 = arith.addi %mul3A_34, %add3A_35 : i32
    "tpu.region"() ({
      %run_scoped3A = tpu.sem_alloc : memref<!tpu.dma_semaphore, #tpu.memory_space<semaphore_mem>>
      %dma_start3A_68 = arith.constant 0 : i32
      %dma_start3A_69 = tpu.memref_slice %arg3[%add3A_36, %dma_start3A_68] : memref<2560x128xi32, #tpu.memory_space<hbm>> -> memref<40x128xi32, #tpu.memory_space<hbm>>
      %dma_start3A_70 = arith.constant 0 : i32
      %dma_start3A_71 = tpu.memref_slice %arg3[%add3A_36, %dma_start3A_70] : memref<2560x128xi32, #tpu.memory_space<hbm>> -> memref<40x128xi32, #tpu.memory_space<hbm>>
      tpu.enqueue_dma source(%dma_start3A_71 : memref<40x128xi32, #tpu.memory_space<hbm>>) target(%arg7 : memref<40x128xi32, #tpu.memory_space<vmem>>) target_semaphore(%run_scoped3A : memref<!tpu.dma_semaphore, #tpu.memory_space<semaphore_mem>>)
      %dma_wait3A = arith.constant 0 : i32
      %dma_wait3A_72 = tpu.memref_slice %arg3[%add3A_36, %dma_wait3A] : memref<2560x128xi32, #tpu.memory_space<hbm>> -> memref<40x128xi32, #tpu.memory_space<hbm>>
      %dma_wait3A_73 = arith.constant 0 : i32
      %dma_wait3A_74 = tpu.memref_slice %arg3[%add3A_36, %dma_wait3A_73] : memref<2560x128xi32, #tpu.memory_space<hbm>> -> memref<40x128xi32, #tpu.memory_space<hbm>>
      tpu.wait_dma2 semaphore(%run_scoped3A : memref<!tpu.dma_semaphore, #tpu.memory_space<semaphore_mem>>) src(%dma_wait3A_74 : memref<40x128xi32, #tpu.memory_space<hbm>>) dst(%arg7 : memref<40x128xi32, #tpu.memory_space<vmem>>)
      tpu.yield
    }) : () -> ()
    "tpu.region"() ({
      %run_scoped3A = tpu.sem_alloc : memref<!tpu.dma_semaphore, #tpu.memory_space<semaphore_mem>>
      %dma_start3A_68 = arith.constant 0 : i32
      %dma_start3A_69 = tpu.memref_slice %arg4[%add3A_36, %dma_start3A_68] : memref<2560x128xi32, #tpu.memory_space<hbm>> -> memref<40x128xi32, #tpu.memory_space<hbm>>
      %dma_start3A_70 = arith.constant 0 : i32
      %dma_start3A_71 = tpu.memref_slice %arg4[%add3A_36, %dma_start3A_70] : memref<2560x128xi32, #tpu.memory_space<hbm>> -> memref<40x128xi32, #tpu.memory_space<hbm>>
      tpu.enqueue_dma source(%dma_start3A_71 : memref<40x128xi32, #tpu.memory_space<hbm>>) target(%arg8 : memref<40x128xi32, #tpu.memory_space<vmem>>) target_semaphore(%run_scoped3A : memref<!tpu.dma_semaphore, #tpu.memory_space<semaphore_mem>>)
      %dma_wait3A = arith.constant 0 : i32
      %dma_wait3A_72 = tpu.memref_slice %arg4[%add3A_36, %dma_wait3A] : memref<2560x128xi32, #tpu.memory_space<hbm>> -> memref<40x128xi32, #tpu.memory_space<hbm>>
      %dma_wait3A_73 = arith.constant 0 : i32
      %dma_wait3A_74 = tpu.memref_slice %arg4[%add3A_36, %dma_wait3A_73] : memref<2560x128xi32, #tpu.memory_space<hbm>> -> memref<40x128xi32, #tpu.memory_space<hbm>>
      tpu.wait_dma2 semaphore(%run_scoped3A : memref<!tpu.dma_semaphore, #tpu.memory_space<semaphore_mem>>) src(%dma_wait3A_74 : memref<40x128xi32, #tpu.memory_space<hbm>>) dst(%arg8 : memref<40x128xi32, #tpu.memory_space<vmem>>)
      tpu.yield
    }) : () -> ()
    %dma_start3A_37 = arith.constant 0 : i32
    %dma_start3A_38 = arith.constant 0 : i32
    %dma_start3A_39 = arith.constant 0 : i32
    %dma_start3A_40 = tpu.memref_slice %arg9[%dma_start3A_38, %dma_start3A_39] : memref<256x128xf32, #tpu.memory_space<vmem>> -> memref<128x128xf32, #tpu.memory_space<vmem>>
    %dma_start3A_41 = arith.constant 0 : i32
    %dma_start3A_42 = tpu.memref_slice %arg7[%dma_start3A_37, %dma_start3A_41] : memref<40x128xi32, #tpu.memory_space<vmem>> -> memref<1x128xi32, #tpu.memory_space<vmem>>
    %dma_start3A_43 = tpu.memref_squeeze %dma_start3A_42 : memref<1x128xi32, #tpu.memory_space<vmem>> -> memref<128xi32, #tpu.memory_space<vmem>>
    %dma_start3A_44 = arith.constant 0 : i32
    %dma_start3A_45 = arith.constant 0 : i32
    %dma_start3A_46 = tpu.memref_slice %arg2[%dma_start3A_44, %dma_start3A_45] : memref<40000x128xf32, #tpu.memory_space<hbm>> -> memref<40000x128xf32, #tpu.memory_space<hbm>>
    tpu.enqueue_indirect_dma source(%dma_start3A_46 : memref<40000x128xf32, #tpu.memory_space<hbm>>) target(%dma_start3A_40 : memref<128x128xf32, #tpu.memory_space<vmem>>) offsets(%dma_start3A_43 : memref<128xi32, #tpu.memory_space<vmem>>) semaphore(%arg11 : memref<!tpu.dma_semaphore, #tpu.memory_space<semaphore_mem>>)
    %dma_start3A_47 = arith.constant 1 : i32
    %dma_start3A_48 = arith.constant 128 : i32
    %dma_start3A_49 = arith.constant 0 : i32
    %dma_start3A_50 = tpu.memref_slice %arg9[%dma_start3A_48, %dma_start3A_49] : memref<256x128xf32, #tpu.memory_space<vmem>> -> memref<128x128xf32, #tpu.memory_space<vmem>>
    %dma_start3A_51 = arith.constant 0 : i32
    %dma_start3A_52 = tpu.memref_slice %arg7[%dma_start3A_47, %dma_start3A_51] : memref<40x128xi32, #tpu.memory_space<vmem>> -> memref<1x128xi32, #tpu.memory_space<vmem>>
    %dma_start3A_53 = tpu.memref_squeeze %dma_start3A_52 : memref<1x128xi32, #tpu.memory_space<vmem>> -> memref<128xi32, #tpu.memory_space<vmem>>
    %dma_start3A_54 = arith.constant 0 : i32
    %dma_start3A_55 = arith.constant 0 : i32
    %dma_start3A_56 = tpu.memref_slice %arg2[%dma_start3A_54, %dma_start3A_55] : memref<40000x128xf32, #tpu.memory_space<hbm>> -> memref<40000x128xf32, #tpu.memory_space<hbm>>
    tpu.enqueue_indirect_dma source(%dma_start3A_56 : memref<40000x128xf32, #tpu.memory_space<hbm>>) target(%dma_start3A_50 : memref<128x128xf32, #tpu.memory_space<vmem>>) offsets(%dma_start3A_53 : memref<128xi32, #tpu.memory_space<vmem>>) semaphore(%arg12 : memref<!tpu.dma_semaphore, #tpu.memory_space<semaphore_mem>>)
    %scan3A_57 = arith.constant 0 : i32
    %scan3A_58 = arith.constant 0 : i32
    %scan3A_59 = arith.constant 20 : i32
    %scan3A_60 = arith.addi %scan3A_58, %scan3A_59 : i32
    %scan3A_61 = arith.constant 1 : i32
    scf.for %scan3A_68 = %scan3A_58 to %scan3A_60 step %scan3A_61  : i32 {
      %mul3A_69 = arith.constant 2 : i32
      %mul3A_70 = arith.muli %scan3A_68, %mul3A_69 : i32
      %add3A_71 = arith.constant 0 : i32
      %add3A_72 = arith.addi %mul3A_70, %add3A_71 : i32
      %dma_wait3A = arith.constant 0 : i32
      %dma_wait3A_73 = arith.constant 0 : i32
      %dma_wait3A_74 = tpu.memref_slice %arg9[%dma_wait3A, %dma_wait3A_73] : memref<256x128xf32, #tpu.memory_space<vmem>> -> memref<128x128xf32, #tpu.memory_space<vmem>>
      %dma_wait3A_75 = arith.constant 0 : i32
      %dma_wait3A_76 = arith.constant 0 : i32
      %dma_wait3A_77 = tpu.memref_slice %arg2[%dma_wait3A_75, %dma_wait3A_76] : memref<40000x128xf32, #tpu.memory_space<hbm>> -> memref<128x128xf32, #tpu.memory_space<hbm>>
      %dma_wait3A_78 = arith.constant 0 : i32
      %dma_wait3A_79 = arith.constant 0 : i32
      %dma_wait3A_80 = tpu.memref_slice %arg9[%dma_wait3A_78, %dma_wait3A_79] : memref<256x128xf32, #tpu.memory_space<vmem>> -> memref<128x128xf32, #tpu.memory_space<vmem>>
      %dma_wait3A_81 = arith.constant 0 : i32
      %dma_wait3A_82 = arith.constant 0 : i32
      %dma_wait3A_83 = tpu.memref_slice %arg2[%dma_wait3A_81, %dma_wait3A_82] : memref<40000x128xf32, #tpu.memory_space<hbm>> -> memref<128x128xf32, #tpu.memory_space<hbm>>
      tpu.wait_dma2 semaphore(%arg11 : memref<!tpu.dma_semaphore, #tpu.memory_space<semaphore_mem>>) src(%dma_wait3A_83 : memref<128x128xf32, #tpu.memory_space<hbm>>) dst(%dma_wait3A_80 : memref<128x128xf32, #tpu.memory_space<vmem>>)
      "tpu.region"() ({
        %run_scoped3A = tpu.sem_alloc : memref<!tpu.dma_semaphore, #tpu.memory_space<semaphore_mem>>
        %dma_start3A_111 = arith.constant 0 : i32
        %dma_start3A_112 = arith.constant 0 : i32
        %dma_start3A_113 = tpu.memref_slice %arg9[%dma_start3A_111, %dma_start3A_112] : memref<256x128xf32, #tpu.memory_space<vmem>> -> memref<128x128xf32, #tpu.memory_space<vmem>>
        %dma_start3A_114 = arith.constant 0 : i32
        %dma_start3A_115 = tpu.memref_slice %arg8[%add3A_72, %dma_start3A_114] : memref<40x128xi32, #tpu.memory_space<vmem>> -> memref<1x128xi32, #tpu.memory_space<vmem>>
        %dma_start3A_116 = tpu.memref_squeeze %dma_start3A_115 : memref<1x128xi32, #tpu.memory_space<vmem>> -> memref<128xi32, #tpu.memory_space<vmem>>
        %dma_start3A_117 = arith.constant 0 : i32
        %dma_start3A_118 = arith.constant 0 : i32
        %dma_start3A_119 = tpu.memref_slice %arg10[%dma_start3A_117, %dma_start3A_118] : memref<10112x128xf32, #tpu.memory_space<vmem_shared>> -> memref<10112x128xf32, #tpu.memory_space<vmem_shared>>
        tpu.enqueue_indirect_dma source(%dma_start3A_113 : memref<128x128xf32, #tpu.memory_space<vmem>>) target(%dma_start3A_119 : memref<10112x128xf32, #tpu.memory_space<vmem_shared>>) offsets(%dma_start3A_116 : memref<128xi32, #tpu.memory_space<vmem>>) semaphore(%run_scoped3A : memref<!tpu.dma_semaphore, #tpu.memory_space<semaphore_mem>>) {add = true}
        %dma_wait3A_120 = arith.constant 0 : i32
        %dma_wait3A_121 = arith.constant 0 : i32
        %dma_wait3A_122 = tpu.memref_slice %arg9[%dma_wait3A_120, %dma_wait3A_121] : memref<256x128xf32, #tpu.memory_space<vmem>> -> memref<128x128xf32, #tpu.memory_space<vmem>>
        %dma_wait3A_123 = arith.constant 0 : i32
        %dma_wait3A_124 = tpu.memref_slice %arg8[%add3A_72, %dma_wait3A_123] : memref<40x128xi32, #tpu.memory_space<vmem>> -> memref<1x128xi32, #tpu.memory_space<vmem>>
        %dma_wait3A_125 = tpu.memref_squeeze %dma_wait3A_124 : memref<1x128xi32, #tpu.memory_space<vmem>> -> memref<128xi32, #tpu.memory_space<vmem>>
        %dma_wait3A_126 = arith.constant 0 : i32
        %dma_wait3A_127 = arith.constant 0 : i32
        %dma_wait3A_128 = tpu.memref_slice %arg10[%dma_wait3A_126, %dma_wait3A_127] : memref<10112x128xf32, #tpu.memory_space<vmem_shared>> -> memref<10112x128xf32, #tpu.memory_space<vmem_shared>>
        tpu.wait_indirect_dma semaphore(%run_scoped3A : memref<!tpu.dma_semaphore, #tpu.memory_space<semaphore_mem>>) src(%dma_wait3A_122 : memref<128x128xf32, #tpu.memory_space<vmem>>) dst(%dma_wait3A_128 : memref<10112x128xf32, #tpu.memory_space<vmem_shared>>)
        tpu.yield
      }) : () -> ()
      %add3A_84 = arith.constant 2 : i32
      %add3A_85 = arith.addi %add3A_72, %add3A_84 : i32
      %lt3A = arith.constant 40 : i32
      %lt3A_86 = arith.cmpi slt, %add3A_85, %lt3A : i32
      %convert_element_type3A = arith.extui %lt3A_86 : i1 to i32
      %cond3A = arith.constant 0 : i32
      %cond3A_87 = arith.cmpi ne, %convert_element_type3A, %cond3A : i32
      scf.if %cond3A_87 {
        %add3A_111 = arith.constant 2 : i32
        %add3A_112 = arith.addi %add3A_72, %add3A_111 : i32
        %dma_start3A_113 = arith.constant 0 : i32
        %dma_start3A_114 = arith.constant 0 : i32
        %dma_start3A_115 = tpu.memref_slice %arg9[%dma_start3A_113, %dma_start3A_114] : memref<256x128xf32, #tpu.memory_space<vmem>> -> memref<128x128xf32, #tpu.memory_space<vmem>>
        %dma_start3A_116 = arith.constant 0 : i32
        %dma_start3A_117 = tpu.memref_slice %arg7[%add3A_112, %dma_start3A_116] : memref<40x128xi32, #tpu.memory_space<vmem>> -> memref<1x128xi32, #tpu.memory_space<vmem>>
        %dma_start3A_118 = tpu.memref_squeeze %dma_start3A_117 : memref<1x128xi32, #tpu.memory_space<vmem>> -> memref<128xi32, #tpu.memory_space<vmem>>
        %dma_start3A_119 = arith.constant 0 : i32
        %dma_start3A_120 = arith.constant 0 : i32
        %dma_start3A_121 = tpu.memref_slice %arg2[%dma_start3A_119, %dma_start3A_120] : memref<40000x128xf32, #tpu.memory_space<hbm>> -> memref<40000x128xf32, #tpu.memory_space<hbm>>
        tpu.enqueue_indirect_dma source(%dma_start3A_121 : memref<40000x128xf32, #tpu.memory_space<hbm>>) target(%dma_start3A_115 : memref<128x128xf32, #tpu.memory_space<vmem>>) offsets(%dma_start3A_118 : memref<128xi32, #tpu.memory_space<vmem>>) semaphore(%arg11 : memref<!tpu.dma_semaphore, #tpu.memory_space<semaphore_mem>>)
      } else {
      }
      %mul3A_88 = arith.constant 2 : i32
      %mul3A_89 = arith.muli %scan3A_68, %mul3A_88 : i32
      %add3A_90 = arith.constant 1 : i32
      %add3A_91 = arith.addi %mul3A_89, %add3A_90 : i32
      %dma_wait3A_92 = arith.constant 128 : i32
      %dma_wait3A_93 = arith.constant 0 : i32
      %dma_wait3A_94 = tpu.memref_slice %arg9[%dma_wait3A_92, %dma_wait3A_93] : memref<256x128xf32, #tpu.memory_space<vmem>> -> memref<128x128xf32, #tpu.memory_space<vmem>>
      %dma_wait3A_95 = arith.constant 0 : i32
      %dma_wait3A_96 = arith.constant 0 : i32
      %dma_wait3A_97 = tpu.memref_slice %arg2[%dma_wait3A_95, %dma_wait3A_96] : memref<40000x128xf32, #tpu.memory_space<hbm>> -> memref<128x128xf32, #tpu.memory_space<hbm>>
      %dma_wait3A_98 = arith.constant 128 : i32
      %dma_wait3A_99 = arith.constant 0 : i32
      %dma_wait3A_100 = tpu.memref_slice %arg9[%dma_wait3A_98, %dma_wait3A_99] : memref<256x128xf32, #tpu.memory_space<vmem>> -> memref<128x128xf32, #tpu.memory_space<vmem>>
      %dma_wait3A_101 = arith.constant 0 : i32
      %dma_wait3A_102 = arith.constant 0 : i32
      %dma_wait3A_103 = tpu.memref_slice %arg2[%dma_wait3A_101, %dma_wait3A_102] : memref<40000x128xf32, #tpu.memory_space<hbm>> -> memref<128x128xf32, #tpu.memory_space<hbm>>
      tpu.wait_dma2 semaphore(%arg12 : memref<!tpu.dma_semaphore, #tpu.memory_space<semaphore_mem>>) src(%dma_wait3A_103 : memref<128x128xf32, #tpu.memory_space<hbm>>) dst(%dma_wait3A_100 : memref<128x128xf32, #tpu.memory_space<vmem>>)
      "tpu.region"() ({
        %run_scoped3A = tpu.sem_alloc : memref<!tpu.dma_semaphore, #tpu.memory_space<semaphore_mem>>
        %dma_start3A_111 = arith.constant 128 : i32
        %dma_start3A_112 = arith.constant 0 : i32
        %dma_start3A_113 = tpu.memref_slice %arg9[%dma_start3A_111, %dma_start3A_112] : memref<256x128xf32, #tpu.memory_space<vmem>> -> memref<128x128xf32, #tpu.memory_space<vmem>>
        %dma_start3A_114 = arith.constant 0 : i32
        %dma_start3A_115 = tpu.memref_slice %arg8[%add3A_91, %dma_start3A_114] : memref<40x128xi32, #tpu.memory_space<vmem>> -> memref<1x128xi32, #tpu.memory_space<vmem>>
        %dma_start3A_116 = tpu.memref_squeeze %dma_start3A_115 : memref<1x128xi32, #tpu.memory_space<vmem>> -> memref<128xi32, #tpu.memory_space<vmem>>
        %dma_start3A_117 = arith.constant 0 : i32
        %dma_start3A_118 = arith.constant 0 : i32
        %dma_start3A_119 = tpu.memref_slice %arg10[%dma_start3A_117, %dma_start3A_118] : memref<10112x128xf32, #tpu.memory_space<vmem_shared>> -> memref<10112x128xf32, #tpu.memory_space<vmem_shared>>
        tpu.enqueue_indirect_dma source(%dma_start3A_113 : memref<128x128xf32, #tpu.memory_space<vmem>>) target(%dma_start3A_119 : memref<10112x128xf32, #tpu.memory_space<vmem_shared>>) offsets(%dma_start3A_116 : memref<128xi32, #tpu.memory_space<vmem>>) semaphore(%run_scoped3A : memref<!tpu.dma_semaphore, #tpu.memory_space<semaphore_mem>>) {add = true}
        %dma_wait3A_120 = arith.constant 128 : i32
        %dma_wait3A_121 = arith.constant 0 : i32
        %dma_wait3A_122 = tpu.memref_slice %arg9[%dma_wait3A_120, %dma_wait3A_121] : memref<256x128xf32, #tpu.memory_space<vmem>> -> memref<128x128xf32, #tpu.memory_space<vmem>>
        %dma_wait3A_123 = arith.constant 0 : i32
        %dma_wait3A_124 = tpu.memref_slice %arg8[%add3A_91, %dma_wait3A_123] : memref<40x128xi32, #tpu.memory_space<vmem>> -> memref<1x128xi32, #tpu.memory_space<vmem>>
        %dma_wait3A_125 = tpu.memref_squeeze %dma_wait3A_124 : memref<1x128xi32, #tpu.memory_space<vmem>> -> memref<128xi32, #tpu.memory_space<vmem>>
        %dma_wait3A_126 = arith.constant 0 : i32
        %dma_wait3A_127 = arith.constant 0 : i32
        %dma_wait3A_128 = tpu.memref_slice %arg10[%dma_wait3A_126, %dma_wait3A_127] : memref<10112x128xf32, #tpu.memory_space<vmem_shared>> -> memref<10112x128xf32, #tpu.memory_space<vmem_shared>>
        tpu.wait_indirect_dma semaphore(%run_scoped3A : memref<!tpu.dma_semaphore, #tpu.memory_space<semaphore_mem>>) src(%dma_wait3A_122 : memref<128x128xf32, #tpu.memory_space<vmem>>) dst(%dma_wait3A_128 : memref<10112x128xf32, #tpu.memory_space<vmem_shared>>)
        tpu.yield
      }) : () -> ()
      %add3A_104 = arith.constant 2 : i32
      %add3A_105 = arith.addi %add3A_91, %add3A_104 : i32
      %lt3A_106 = arith.constant 40 : i32
      %lt3A_107 = arith.cmpi slt, %add3A_105, %lt3A_106 : i32
      %convert_element_type3A_108 = arith.extui %lt3A_107 : i1 to i32
      %cond3A_109 = arith.constant 0 : i32
      %cond3A_110 = arith.cmpi ne, %convert_element_type3A_108, %cond3A_109 : i32
      scf.if %cond3A_110 {
        %add3A_111 = arith.constant 2 : i32
        %add3A_112 = arith.addi %add3A_91, %add3A_111 : i32
        %dma_start3A_113 = arith.constant 128 : i32
        %dma_start3A_114 = arith.constant 0 : i32
        %dma_start3A_115 = tpu.memref_slice %arg9[%dma_start3A_113, %dma_start3A_114] : memref<256x128xf32, #tpu.memory_space<vmem>> -> memref<128x128xf32, #tpu.memory_space<vmem>>
        %dma_start3A_116 = arith.constant 0 : i32
        %dma_start3A_117 = tpu.memref_slice %arg7[%add3A_112, %dma_start3A_116] : memref<40x128xi32, #tpu.memory_space<vmem>> -> memref<1x128xi32, #tpu.memory_space<vmem>>
        %dma_start3A_118 = tpu.memref_squeeze %dma_start3A_117 : memref<1x128xi32, #tpu.memory_space<vmem>> -> memref<128xi32, #tpu.memory_space<vmem>>
        %dma_start3A_119 = arith.constant 0 : i32
        %dma_start3A_120 = arith.constant 0 : i32
        %dma_start3A_121 = tpu.memref_slice %arg2[%dma_start3A_119, %dma_start3A_120] : memref<40000x128xf32, #tpu.memory_space<hbm>> -> memref<40000x128xf32, #tpu.memory_space<hbm>>
        tpu.enqueue_indirect_dma source(%dma_start3A_121 : memref<40000x128xf32, #tpu.memory_space<hbm>>) target(%dma_start3A_115 : memref<128x128xf32, #tpu.memory_space<vmem>>) offsets(%dma_start3A_118 : memref<128xi32, #tpu.memory_space<vmem>>) semaphore(%arg12 : memref<!tpu.dma_semaphore, #tpu.memory_space<semaphore_mem>>)
      } else {
      }
    }
    %scan3A_62 = arith.constant 20 : i32
    %barrier3A_63 = arith.constant 0 : index
    tpu.barrier barrier_id(%barrier3A_63)
    %mul3A_64 = arith.constant 632 : i32
    %mul3A_65 = arith.muli %arg1, %mul3A_64 : i32
    %mul3A_66 = arith.constant 632 : i32
    %mul3A_67 = arith.muli %arg1, %mul3A_66 : i32
    "tpu.region"() ({
      %run_scoped3A = tpu.sem_alloc : memref<!tpu.dma_semaphore, #tpu.memory_space<semaphore_mem>>
      %dma_start3A_68 = arith.constant 0 : i32
      %dma_start3A_69 = tpu.memref_slice %arg6[%arg0, %mul3A_67, %dma_start3A_68] : memref<2x10112x128xf32, #tpu.memory_space<hbm>> -> memref<1x632x128xf32, #tpu.memory_space<hbm>>
      %dma_start3A_70 = tpu.memref_squeeze %dma_start3A_69 : memref<1x632x128xf32, #tpu.memory_space<hbm>> -> memref<632x128xf32, #tpu.memory_space<hbm>>
      %dma_start3A_71 = arith.constant 0 : i32
      %dma_start3A_72 = tpu.memref_slice %arg10[%mul3A_65, %dma_start3A_71] : memref<10112x128xf32, #tpu.memory_space<vmem_shared>> -> memref<632x128xf32, #tpu.memory_space<vmem_shared>>
      tpu.enqueue_dma source(%dma_start3A_72 : memref<632x128xf32, #tpu.memory_space<vmem_shared>>) target(%dma_start3A_70 : memref<632x128xf32, #tpu.memory_space<hbm>>) target_semaphore(%run_scoped3A : memref<!tpu.dma_semaphore, #tpu.memory_space<semaphore_mem>>)
      %dma_wait3A = arith.constant 0 : i32
      %dma_wait3A_73 = tpu.memref_slice %arg6[%arg0, %mul3A_67, %dma_wait3A] : memref<2x10112x128xf32, #tpu.memory_space<hbm>> -> memref<1x632x128xf32, #tpu.memory_space<hbm>>
      %dma_wait3A_74 = tpu.memref_squeeze %dma_wait3A_73 : memref<1x632x128xf32, #tpu.memory_space<hbm>> -> memref<632x128xf32, #tpu.memory_space<hbm>>
      %dma_wait3A_75 = arith.constant 0 : i32
      %dma_wait3A_76 = tpu.memref_slice %arg10[%mul3A_65, %dma_wait3A_75] : memref<10112x128xf32, #tpu.memory_space<vmem_shared>> -> memref<632x128xf32, #tpu.memory_space<vmem_shared>>
      tpu.wait_dma2 semaphore(%run_scoped3A : memref<!tpu.dma_semaphore, #tpu.memory_space<semaphore_mem>>) src(%dma_wait3A_76 : memref<632x128xf32, #tpu.memory_space<vmem_shared>>) dst(%dma_wait3A_74 : memref<632x128xf32, #tpu.memory_space<hbm>>)
      tpu.yield
    }) : () -> ()
    return
  }
}

module attributes {stable_mosaic.version = 14 : i64} {
  func.func @_rel0_body(%arg0: i32, %arg1: memref<1000x128xf32, #tpu.memory_space<vmem>>, %arg2: memref<4x128x128xf32, #tpu.memory_space<vmem>>, %arg3: memref<4x1000x128xf32, #tpu.memory_space<vmem>>) attributes {dimension_semantics = [#tpu.dimension_semantics<arbitrary>], iteration_bounds = array<i64: 10>, scalar_prefetch = 0 : i64, scratch_operands = 0 : i64, tpu.core_type = #tpu.core_type<tc>, window_params = [{transform_indices = @transform_0, window_bounds = array<i64: 1000, 128>}, {pipeline_mode = #tpu.pipeline_mode<synchronous>, transform_indices = @transform_1, window_bounds = array<i64: 4, 128, 128>}, {transform_indices = @transform_2, window_bounds = array<i64: 4, 1000, 128>}]} {
    %get3A = arith.constant 0 : index
    %get3A_0 = arith.constant 0 : index
    %get3A_1 = vector.load %arg1[%get3A, %get3A_0] : memref<1000x128xf32, #tpu.memory_space<vmem>>, vector<1000x128xf32>
    %get3A_2 = arith.constant 0 : index
    %get3A_3 = arith.constant 0 : index
    %get3A_4 = arith.constant 0 : index
    %get3A_5 = vector.load %arg2[%get3A_2, %get3A_3, %get3A_4] : memref<4x128x128xf32, #tpu.memory_space<vmem>>, vector<1x128x128xf32>
    %get3A_6 = vector.shape_cast %get3A_5 : vector<1x128x128xf32> to vector<128x128xf32>
    %dot_general3A = arith.constant dense<0.000000e+00> : vector<1000x128xf32>
    %dot_general3A_7 = tpu.matmul %get3A_1, %get3A_6, %dot_general3A {dimension_numbers = #tpu.dot_dimension_numbers<[1], [0], [0], [1], [0, 0, 1, 1], [], []>, transpose_lhs_hint = false} : vector<1000x128xf32>, vector<128x128xf32>, vector<1000x128xf32> -> vector<1000x128xf32>
    %swap3A = arith.constant 0 : index
    %swap3A_8 = arith.constant 0 : index
    %swap3A_9 = arith.constant 0 : index
    %swap3A_10 = vector.load %arg3[%swap3A, %swap3A_8, %swap3A_9] : memref<4x1000x128xf32, #tpu.memory_space<vmem>>, vector<1x1000x128xf32>
    %swap3A_11 = vector.shape_cast %swap3A_10 : vector<1x1000x128xf32> to vector<1000x128xf32>
    %swap3A_12 = vector.shape_cast %dot_general3A_7 : vector<1000x128xf32> to vector<1x1000x128xf32>
    tpu.vector_store %arg3[%swap3A, %swap3A_8, %swap3A_9], %swap3A_12 {strides = array<i32>} : memref<4x1000x128xf32, #tpu.memory_space<vmem>>, vector<1x1000x128xf32>,
    %get3A_13 = arith.constant 1 : index
    %get3A_14 = arith.constant 0 : index
    %get3A_15 = arith.constant 0 : index
    %get3A_16 = vector.load %arg2[%get3A_13, %get3A_14, %get3A_15] : memref<4x128x128xf32, #tpu.memory_space<vmem>>, vector<1x128x128xf32>
    %get3A_17 = vector.shape_cast %get3A_16 : vector<1x128x128xf32> to vector<128x128xf32>
    %dot_general3A_18 = arith.constant dense<0.000000e+00> : vector<1000x128xf32>
    %dot_general3A_19 = tpu.matmul %get3A_1, %get3A_17, %dot_general3A_18 {dimension_numbers = #tpu.dot_dimension_numbers<[1], [0], [0], [1], [0, 0, 1, 1], [], []>, transpose_lhs_hint = false} : vector<1000x128xf32>, vector<128x128xf32>, vector<1000x128xf32> -> vector<1000x128xf32>
    %swap3A_20 = arith.constant 1 : index
    %swap3A_21 = arith.constant 0 : index
    %swap3A_22 = arith.constant 0 : index
    %swap3A_23 = vector.load %arg3[%swap3A_20, %swap3A_21, %swap3A_22] : memref<4x1000x128xf32, #tpu.memory_space<vmem>>, vector<1x1000x128xf32>
    %swap3A_24 = vector.shape_cast %swap3A_23 : vector<1x1000x128xf32> to vector<1000x128xf32>
    %swap3A_25 = vector.shape_cast %dot_general3A_19 : vector<1000x128xf32> to vector<1x1000x128xf32>
    tpu.vector_store %arg3[%swap3A_20, %swap3A_21, %swap3A_22], %swap3A_25 {strides = array<i32>} : memref<4x1000x128xf32, #tpu.memory_space<vmem>>, vector<1x1000x128xf32>,
    %get3A_26 = arith.constant 2 : index
    %get3A_27 = arith.constant 0 : index
    %get3A_28 = arith.constant 0 : index
    %get3A_29 = vector.load %arg2[%get3A_26, %get3A_27, %get3A_28] : memref<4x128x128xf32, #tpu.memory_space<vmem>>, vector<1x128x128xf32>
    %get3A_30 = vector.shape_cast %get3A_29 : vector<1x128x128xf32> to vector<128x128xf32>
    %dot_general3A_31 = arith.constant dense<0.000000e+00> : vector<1000x128xf32>
    %dot_general3A_32 = tpu.matmul %get3A_1, %get3A_30, %dot_general3A_31 {dimension_numbers = #tpu.dot_dimension_numbers<[1], [0], [0], [1], [0, 0, 1, 1], [], []>, transpose_lhs_hint = false} : vector<1000x128xf32>, vector<128x128xf32>, vector<1000x128xf32> -> vector<1000x128xf32>
    %swap3A_33 = arith.constant 2 : index
    %swap3A_34 = arith.constant 0 : index
    %swap3A_35 = arith.constant 0 : index
    %swap3A_36 = vector.load %arg3[%swap3A_33, %swap3A_34, %swap3A_35] : memref<4x1000x128xf32, #tpu.memory_space<vmem>>, vector<1x1000x128xf32>
    %swap3A_37 = vector.shape_cast %swap3A_36 : vector<1x1000x128xf32> to vector<1000x128xf32>
    %swap3A_38 = vector.shape_cast %dot_general3A_32 : vector<1000x128xf32> to vector<1x1000x128xf32>
    tpu.vector_store %arg3[%swap3A_33, %swap3A_34, %swap3A_35], %swap3A_38 {strides = array<i32>} : memref<4x1000x128xf32, #tpu.memory_space<vmem>>, vector<1x1000x128xf32>,
    %get3A_39 = arith.constant 3 : index
    %get3A_40 = arith.constant 0 : index
    %get3A_41 = arith.constant 0 : index
    %get3A_42 = vector.load %arg2[%get3A_39, %get3A_40, %get3A_41] : memref<4x128x128xf32, #tpu.memory_space<vmem>>, vector<1x128x128xf32>
    %get3A_43 = vector.shape_cast %get3A_42 : vector<1x128x128xf32> to vector<128x128xf32>
    %dot_general3A_44 = arith.constant dense<0.000000e+00> : vector<1000x128xf32>
    %dot_general3A_45 = tpu.matmul %get3A_1, %get3A_43, %dot_general3A_44 {dimension_numbers = #tpu.dot_dimension_numbers<[1], [0], [0], [1], [0, 0, 1, 1], [], []>, transpose_lhs_hint = false} : vector<1000x128xf32>, vector<128x128xf32>, vector<1000x128xf32> -> vector<1000x128xf32>
    %swap3A_46 = arith.constant 3 : index
    %swap3A_47 = arith.constant 0 : index
    %swap3A_48 = arith.constant 0 : index
    %swap3A_49 = vector.load %arg3[%swap3A_46, %swap3A_47, %swap3A_48] : memref<4x1000x128xf32, #tpu.memory_space<vmem>>, vector<1x1000x128xf32>
    %swap3A_50 = vector.shape_cast %swap3A_49 : vector<1x1000x128xf32> to vector<1000x128xf32>
    %swap3A_51 = vector.shape_cast %dot_general3A_45 : vector<1000x128xf32> to vector<1x1000x128xf32>
    tpu.vector_store %arg3[%swap3A_46, %swap3A_47, %swap3A_48], %swap3A_51 {strides = array<i32>} : memref<4x1000x128xf32, #tpu.memory_space<vmem>>, vector<1x1000x128xf32>,
    return
  }
  func.func @transform_0(%arg0: i32) -> (i32, i32) {
    %c0_i32 = arith.constant 0 : i32
    %c0_i32_0 = arith.constant 0 : i32
    return %arg0, %c0_i32 : i32, i32
  }
  func.func @transform_1(%arg0: i32) -> (i32, i32, i32) {
    %c0_i32 = arith.constant 0 : i32
    %c0_i32_0 = arith.constant 0 : i32
    %c0_i32_1 = arith.constant 0 : i32
    %c0_i32_2 = arith.constant 0 : i32
    return %c0_i32, %c0_i32_0, %c0_i32_1 : i32, i32, i32
  }
  func.func @transform_2(%arg0: i32) -> (i32, i32, i32) {
    %c0_i32 = arith.constant 0 : i32
    %c0_i32_0 = arith.constant 0 : i32
    %c0_i32_1 = arith.constant 0 : i32
    return %c0_i32, %arg0, %c0_i32_0 : i32, i32, i32
  }
}

module attributes {stable_mosaic.version = 14 : i64} {
  func.func @_post_body(%arg0: i32, %arg1: memref<2x1000x128xf32, #tpu.memory_space<vmem>>, %arg2: memref<1000x128xf32, #tpu.memory_space<vmem>>, %arg3: memref<2x1000x128xf32, #tpu.memory_space<vmem>>, %arg4: memref<128x128xf32, #tpu.memory_space<vmem>>, %arg5: memref<16x128xf32, #tpu.memory_space<vmem>>, %arg6: memref<1x128xf32, #tpu.memory_space<vmem>>, %arg7: memref<128x256xf32, #tpu.memory_space<vmem>>, %arg8: memref<1x256xf32, #tpu.memory_space<vmem>>, %arg9: memref<256x128xf32, #tpu.memory_space<vmem>>, %arg10: memref<1x128xf32, #tpu.memory_space<vmem>>, %arg11: memref<1000x128xf32, #tpu.memory_space<vmem>>, %arg12: memref<2x8x128xf32, #tpu.memory_space<vmem>>) attributes {dimension_semantics = [#tpu.dimension_semantics<arbitrary>], iteration_bounds = array<i64: 10>, scalar_prefetch = 0 : i64, scratch_operands = 0 : i64, tpu.core_type = #tpu.core_type<tc>, window_params = [{transform_indices = @transform_0, window_bounds = array<i64: 2, 1000, 128>}, {transform_indices = @transform_1, window_bounds = array<i64: 1000, 128>}, {transform_indices = @transform_2, window_bounds = array<i64: 2, 1000, 128>}, {pipeline_mode = #tpu.pipeline_mode<synchronous>, transform_indices = @transform_3, window_bounds = array<i64: 128, 128>}, {pipeline_mode = #tpu.pipeline_mode<synchronous>, transform_indices = @transform_4, window_bounds = array<i64: 16, 128>}, {pipeline_mode = #tpu.pipeline_mode<synchronous>, transform_indices = @transform_5, window_bounds = array<i64: 1, 128>}, {pipeline_mode = #tpu.pipeline_mode<synchronous>, transform_indices = @transform_6, window_bounds = array<i64: 128, 256>}, {pipeline_mode = #tpu.pipeline_mode<synchronous>, transform_indices = @transform_7, window_bounds = array<i64: 1, 256>}, {pipeline_mode = #tpu.pipeline_mode<synchronous>, transform_indices = @transform_8, window_bounds = array<i64: 256, 128>}, {pipeline_mode = #tpu.pipeline_mode<synchronous>, transform_indices = @transform_9, window_bounds = array<i64: 1, 128>}, {transform_indices = @transform_10, window_bounds = array<i64: 1000, 128>}, {pipeline_mode = #tpu.pipeline_mode<synchronous>, transform_indices = @transform_11, window_bounds = array<i64: 2, 8, 128>}]} {
    %get3A = arith.constant 0 : index
    %get3A_0 = arith.constant 0 : index
    %get3A_1 = arith.constant 0 : index
    %get3A_2 = vector.load %arg3[%get3A, %get3A_0, %get3A_1] : memref<2x1000x128xf32, #tpu.memory_space<vmem>>, vector<1x1000x128xf32>
    %get3A_3 = vector.shape_cast %get3A_2 : vector<1x1000x128xf32> to vector<1000x128xf32>
    %get3A_4 = arith.constant 1 : index
    %get3A_5 = arith.constant 0 : index
    %get3A_6 = arith.constant 0 : index
    %get3A_7 = vector.load %arg3[%get3A_4, %get3A_5, %get3A_6] : memref<2x1000x128xf32, #tpu.memory_space<vmem>>, vector<1x1000x128xf32>
    %get3A_8 = vector.shape_cast %get3A_7 : vector<1x1000x128xf32> to vector<1000x128xf32>
    %add3A = arith.addf %get3A_3, %get3A_8 : vector<1000x128xf32>
    %slice3A = vector.extract_strided_slice %add3A {offsets = [0, 16], sizes = [1000, 1], strides = [1, 1]} : vector<1000x128xf32> to vector<1000x1xf32>
    %max3A = arith.constant 1.000000e+00 : f32
    %max3A_9 = vector.broadcast %max3A : f32 to vector<1000x1xf32>
    %max3A_10 = arith.maximumf %slice3A, %max3A_9 : vector<1000x1xf32>
    %get3A_11 = arith.constant 0 : index
    %get3A_12 = arith.constant 0 : index
    %get3A_13 = arith.constant 0 : index
    %get3A_14 = vector.load %arg1[%get3A_11, %get3A_12, %get3A_13] : memref<2x1000x128xf32, #tpu.memory_space<vmem>>, vector<1x1000x128xf32>
    %get3A_15 = vector.shape_cast %get3A_14 : vector<1x1000x128xf32> to vector<1000x128xf32>
    %get3A_16 = arith.constant 1 : index
    %get3A_17 = arith.constant 0 : index
    %get3A_18 = arith.constant 0 : index
    %get3A_19 = vector.load %arg1[%get3A_16, %get3A_17, %get3A_18] : memref<2x1000x128xf32, #tpu.memory_space<vmem>>, vector<1x1000x128xf32>
    %get3A_20 = vector.shape_cast %get3A_19 : vector<1x1000x128xf32> to vector<1000x128xf32>
    %add3A_21 = arith.addf %get3A_15, %get3A_20 : vector<1000x128xf32>
    %slice3A_22 = vector.extract_strided_slice %add3A {offsets = [0, 0], sizes = [1000, 16], strides = [1, 1]} : vector<1000x128xf32> to vector<1000x16xf32>
    %get3A_23 = arith.constant 0 : index
    %get3A_24 = arith.constant 0 : index
    %get3A_25 = vector.load %arg5[%get3A_23, %get3A_24] : memref<16x128xf32, #tpu.memory_space<vmem>>, vector<16x128xf32>
    %dot_general3A = arith.constant dense<0.000000e+00> : vector<1000x128xf32>
    %dot_general3A_26 = tpu.matmul %slice3A_22, %get3A_25, %dot_general3A {dimension_numbers = #tpu.dot_dimension_numbers<[1], [0], [0], [1], [0, 0, 1, 1], [], []>, precision = #tpu.contract_precision<fp32>, transpose_lhs_hint = false} : vector<1000x16xf32>, vector<16x128xf32>, vector<1000x128xf32> -> vector<1000x128xf32>
    %add3A_27 = arith.addf %add3A_21, %dot_general3A_26 : vector<1000x128xf32>
    %div3A = vector.broadcast %max3A_10 : vector<1000x1xf32> to vector<1000x128xf32>
    %div3A_28 = arith.divf %add3A_27, %div3A : vector<1000x128xf32>
    %get3A_29 = arith.constant 0 : index
    %get3A_30 = arith.constant 0 : index
    %get3A_31 = vector.load %arg2[%get3A_29, %get3A_30] : memref<1000x128xf32, #tpu.memory_space<vmem>>, vector<1000x128xf32>
    %get3A_32 = arith.constant 0 : index
    %get3A_33 = arith.constant 0 : index
    %get3A_34 = vector.load %arg4[%get3A_32, %get3A_33] : memref<128x128xf32, #tpu.memory_space<vmem>>, vector<128x128xf32>
    %dot_general3A_35 = arith.constant dense<0.000000e+00> : vector<1000x128xf32>
    %dot_general3A_36 = tpu.matmul %get3A_31, %get3A_34, %dot_general3A_35 {dimension_numbers = #tpu.dot_dimension_numbers<[1], [0], [0], [1], [0, 0, 1, 1], [], []>, transpose_lhs_hint = false} : vector<1000x128xf32>, vector<128x128xf32>, vector<1000x128xf32> -> vector<1000x128xf32>
    %add3A_37 = arith.addf %div3A_28, %dot_general3A_36 : vector<1000x128xf32>
    %get3A_38 = arith.constant 0 : index
    %get3A_39 = arith.constant 0 : index
    %get3A_40 = vector.load %arg6[%get3A_38, %get3A_39] : memref<1x128xf32, #tpu.memory_space<vmem>>, vector<1x128xf32>
    %add3A_41 = vector.broadcast %get3A_40 : vector<1x128xf32> to vector<1000x128xf32>
    %add3A_42 = arith.addf %add3A_37, %add3A_41 : vector<1000x128xf32>
    %get3A_43 = arith.constant 0 : index
    %get3A_44 = arith.constant 0 : index
    %get3A_45 = vector.load %arg7[%get3A_43, %get3A_44] : memref<128x256xf32, #tpu.memory_space<vmem>>, vector<128x256xf32>
    %dot_general3A_46 = arith.constant dense<0.000000e+00> : vector<1000x256xf32>
    %dot_general3A_47 = tpu.matmul %add3A_42, %get3A_45, %dot_general3A_46 {dimension_numbers = #tpu.dot_dimension_numbers<[1], [0], [0], [1], [0, 0, 1, 1], [], []>, transpose_lhs_hint = false} : vector<1000x128xf32>, vector<128x256xf32>, vector<1000x256xf32> -> vector<1000x256xf32>
    %get3A_48 = arith.constant 0 : index
    %get3A_49 = arith.constant 0 : index
    %get3A_50 = vector.load %arg8[%get3A_48, %get3A_49] : memref<1x256xf32, #tpu.memory_space<vmem>>, vector<1x256xf32>
    %add3A_51 = vector.broadcast %get3A_50 : vector<1x256xf32> to vector<1000x256xf32>
    %add3A_52 = arith.addf %dot_general3A_47, %add3A_51 : vector<1000x256xf32>
    %max3A_53 = arith.constant 0.000000e+00 : f32
    %max3A_54 = vector.broadcast %max3A_53 : f32 to vector<1000x256xf32>
    %max3A_55 = arith.maximumf %add3A_52, %max3A_54 : vector<1000x256xf32>
    %get3A_56 = arith.constant 0 : index
    %get3A_57 = arith.constant 0 : index
    %get3A_58 = vector.load %arg9[%get3A_56, %get3A_57] : memref<256x128xf32, #tpu.memory_space<vmem>>, vector<256x128xf32>
    %dot_general3A_59 = arith.constant dense<0.000000e+00> : vector<1000x128xf32>
    %dot_general3A_60 = tpu.matmul %max3A_55, %get3A_58, %dot_general3A_59 {dimension_numbers = #tpu.dot_dimension_numbers<[1], [0], [0], [1], [0, 0, 1, 1], [], []>, transpose_lhs_hint = false} : vector<1000x256xf32>, vector<256x128xf32>, vector<1000x128xf32> -> vector<1000x128xf32>
    %get3A_61 = arith.constant 0 : index
    %get3A_62 = arith.constant 0 : index
    %get3A_63 = vector.load %arg10[%get3A_61, %get3A_62] : memref<1x128xf32, #tpu.memory_space<vmem>>, vector<1x128xf32>
    %add3A_64 = vector.broadcast %get3A_63 : vector<1x128xf32> to vector<1000x128xf32>
    %add3A_65 = arith.addf %dot_general3A_60, %add3A_64 : vector<1000x128xf32>
    %swap3A = arith.constant 0 : index
    %swap3A_66 = arith.constant 0 : index
    %swap3A_67 = vector.load %arg11[%swap3A, %swap3A_66] : memref<1000x128xf32, #tpu.memory_space<vmem>>, vector<1000x128xf32>
    tpu.vector_store %arg11[%swap3A, %swap3A_66], %add3A_65 {strides = array<i32>} : memref<1000x128xf32, #tpu.memory_space<vmem>>, vector<1000x128xf32>,
    %broadcast_in_dim3A = arith.constant 1.000000e+00 : f32
    %broadcast_in_dim3A_68 = vector.broadcast %broadcast_in_dim3A : f32 to vector<8x1000xf32>
    %dot_general3A_69 = arith.constant dense<0.000000e+00> : vector<8x128xf32>
    %dot_general3A_70 = tpu.matmul %broadcast_in_dim3A_68, %add3A_65, %dot_general3A_69 {dimension_numbers = #tpu.dot_dimension_numbers<[1], [0], [0], [1], [0, 0, 1, 1], [], []>, precision = #tpu.contract_precision<fp32>, transpose_lhs_hint = false} : vector<8x1000xf32>, vector<1000x128xf32>, vector<8x128xf32> -> vector<8x128xf32>
    %mul3A = arith.mulf %add3A_65, %add3A_65 : vector<1000x128xf32>
    %dot_general3A_71 = arith.constant dense<0.000000e+00> : vector<8x128xf32>
    %dot_general3A_72 = tpu.matmul %broadcast_in_dim3A_68, %mul3A, %dot_general3A_71 {dimension_numbers = #tpu.dot_dimension_numbers<[1], [0], [0], [1], [0, 0, 1, 1], [], []>, precision = #tpu.contract_precision<fp32>, transpose_lhs_hint = false} : vector<8x1000xf32>, vector<1000x128xf32>, vector<8x128xf32> -> vector<8x128xf32>
    %eq3A = arith.constant 0 : i32
    %eq3A_73 = arith.cmpi eq, %arg0, %eq3A : i32
    %convert_element_type3A = arith.extui %eq3A_73 : i1 to i32
    %cond3A = arith.constant 0 : i32
    %cond3A_74 = arith.cmpi ne, %convert_element_type3A, %cond3A : i32
    scf.if %cond3A_74 {
      %swap3A_79 = arith.constant 0 : index
      %swap3A_80 = arith.constant 0 : index
      %swap3A_81 = arith.constant 0 : index
      %swap3A_82 = vector.load %arg12[%swap3A_79, %swap3A_80, %swap3A_81] : memref<2x8x128xf32, #tpu.memory_space<vmem>>, vector<1x8x128xf32>
      %swap3A_83 = vector.shape_cast %swap3A_82 : vector<1x8x128xf32> to vector<8x128xf32>
      %swap3A_84 = vector.shape_cast %dot_general3A_70 : vector<8x128xf32> to vector<1x8x128xf32>
      tpu.vector_store %arg12[%swap3A_79, %swap3A_80, %swap3A_81], %swap3A_84 {strides = array<i32>} : memref<2x8x128xf32, #tpu.memory_space<vmem>>, vector<1x8x128xf32>,
      %swap3A_85 = arith.constant 1 : index
      %swap3A_86 = arith.constant 0 : index
      %swap3A_87 = arith.constant 0 : index
      %swap3A_88 = vector.load %arg12[%swap3A_85, %swap3A_86, %swap3A_87] : memref<2x8x128xf32, #tpu.memory_space<vmem>>, vector<1x8x128xf32>
      %swap3A_89 = vector.shape_cast %swap3A_88 : vector<1x8x128xf32> to vector<8x128xf32>
      %swap3A_90 = vector.shape_cast %dot_general3A_72 : vector<8x128xf32> to vector<1x8x128xf32>
      tpu.vector_store %arg12[%swap3A_85, %swap3A_86, %swap3A_87], %swap3A_90 {strides = array<i32>} : memref<2x8x128xf32, #tpu.memory_space<vmem>>, vector<1x8x128xf32>,
    } else {
    }
    %gt3A = arith.constant 0 : i32
    %gt3A_75 = arith.cmpi sgt, %arg0, %gt3A : i32
    %convert_element_type3A_76 = arith.extui %gt3A_75 : i1 to i32
    %cond3A_77 = arith.constant 0 : i32
    %cond3A_78 = arith.cmpi ne, %convert_element_type3A_76, %cond3A_77 : i32
    scf.if %cond3A_78 {
      %get3A_79 = arith.constant 0 : index
      %get3A_80 = arith.constant 0 : index
      %get3A_81 = arith.constant 0 : index
      %get3A_82 = vector.load %arg12[%get3A_79, %get3A_80, %get3A_81] : memref<2x8x128xf32, #tpu.memory_space<vmem>>, vector<1x8x128xf32>
      %get3A_83 = vector.shape_cast %get3A_82 : vector<1x8x128xf32> to vector<8x128xf32>
      %add3A_84 = arith.addf %get3A_83, %dot_general3A_70 : vector<8x128xf32>
      %swap3A_85 = arith.constant 0 : index
      %swap3A_86 = arith.constant 0 : index
      %swap3A_87 = arith.constant 0 : index
      %swap3A_88 = vector.load %arg12[%swap3A_85, %swap3A_86, %swap3A_87] : memref<2x8x128xf32, #tpu.memory_space<vmem>>, vector<1x8x128xf32>
      %swap3A_89 = vector.shape_cast %swap3A_88 : vector<1x8x128xf32> to vector<8x128xf32>
      %swap3A_90 = vector.shape_cast %add3A_84 : vector<8x128xf32> to vector<1x8x128xf32>
      tpu.vector_store %arg12[%swap3A_85, %swap3A_86, %swap3A_87], %swap3A_90 {strides = array<i32>} : memref<2x8x128xf32, #tpu.memory_space<vmem>>, vector<1x8x128xf32>,
      %get3A_91 = arith.constant 1 : index
      %get3A_92 = arith.constant 0 : index
      %get3A_93 = arith.constant 0 : index
      %get3A_94 = vector.load %arg12[%get3A_91, %get3A_92, %get3A_93] : memref<2x8x128xf32, #tpu.memory_space<vmem>>, vector<1x8x128xf32>
      %get3A_95 = vector.shape_cast %get3A_94 : vector<1x8x128xf32> to vector<8x128xf32>
      %add3A_96 = arith.addf %get3A_95, %dot_general3A_72 : vector<8x128xf32>
      %swap3A_97 = arith.constant 1 : index
      %swap3A_98 = arith.constant 0 : index
      %swap3A_99 = arith.constant 0 : index
      %swap3A_100 = vector.load %arg12[%swap3A_97, %swap3A_98, %swap3A_99] : memref<2x8x128xf32, #tpu.memory_space<vmem>>, vector<1x8x128xf32>
      %swap3A_101 = vector.shape_cast %swap3A_100 : vector<1x8x128xf32> to vector<8x128xf32>
      %swap3A_102 = vector.shape_cast %add3A_96 : vector<8x128xf32> to vector<1x8x128xf32>
      tpu.vector_store %arg12[%swap3A_97, %swap3A_98, %swap3A_99], %swap3A_102 {strides = array<i32>} : memref<2x8x128xf32, #tpu.memory_space<vmem>>, vector<1x8x128xf32>,
    } else {
    }
    return
  }
  func.func @transform_0(%arg0: i32) -> (i32, i32, i32) {
    %c0_i32 = arith.constant 0 : i32
    %c0_i32_0 = arith.constant 0 : i32
    %c0_i32_1 = arith.constant 0 : i32
    return %c0_i32, %arg0, %c0_i32_0 : i32, i32, i32
  }
  func.func @transform_1(%arg0: i32) -> (i32, i32) {
    %c0_i32 = arith.constant 0 : i32
    %c0_i32_0 = arith.constant 0 : i32
    return %arg0, %c0_i32 : i32, i32
  }
  func.func @transform_2(%arg0: i32) -> (i32, i32, i32) {
    %c0_i32 = arith.constant 0 : i32
    %c0_i32_0 = arith.constant 0 : i32
    %c0_i32_1 = arith.constant 0 : i32
    return %c0_i32, %arg0, %c0_i32_0 : i32, i32, i32
  }
  func.func @transform_3(%arg0: i32) -> (i32, i32) {
    %c0_i32 = arith.constant 0 : i32
    %c0_i32_0 = arith.constant 0 : i32
    %c0_i32_1 = arith.constant 0 : i32
    return %c0_i32, %c0_i32_0 : i32, i32
  }
  func.func @transform_4(%arg0: i32) -> (i32, i32) {
    %c0_i32 = arith.constant 0 : i32
    %c0_i32_0 = arith.constant 0 : i32
    %c0_i32_1 = arith.constant 0 : i32
    return %c0_i32, %c0_i32_0 : i32, i32
  }
  func.func @transform_5(%arg0: i32) -> (i32, i32) {
    %c0_i32 = arith.constant 0 : i32
    %c0_i32_0 = arith.constant 0 : i32
    %c0_i32_1 = arith.constant 0 : i32
    return %c0_i32, %c0_i32_0 : i32, i32
  }
  func.func @transform_6(%arg0: i32) -> (i32, i32) {
    %c0_i32 = arith.constant 0 : i32
    %c0_i32_0 = arith.constant 0 : i32
    %c0_i32_1 = arith.constant 0 : i32
    return %c0_i32, %c0_i32_0 : i32, i32
  }
  func.func @transform_7(%arg0: i32) -> (i32, i32) {
    %c0_i32 = arith.constant 0 : i32
    %c0_i32_0 = arith.constant 0 : i32
    %c0_i32_1 = arith.constant 0 : i32
    return %c0_i32, %c0_i32_0 : i32, i32
  }
  func.func @transform_8(%arg0: i32) -> (i32, i32) {
    %c0_i32 = arith.constant 0 : i32
    %c0_i32_0 = arith.constant 0 : i32
    %c0_i32_1 = arith.constant 0 : i32
    return %c0_i32, %c0_i32_0 : i32, i32
  }
  func.func @transform_9(%arg0: i32) -> (i32, i32) {
    %c0_i32 = arith.constant 0 : i32
    %c0_i32_0 = arith.constant 0 : i32
    %c0_i32_1 = arith.constant 0 : i32
    return %c0_i32, %c0_i32_0 : i32, i32
  }
  func.func @transform_10(%arg0: i32) -> (i32, i32) {
    %c0_i32 = arith.constant 0 : i32
    %c0_i32_0 = arith.constant 0 : i32
    return %arg0, %c0_i32 : i32, i32
  }
  func.func @transform_11(%arg0: i32) -> (i32, i32, i32) {
    %c0_i32 = arith.constant 0 : i32
    %c0_i32_0 = arith.constant 0 : i32
    %c0_i32_1 = arith.constant 0 : i32
    %c0_i32_2 = arith.constant 0 : i32
    return %c0_i32, %c0_i32_0, %c0_i32_1 : i32, i32, i32
  }
}

module attributes {stable_mosaic.version = 14 : i64} {
  func.func @_relbn_body(%arg0: i32, %arg1: memref<1000x128xf32, #tpu.memory_space<vmem>>, %arg2: memref<2x8x128xf32, #tpu.memory_space<vmem>>, %arg3: memref<1x128xf32, #tpu.memory_space<vmem>>, %arg4: memref<1x128xf32, #tpu.memory_space<vmem>>, %arg5: memref<4x128x128xf32, #tpu.memory_space<vmem>>, %arg6: memref<1000x128xf32, #tpu.memory_space<vmem>>, %arg7: memref<4x1000x128xf32, #tpu.memory_space<vmem>>) attributes {dimension_semantics = [#tpu.dimension_semantics<arbitrary>], iteration_bounds = array<i64: 10>, scalar_prefetch = 0 : i64, scratch_operands = 0 : i64, tpu.core_type = #tpu.core_type<tc>, window_params = [{transform_indices = @transform_0, window_bounds = array<i64: 1000, 128>}, {pipeline_mode = #tpu.pipeline_mode<synchronous>, transform_indices = @transform_1, window_bounds = array<i64: 2, 8, 128>}, {pipeline_mode = #tpu.pipeline_mode<synchronous>, transform_indices = @transform_2, window_bounds = array<i64: 1, 128>}, {pipeline_mode = #tpu.pipeline_mode<synchronous>, transform_indices = @transform_3, window_bounds = array<i64: 1, 128>}, {pipeline_mode = #tpu.pipeline_mode<synchronous>, transform_indices = @transform_4, window_bounds = array<i64: 4, 128, 128>}, {transform_indices = @transform_5, window_bounds = array<i64: 1000, 128>}, {transform_indices = @transform_6, window_bounds = array<i64: 4, 1000, 128>}]} {
    %get3A = arith.constant 0 : index
    %get3A_0 = arith.constant 0 : index
    %get3A_1 = arith.constant 0 : index
    %get3A_2 = vector.load %arg2[%get3A, %get3A_0, %get3A_1] : memref<2x8x128xf32, #tpu.memory_space<vmem>>, vector<1x1x128xf32>
    %get3A_3 = vector.shape_cast %get3A_2 : vector<1x1x128xf32> to vector<1x128xf32>
    %mul3A = arith.constant 9.99999974E-5 : f32
    %mul3A_4 = vector.broadcast %mul3A : f32 to vector<1x128xf32>
    %mul3A_5 = arith.mulf %get3A_3, %mul3A_4 : vector<1x128xf32>
    %get3A_6 = arith.constant 1 : index
    %get3A_7 = arith.constant 0 : index
    %get3A_8 = arith.constant 0 : index
    %get3A_9 = vector.load %arg2[%get3A_6, %get3A_7, %get3A_8] : memref<2x8x128xf32, #tpu.memory_space<vmem>>, vector<1x1x128xf32>
    %get3A_10 = vector.shape_cast %get3A_9 : vector<1x1x128xf32> to vector<1x128xf32>
    %mul3A_11 = arith.constant 9.99999974E-5 : f32
    %mul3A_12 = vector.broadcast %mul3A_11 : f32 to vector<1x128xf32>
    %mul3A_13 = arith.mulf %get3A_10, %mul3A_12 : vector<1x128xf32>
    %mul3A_14 = arith.mulf %mul3A_5, %mul3A_5 : vector<1x128xf32>
    %sub3A = arith.subf %mul3A_13, %mul3A_14 : vector<1x128xf32>
    %add3A = arith.constant 9.99999974E-6 : f32
    %add3A_15 = vector.broadcast %add3A : f32 to vector<1x128xf32>
    %add3A_16 = arith.addf %sub3A, %add3A_15 : vector<1x128xf32>
    %rsqrt3A = math.rsqrt %add3A_16 : vector<1x128xf32>
    %get3A_17 = arith.constant 0 : index
    %get3A_18 = arith.constant 0 : index
    %get3A_19 = vector.load %arg1[%get3A_17, %get3A_18] : memref<1000x128xf32, #tpu.memory_space<vmem>>, vector<1000x128xf32>
    %sub3A_20 = vector.broadcast %mul3A_5 : vector<1x128xf32> to vector<1000x128xf32>
    %sub3A_21 = arith.subf %get3A_19, %sub3A_20 : vector<1000x128xf32>
    %get3A_22 = arith.constant 0 : index
    %get3A_23 = arith.constant 0 : index
    %get3A_24 = vector.load %arg3[%get3A_22, %get3A_23] : memref<1x128xf32, #tpu.memory_space<vmem>>, vector<1x128xf32>
    %mul3A_25 = arith.mulf %rsqrt3A, %get3A_24 : vector<1x128xf32>
    %mul3A_26 = vector.broadcast %mul3A_25 : vector<1x128xf32> to vector<1000x128xf32>
    %mul3A_27 = arith.mulf %sub3A_21, %mul3A_26 : vector<1000x128xf32>
    %get3A_28 = arith.constant 0 : index
    %get3A_29 = arith.constant 0 : index
    %get3A_30 = vector.load %arg4[%get3A_28, %get3A_29] : memref<1x128xf32, #tpu.memory_space<vmem>>, vector<1x128xf32>
    %add3A_31 = vector.broadcast %get3A_30 : vector<1x128xf32> to vector<1000x128xf32>
    %add3A_32 = arith.addf %mul3A_27, %add3A_31 : vector<1000x128xf32>
    %max3A = arith.constant 0.000000e+00 : f32
    %max3A_33 = vector.broadcast %max3A : f32 to vector<1000x128xf32>
    %max3A_34 = arith.maximumf %add3A_32, %max3A_33 : vector<1000x128xf32>
    %swap3A = arith.constant 0 : index
    %swap3A_35 = arith.constant 0 : index
    %swap3A_36 = vector.load %arg6[%swap3A, %swap3A_35] : memref<1000x128xf32, #tpu.memory_space<vmem>>, vector<1000x128xf32>
    tpu.vector_store %arg6[%swap3A, %swap3A_35], %max3A_34 {strides = array<i32>} : memref<1000x128xf32, #tpu.memory_space<vmem>>, vector<1000x128xf32>,
    %get3A_37 = arith.constant 0 : index
    %get3A_38 = arith.constant 0 : index
    %get3A_39 = arith.constant 0 : index
    %get3A_40 = vector.load %arg5[%get3A_37, %get3A_38, %get3A_39] : memref<4x128x128xf32, #tpu.memory_space<vmem>>, vector<1x128x128xf32>
    %get3A_41 = vector.shape_cast %get3A_40 : vector<1x128x128xf32> to vector<128x128xf32>
    %dot_general3A = arith.constant dense<0.000000e+00> : vector<1000x128xf32>
    %dot_general3A_42 = tpu.matmul %max3A_34, %get3A_41, %dot_general3A {dimension_numbers = #tpu.dot_dimension_numbers<[1], [0], [0], [1], [0, 0, 1, 1], [], []>, transpose_lhs_hint = false} : vector<1000x128xf32>, vector<128x128xf32>, vector<1000x128xf32> -> vector<1000x128xf32>
    %swap3A_43 = arith.constant 0 : index
    %swap3A_44 = arith.constant 0 : index
    %swap3A_45 = arith.constant 0 : index
    %swap3A_46 = vector.load %arg7[%swap3A_43, %swap3A_44, %swap3A_45] : memref<4x1000x128xf32, #tpu.memory_space<vmem>>, vector<1x1000x128xf32>
    %swap3A_47 = vector.shape_cast %swap3A_46 : vector<1x1000x128xf32> to vector<1000x128xf32>
    %swap3A_48 = vector.shape_cast %dot_general3A_42 : vector<1000x128xf32> to vector<1x1000x128xf32>
    tpu.vector_store %arg7[%swap3A_43, %swap3A_44, %swap3A_45], %swap3A_48 {strides = array<i32>} : memref<4x1000x128xf32, #tpu.memory_space<vmem>>, vector<1x1000x128xf32>,
    %get3A_49 = arith.constant 1 : index
    %get3A_50 = arith.constant 0 : index
    %get3A_51 = arith.constant 0 : index
    %get3A_52 = vector.load %arg5[%get3A_49, %get3A_50, %get3A_51] : memref<4x128x128xf32, #tpu.memory_space<vmem>>, vector<1x128x128xf32>
    %get3A_53 = vector.shape_cast %get3A_52 : vector<1x128x128xf32> to vector<128x128xf32>
    %dot_general3A_54 = arith.constant dense<0.000000e+00> : vector<1000x128xf32>
    %dot_general3A_55 = tpu.matmul %max3A_34, %get3A_53, %dot_general3A_54 {dimension_numbers = #tpu.dot_dimension_numbers<[1], [0], [0], [1], [0, 0, 1, 1], [], []>, transpose_lhs_hint = false} : vector<1000x128xf32>, vector<128x128xf32>, vector<1000x128xf32> -> vector<1000x128xf32>
    %swap3A_56 = arith.constant 1 : index
    %swap3A_57 = arith.constant 0 : index
    %swap3A_58 = arith.constant 0 : index
    %swap3A_59 = vector.load %arg7[%swap3A_56, %swap3A_57, %swap3A_58] : memref<4x1000x128xf32, #tpu.memory_space<vmem>>, vector<1x1000x128xf32>
    %swap3A_60 = vector.shape_cast %swap3A_59 : vector<1x1000x128xf32> to vector<1000x128xf32>
    %swap3A_61 = vector.shape_cast %dot_general3A_55 : vector<1000x128xf32> to vector<1x1000x128xf32>
    tpu.vector_store %arg7[%swap3A_56, %swap3A_57, %swap3A_58], %swap3A_61 {strides = array<i32>} : memref<4x1000x128xf32, #tpu.memory_space<vmem>>, vector<1x1000x128xf32>,
    %get3A_62 = arith.constant 2 : index
    %get3A_63 = arith.constant 0 : index
    %get3A_64 = arith.constant 0 : index
    %get3A_65 = vector.load %arg5[%get3A_62, %get3A_63, %get3A_64] : memref<4x128x128xf32, #tpu.memory_space<vmem>>, vector<1x128x128xf32>
    %get3A_66 = vector.shape_cast %get3A_65 : vector<1x128x128xf32> to vector<128x128xf32>
    %dot_general3A_67 = arith.constant dense<0.000000e+00> : vector<1000x128xf32>
    %dot_general3A_68 = tpu.matmul %max3A_34, %get3A_66, %dot_general3A_67 {dimension_numbers = #tpu.dot_dimension_numbers<[1], [0], [0], [1], [0, 0, 1, 1], [], []>, transpose_lhs_hint = false} : vector<1000x128xf32>, vector<128x128xf32>, vector<1000x128xf32> -> vector<1000x128xf32>
    %swap3A_69 = arith.constant 2 : index
    %swap3A_70 = arith.constant 0 : index
    %swap3A_71 = arith.constant 0 : index
    %swap3A_72 = vector.load %arg7[%swap3A_69, %swap3A_70, %swap3A_71] : memref<4x1000x128xf32, #tpu.memory_space<vmem>>, vector<1x1000x128xf32>
    %swap3A_73 = vector.shape_cast %swap3A_72 : vector<1x1000x128xf32> to vector<1000x128xf32>
    %swap3A_74 = vector.shape_cast %dot_general3A_68 : vector<1000x128xf32> to vector<1x1000x128xf32>
    tpu.vector_store %arg7[%swap3A_69, %swap3A_70, %swap3A_71], %swap3A_74 {strides = array<i32>} : memref<4x1000x128xf32, #tpu.memory_space<vmem>>, vector<1x1000x128xf32>,
    %get3A_75 = arith.constant 3 : index
    %get3A_76 = arith.constant 0 : index
    %get3A_77 = arith.constant 0 : index
    %get3A_78 = vector.load %arg5[%get3A_75, %get3A_76, %get3A_77] : memref<4x128x128xf32, #tpu.memory_space<vmem>>, vector<1x128x128xf32>
    %get3A_79 = vector.shape_cast %get3A_78 : vector<1x128x128xf32> to vector<128x128xf32>
    %dot_general3A_80 = arith.constant dense<0.000000e+00> : vector<1000x128xf32>
    %dot_general3A_81 = tpu.matmul %max3A_34, %get3A_79, %dot_general3A_80 {dimension_numbers = #tpu.dot_dimension_numbers<[1], [0], [0], [1], [0, 0, 1, 1], [], []>, transpose_lhs_hint = false} : vector<1000x128xf32>, vector<128x128xf32>, vector<1000x128xf32> -> vector<1000x128xf32>
    %swap3A_82 = arith.constant 3 : index
    %swap3A_83 = arith.constant 0 : index
    %swap3A_84 = arith.constant 0 : index
    %swap3A_85 = vector.load %arg7[%swap3A_82, %swap3A_83, %swap3A_84] : memref<4x1000x128xf32, #tpu.memory_space<vmem>>, vector<1x1000x128xf32>
    %swap3A_86 = vector.shape_cast %swap3A_85 : vector<1x1000x128xf32> to vector<1000x128xf32>
    %swap3A_87 = vector.shape_cast %dot_general3A_81 : vector<1000x128xf32> to vector<1x1000x128xf32>
    tpu.vector_store %arg7[%swap3A_82, %swap3A_83, %swap3A_84], %swap3A_87 {strides = array<i32>} : memref<4x1000x128xf32, #tpu.memory_space<vmem>>, vector<1x1000x128xf32>,
    return
  }
  func.func @transform_0(%arg0: i32) -> (i32, i32) {
    %c0_i32 = arith.constant 0 : i32
    %c0_i32_0 = arith.constant 0 : i32
    return %arg0, %c0_i32 : i32, i32
  }
  func.func @transform_1(%arg0: i32) -> (i32, i32, i32) {
    %c0_i32 = arith.constant 0 : i32
    %c0_i32_0 = arith.constant 0 : i32
    %c0_i32_1 = arith.constant 0 : i32
    %c0_i32_2 = arith.constant 0 : i32
    return %c0_i32, %c0_i32_0, %c0_i32_1 : i32, i32, i32
  }
  func.func @transform_2(%arg0: i32) -> (i32, i32) {
    %c0_i32 = arith.constant 0 : i32
    %c0_i32_0 = arith.constant 0 : i32
    %c0_i32_1 = arith.constant 0 : i32
    return %c0_i32, %c0_i32_0 : i32, i32
  }
  func.func @transform_3(%arg0: i32) -> (i32, i32) {
    %c0_i32 = arith.constant 0 : i32
    %c0_i32_0 = arith.constant 0 : i32
    %c0_i32_1 = arith.constant 0 : i32
    return %c0_i32, %c0_i32_0 : i32, i32
  }
  func.func @transform_4(%arg0: i32) -> (i32, i32, i32) {
    %c0_i32 = arith.constant 0 : i32
    %c0_i32_0 = arith.constant 0 : i32
    %c0_i32_1 = arith.constant 0 : i32
    %c0_i32_2 = arith.constant 0 : i32
    return %c0_i32, %c0_i32_0, %c0_i32_1 : i32, i32, i32
  }
  func.func @transform_5(%arg0: i32) -> (i32, i32) {
    %c0_i32 = arith.constant 0 : i32
    %c0_i32_0 = arith.constant 0 : i32
    return %arg0, %c0_i32 : i32, i32
  }
  func.func @transform_6(%arg0: i32) -> (i32, i32, i32) {
    %c0_i32 = arith.constant 0 : i32
    %c0_i32_0 = arith.constant 0 : i32
    %c0_i32_1 = arith.constant 0 : i32
    return %c0_i32, %arg0, %c0_i32_0 : i32, i32, i32
  }
}

module attributes {stable_mosaic.version = 14 : i64} {
  func.func @_bnfin_body(%arg0: i32, %arg1: memref<1000x128xf32, #tpu.memory_space<vmem>>, %arg2: memref<2x8x128xf32, #tpu.memory_space<vmem>>, %arg3: memref<1x128xf32, #tpu.memory_space<vmem>>, %arg4: memref<1x128xf32, #tpu.memory_space<vmem>>, %arg5: memref<1000x128xf32, #tpu.memory_space<vmem>>) attributes {dimension_semantics = [#tpu.dimension_semantics<arbitrary>], iteration_bounds = array<i64: 10>, scalar_prefetch = 0 : i64, scratch_operands = 0 : i64, tpu.core_type = #tpu.core_type<tc>, window_params = [{transform_indices = @transform_0, window_bounds = array<i64: 1000, 128>}, {pipeline_mode = #tpu.pipeline_mode<synchronous>, transform_indices = @transform_1, window_bounds = array<i64: 2, 8, 128>}, {pipeline_mode = #tpu.pipeline_mode<synchronous>, transform_indices = @transform_2, window_bounds = array<i64: 1, 128>}, {pipeline_mode = #tpu.pipeline_mode<synchronous>, transform_indices = @transform_3, window_bounds = array<i64: 1, 128>}, {transform_indices = @transform_4, window_bounds = array<i64: 1000, 128>}]} {
    %get3A = arith.constant 0 : index
    %get3A_0 = arith.constant 0 : index
    %get3A_1 = arith.constant 0 : index
    %get3A_2 = vector.load %arg2[%get3A, %get3A_0, %get3A_1] : memref<2x8x128xf32, #tpu.memory_space<vmem>>, vector<1x1x128xf32>
    %get3A_3 = vector.shape_cast %get3A_2 : vector<1x1x128xf32> to vector<1x128xf32>
    %mul3A = arith.constant 9.99999974E-5 : f32
    %mul3A_4 = vector.broadcast %mul3A : f32 to vector<1x128xf32>
    %mul3A_5 = arith.mulf %get3A_3, %mul3A_4 : vector<1x128xf32>
    %get3A_6 = arith.constant 1 : index
    %get3A_7 = arith.constant 0 : index
    %get3A_8 = arith.constant 0 : index
    %get3A_9 = vector.load %arg2[%get3A_6, %get3A_7, %get3A_8] : memref<2x8x128xf32, #tpu.memory_space<vmem>>, vector<1x1x128xf32>
    %get3A_10 = vector.shape_cast %get3A_9 : vector<1x1x128xf32> to vector<1x128xf32>
    %mul3A_11 = arith.constant 9.99999974E-5 : f32
    %mul3A_12 = vector.broadcast %mul3A_11 : f32 to vector<1x128xf32>
    %mul3A_13 = arith.mulf %get3A_10, %mul3A_12 : vector<1x128xf32>
    %mul3A_14 = arith.mulf %mul3A_5, %mul3A_5 : vector<1x128xf32>
    %sub3A = arith.subf %mul3A_13, %mul3A_14 : vector<1x128xf32>
    %add3A = arith.constant 9.99999974E-6 : f32
    %add3A_15 = vector.broadcast %add3A : f32 to vector<1x128xf32>
    %add3A_16 = arith.addf %sub3A, %add3A_15 : vector<1x128xf32>
    %rsqrt3A = math.rsqrt %add3A_16 : vector<1x128xf32>
    %get3A_17 = arith.constant 0 : index
    %get3A_18 = arith.constant 0 : index
    %get3A_19 = vector.load %arg1[%get3A_17, %get3A_18] : memref<1000x128xf32, #tpu.memory_space<vmem>>, vector<1000x128xf32>
    %sub3A_20 = vector.broadcast %mul3A_5 : vector<1x128xf32> to vector<1000x128xf32>
    %sub3A_21 = arith.subf %get3A_19, %sub3A_20 : vector<1000x128xf32>
    %get3A_22 = arith.constant 0 : index
    %get3A_23 = arith.constant 0 : index
    %get3A_24 = vector.load %arg3[%get3A_22, %get3A_23] : memref<1x128xf32, #tpu.memory_space<vmem>>, vector<1x128xf32>
    %mul3A_25 = arith.mulf %rsqrt3A, %get3A_24 : vector<1x128xf32>
    %mul3A_26 = vector.broadcast %mul3A_25 : vector<1x128xf32> to vector<1000x128xf32>
    %mul3A_27 = arith.mulf %sub3A_21, %mul3A_26 : vector<1000x128xf32>
    %get3A_28 = arith.constant 0 : index
    %get3A_29 = arith.constant 0 : index
    %get3A_30 = vector.load %arg4[%get3A_28, %get3A_29] : memref<1x128xf32, #tpu.memory_space<vmem>>, vector<1x128xf32>
    %add3A_31 = vector.broadcast %get3A_30 : vector<1x128xf32> to vector<1000x128xf32>
    %add3A_32 = arith.addf %mul3A_27, %add3A_31 : vector<1000x128xf32>
    %swap3A = arith.constant 0 : index
    %swap3A_33 = arith.constant 0 : index
    %swap3A_34 = vector.load %arg5[%swap3A, %swap3A_33] : memref<1000x128xf32, #tpu.memory_space<vmem>>, vector<1000x128xf32>
    tpu.vector_store %arg5[%swap3A, %swap3A_33], %add3A_32 {strides = array<i32>} : memref<1000x128xf32, #tpu.memory_space<vmem>>, vector<1000x128xf32>,
    return
  }
  func.func @transform_0(%arg0: i32) -> (i32, i32) {
    %c0_i32 = arith.constant 0 : i32
    %c0_i32_0 = arith.constant 0 : i32
    return %arg0, %c0_i32 : i32, i32
  }
  func.func @transform_1(%arg0: i32) -> (i32, i32, i32) {
    %c0_i32 = arith.constant 0 : i32
    %c0_i32_0 = arith.constant 0 : i32
    %c0_i32_1 = arith.constant 0 : i32
    %c0_i32_2 = arith.constant 0 : i32
    return %c0_i32, %c0_i32_0, %c0_i32_1 : i32, i32, i32
  }
  func.func @transform_2(%arg0: i32) -> (i32, i32) {
    %c0_i32 = arith.constant 0 : i32
    %c0_i32_0 = arith.constant 0 : i32
    %c0_i32_1 = arith.constant 0 : i32
    return %c0_i32, %c0_i32_0 : i32, i32
  }
  func.func @transform_3(%arg0: i32) -> (i32, i32) {
    %c0_i32 = arith.constant 0 : i32
    %c0_i32_0 = arith.constant 0 : i32
    %c0_i32_1 = arith.constant 0 : i32
    return %c0_i32, %c0_i32_0 : i32, i32
  }
  func.func @transform_4(%arg0: i32) -> (i32, i32) {
    %c0_i32 = arith.constant 0 : i32
    %c0_i32_0 = arith.constant 0 : i32
    return %arg0, %c0_i32 : i32, i32
  }
}

</mosaic_0001>

<sc_bundles>
// kernel: kernel.13.cloned.1.call-start
scs
__scs_entry_jumppad:
0x0: {  	(pc) =	sbr.rel $0x88, $3  }
0x1: {  	(tag) =	ssettag $0x0;
	lr =	simm.s32 $0x1  }
0x2: {  	[smem:$0x3F93] =	sst lr;
	_ =	strace $0xD0000000  }
0x3: {  	_ = 	snop  }
0x4: {  	_ = 	snop  }
0x5: {  	_ = 	snop  }
0x6: {  	_ = 	snop  }
0x7: {  	_ = 	snop  }
__scs_overlays_trampoline_lowered:
0x8: {  	[smem:$0x3FA2] =	sst s0  }
0x9: {  	[smem:$0x3FA3] =	sst s1  }
0xa: {  	[smem:$0x3FA4] =	sst s2  }
0xb: {  	[smem:$0x3FA5] =	sst s3  }
0xc: {  	[smem:$0x3FA6] =	sst s4  }
0xd: {  	[smem:$0x3FA7] =	sst s5  }
0xe: {  	[smem:$0x3FA8] =	sst s6  }
0xf: {  	[smem:$0x3FA9] =	sst s7  }
0x10: {  	[smem:$0x3FAA] =	sst s8  }
0x11: {  	[smem:$0x3FAB] =	sst s9;
	s0 =	simm.s32 @!p0 $0x0  }
0x12: {  	s1 =	sld [smem:$0x3F91];
	s0 =	simm.s32 @p0 $0x1  }
0x13: {  	[smem:$0x3FAC] =	sst s0;
	s0 =	simm.s32 @!p1 $0x0  }
0x14: {  	s2 =	sld [smem:$0x3F90];
	s0 =	simm.s32 @p1 $0x1  }
0x15: {  	[smem:$0x3FAD] =	sst s0;
	s0 =	simm.s32 @!p2 $0x0  }
0x16: {  	s3 =	sld [smem:$0x3FDB];
	s0 =	simm.s32 @p2 $0x1  }
0x17: {  	s4 =	simm.s32 $0x1BF5;
	[smem:$0x3FAF] =	sst s0  }
0x18: {  	s0 =	sld [smem:$0x3F92];
	_ =	swait.ge [sflag:s4], $0x0  }
0x19: {  	s7 =	sld [smem:$0x3F93]  }
0x1a: {  	s8 =	sadd.s32 $0xFFFFE003, lr  }
0x1b: {  	s9 =	sadd.s32 $0xFFFFFEF7, lr;
	s5 =	simm.s32 $0xFFFFFFFF;
	p2 =	slt.u32 s8, $0xFFFFF086  }
0x1c: {  	p1 =	slt.u32 s9, $0xF7A;
	s5 =	simm.s32 @!p2 $0x0  }
0x1d: {  	s5 =	simm.s32 @p1 $0x1;
	p0 =	seq.s32 s7, s2  }
0x1e: {  	s7 =	smul.u32 @!p0 $0xF7A, s2;
	p2 =	seq.s32 @!p0 s5, $0x0  }
0x1f: {  	s9 =	smul.u32 $0xF7A, s1;
	s8 =	simm.s32 @!p0 $0x1BF5;
	p2 =	por !p2, p0  }
0x20: {  	[sflag:s8] =	ssyncset.s32 @!p0 $0xFFFFF086;
	s6 =	sadd.s32 @!p0 s3, s7;
	s7 =	simm.s32 @!p0 $0x108  }
0x21: {  	s3 =	sadd.s32 s3, s9;
	s6 =	sadd.s32 @!p0 $0x88, s6;
	s7 =	simm.s32 @p2 $0x1082  }
0x22: {  	[simem:s7], [sflag:s8] =	dma.local @!p0 [hbm:s6], $0xF7A  }
0x23: {  	s9 =	sor.u32 $0xD0000000, s2;
	s6 =	simm.s32 $0x108;
	_ =	swait.ge @!p0 [sflag:s8], $0x0  }
0x24: {  	s3 =	sadd.s32 $0x88, s3;
	s6 =	simm.s32 @!p1 $0x1082;
	[sflag:s4] =	ssyncset.s32 $0xFFFFF086  }
0x25: {  	[simem:s6], [sflag:s4] =	dma.local [hbm:s3], $0xF7A  }
0x26: {  	[smem:$0x3F93] =	sst s1;
	(tag) =	ssettag s2;
	_ =	strace s9  }
0x27: {  	s1 =	sld [smem:$0x3FA3]  }
0x28: {  	s2 =	sld [smem:$0x3FA4]  }
0x29: {  	s4 =	sld [smem:$0x3FA6]  }
0x2a: {  	p0 =	seq.s32 s5, $0x0;
	s5 =	sld [smem:$0x3FA7]  }
0x2b: {  	s6 =	sld [smem:$0x3FA8]  }
0x2c: {  	s7 =	sld [smem:$0x3FA9]  }
0x2d: {  	s3 =	simm.s32 $0x108;
	s8 =	sld [smem:$0x3FAA]  }
0x2e: {  	s3 =	simm.s32 @!p0 $0x1082;
	s9 =	sld [smem:$0x3FAB]  }
0x2f: {  	lr =	sadd.s32 s0, s3;
	s0 =	sld [smem:$0x3FA2]  }
0x30: {  	s3 =	sld [smem:$0x3FA5]  }
0x31: {  	[smem:$0x3FAE] =	sst s10  }
0x32: {  	s10 =	sld [smem:$0x3FAC];
	_ =	sdelay $0x3  }
0x33: {  	p0 =	seq.s32 s10, $0x1;
	s10 =	sld [smem:$0x3FAE];
	_ =	sdelay $0x3  }
0x34: {  	[smem:$0x3FAE] =	sst s10  }
0x35: {  	s10 =	sld [smem:$0x3FAD];
	_ =	sdelay $0x3  }
0x36: {  	p1 =	seq.s32 s10, $0x1;
	s10 =	sld [smem:$0x3FAE];
	_ =	sdelay $0x3  }
0x37: {  	[smem:$0x3FAE] =	sst s10  }
0x38: {  	s10 =	sld [smem:$0x3FAF]  }
0x39: {  	_ = 	snop;
	(pc) =	sbr.ind lr, $3  }
0x3a: {  	_ = 	snop  }
0x3b: {  	_ = 	snop  }
0x3c: {  	p2 =	seq.s32 s10, $0x1;
	s10 =	sld [smem:$0x3FAE]  }
0x3d: {  	_ =	shalt  }
0x3e: {  	_ =	shalt  }
0x3f: {  	_ =	shalt  }
0x40: {  	_ =	shalt  }
0x41: {  	_ =	shalt  }
0x42: {  	_ =	shalt  }
0x43: {  	_ =	shalt  }
0x44: {  	_ =	shalt  }
0x45: {  	_ =	shalt  }
0x46: {  	_ =	shalt  }
0x47: {  	_ =	shalt  }
0x48: {  	_ =	shalt  }
0x49: {  	_ =	shalt  }
0x4a: {  	_ =	shalt  }
0x4b: {  	_ =	shalt  }
0x4c: {  	_ =	shalt  }
0x4d: {  	_ =	shalt  }
0x4e: {  	_ =	shalt  }
0x4f: {  	_ =	shalt  }
0x50: {  	_ =	shalt  }
0x51: {  	_ =	shalt  }
0x52: {  	_ =	shalt  }
0x53: {  	_ =	shalt  }
0x54: {  	_ =	shalt  }
0x55: {  	_ =	shalt  }
0x56: {  	_ =	shalt  }
0x57: {  	_ =	shalt  }
0x58: {  	_ =	shalt  }
0x59: {  	_ =	shalt  }
0x5a: {  	_ =	shalt  }
0x5b: {  	_ =	shalt  }
0x5c: {  	_ =	shalt  }
0x5d: {  	_ =	shalt  }
0x5e: {  	_ =	shalt  }
0x5f: {  	_ =	shalt  }
0x60: {  	_ =	shalt  }
0x61: {  	_ =	shalt  }
0x62: {  	_ =	shalt  }
0x63: {  	_ =	shalt  }
0x64: {  	_ =	shalt  }
0x65: {  	_ =	shalt  }
0x66: {  	_ =	shalt  }
0x67: {  	_ =	shalt  }
0x68: {  	_ =	shalt  }
0x69: {  	_ =	shalt  }
0x6a: {  	_ =	shalt  }
0x6b: {  	_ =	shalt  }
0x6c: {  	_ =	shalt  }
0x6d: {  	_ =	shalt  }
0x6e: {  	_ =	shalt  }
0x6f: {  	_ =	shalt  }
0x70: {  	_ =	shalt  }
0x71: {  	_ =	shalt  }
0x72: {  	_ =	shalt  }
0x73: {  	_ =	shalt  }
0x74: {  	_ =	shalt  }
0x75: {  	_ =	shalt  }
0x76: {  	_ =	shalt  }
0x77: {  	_ =	shalt  }
0x78: {  	_ =	shalt  }
0x79: {  	_ =	shalt  }
0x7a: {  	_ =	shalt  }
0x7b: {  	_ =	shalt  }
0x7c: {  	_ =	shalt  }
0x7d: {  	_ =	shalt  }
0x7e: {  	_ =	shalt  }
0x7f: {  	_ =	shalt  }
0x80: {  	_ =	shalt  }
0x81: {  	_ =	shalt  }
0x82: {  	_ =	shalt  }
0x83: {  	_ =	shalt  }
0x84: {  	_ =	shalt  }
0x85: {  	_ =	shalt  }
0x86: {  	_ =	shalt  }
0x87: {  	_ =	shalt  }
.Lfunc_end0:
.L_simem_size_0:
called_computation_lowered:
.L_overlay_start_0:
0x88: {  	s2 =	sld [smem:$0x3FD9]  }
0x89: {  	s3 =	sld [smem:$0x3FFE];
	_ =	sdelay $0x1  }
0x8a: {  	s1 =	srdreg.scid  }
0x8b: {  	s0 =	sand.u32 $0x1, s1  }
0x8c: {  	s17 =	sshll.u32 s0, $0xA;
	s2 =	sadd.s32 s3, s2  }
0x8d: {  	s2 =	sadd.s32 s2, s17  }
0x8e: {  	[smem:$0x3FBA] =	sst s2  }
0x8f: {  	_ = 	snop  }
0x90: {  	s2 =	sld [smem:$0x3FD0];
	(tm) =	ssettm $0x1  }
0x91: {  	s18 =	sld [smem:$0x3FFB];
	_ =	sdelay $0x3  }
0x92: {  	_ =	strace s18  }
0x93: {  	s3 =	sld [smem:$0x3FFC];
	_ =	sdelay $0x3  }
0x94: {  	_ =	strace s3  }
0x95: {  	s3 =	sld [smem:$0x3FFD];
	_ =	sdelay $0x3  }
0x96: {  	_ =	strace s3  }
0x97: {  	_ =	strace $0x8FFFFFFF  }
0x98: {  	s19 =	sld [smem:$0x3FDB];
	_ =	sdelay $0x1  }
0x99: {  	s4 =	simm.s32 $_scs_section_size  }
0x9a: {  	s5 =	simm.s32 $_size__tile_overlayer_lowered;
	s6 =	simm.s32 $_tile_overlayer_lowered  }
0x9b: {  	s22 =	simm.s32 $0x1BFF;
	s21 =	sshll.u32 s6, $0x1;
	s3 =	sadd.s32 s4, s19  }
0x9c: {  	s7 =	simm.s32 $0x0;
	s20 =	sshll.u32 s5, $0x1;
	s5 =	sadd.s32 s21, s3  }
0x9d: {  	[timem:s7], [sflag:s22] =	dma.local [hbm:s5], s20  }
0x9e: {  	_ =	swait.ge [sflag:s22], s20  }
0x9f: {  	s4 =	ssub.s32 $0x0, s20;
	[sflag:s22] =	ssyncset.done $0x0  }
0xa0: {  	[sflag:s22] =	ssyncadd.s32 s4;
	_ =	sdelay $0x1  }
0xa1: {  	s23 =	simm.s32 $0x1B8B  }
0xa2: {  	_ =	swait.ge [sflag:s23], $0x1  }
0xa3: {  	[sflag:s23] =	ssyncset.done $0x0  }
0xa4: {  	s25 =	simm.s32 $0x1B8E;
	s24 =	sld [smem:$0x3FFE];
	[sflag:s23] =	ssyncadd.s32 $0xFFFFFFFF  }
0xa5: {  	s26 =	simm.s32 $execute0_lowered;
	[smem:$0x3FD2] =	sst s25  }
0xa6: {  	s5 =	sshll.u32 s26, $0x1;
	_ =	strace $0x80000046;
	[dreg:$0x1] =	wrdreg $0xFFFFFFFF  }
0xa7: {  	s28 =	simm.s32 $_size_execute0_lowered;
	s3 =	sadd.s32 s3, s5;
	[dreg:$0x0] =	wrdreg $0x0  }
0xa8: {  	s5 =	sshll.u32 s28, $0x1;
	[dreg:$0x2] =	wrdreg s3  }
0xa9: {  	[dreg:$0x3] =	wrdreg s5  }
0xaa: {  	[dreg:$0x4] =	wrdreg $0xC0  }
0xab: {  	_ =	task [dreg:s7], $0x5FFFF  }
0xac: {  	[dreg:$0x1] =	wrdreg $0xFFFFFFFF  }
0xad: {  	[dreg:$0x0] =	wrdreg $0x60  }
0xae: {  	[dreg:$0x2] =	wrdreg s24  }
0xaf: {  	[dreg:$0x3] =	wrdreg s2  }
0xb0: {  	[dreg:$0x4] =	wrdreg $0xA8000  }
0xb1: {  	[dreg:$0x5] =	wrdreg $0x9  }
0xb2: {  	_ =	task.clear_ibuf [dreg:s7], $0x6FFFF;
	_ =	strace $0x90000046  }
0xb3: {  	s29 =	simm.s32 $0x9;
	_ =	strace $0x80000048  }
0xb4: {  	_ =	swait.ge [sflag:s29], $0x1  }
0xb5: {  	[sflag:s29] =	ssyncadd.s32 $0xFFFFFFFF  }
0xb6: {  	_ =	strace $0x90000048  }
0xb7: {  	_ =	sfence  }
0xb8: {  	s30 =	sld [smem:$0x0];
	_ =	sdelay $0x2  }
0xb9: {  	s31 =	sshll.u32 s1, $0xD;
	s1 =	sshrl.u32 s1, $0x2  }
0xba: {  	s3 =	sand.u32 $0x4000, s31;
	s1 =	sadd.s32 s1, s30  }
0xbb: {  	s0 =	sor.u32 s3, s0;
	s1 =	sshll.u32 s1, $0x11  }
0xbc: {  	s0 =	sor.u32 s1, s0  }
0xbd: {  	s0 =	sadd.s32 $0x8F2B, s0  }
0xbe: {  	[sflag:s0] =	ssyncadd.remote.s32 $0x1  }
0xbf: {  	_ =	sfence.sel $0xFFFF  }
0xc0: {  	[dreg:$0x0] =	wrdreg $0xFFFFFFFF;
	(pc) =	sbr.abs _section_cstart, $3  }
0xc1: {  	[dreg:$0x1] =	wrdreg $0xFFFFFFFF  }
0xc2: {  	_ =	task.clear_ibuf [dreg:s7], $0x2FFFF;
	_ =	strace $0x9FFFFFFF  }
0xc3: {  	(tm) =	ssettm $0x7FFFFFFF  }
tec
execute0_lowered:
.L_overlay_start_1:
0x0: {  	(tag) =	ssettag $0x1  }
0x1: {  	s4 =	rddreg [dreg:$0x0]  }
0x2: {  	s5 =	rddreg [dreg:$0x1]  }
0x3: {  	s2 =	rddreg [dreg:$0x2]  }
0x4: {  	s0 =	rddreg [dreg:$0x3]  }
0x5: {  	s3 =	simm.s32 $0x0;
	s1 =	stileid.u32;
	s6 =	srdreg.scid  }
0x6: {  	s17 =	simm.s32 $0x1;
	s18 =	simm.s32 $0x80;
	s19 =	simm.s32 $0x2  }
0x7: {  	s20 =	simm.s32 $0x2700;
	s21 =	simm.s32 $0x2780;
	s7 =	smul.u32 $0x13C00, s1  }
0x8: {  	s22 =	simm.s32 $0x0;
	[smem:$0x7FF] =	sst s3;
	s23 =	smul.u32 $0x4F000, s1  }
0x9: {  	s6 =	sand.u32 $0x1, s6;
	s8 =	sshll.u32 s1, $0x1;
	s25 =	smul.u32 $0x280000, s1  }
0xa: {  	s11 =	sadd.s32 $0x275800, s4;
	s31 =	sshll.u32 s1, $0x6;
	s9 =	smul.u32 $0x13C000, s6  }
0xb: {  	_ =	strace $0x80000047;
	s8 =	sor.u32 s6, s8;
	s15 =	smul.u32 $0x140000, s6  }
0xc: {  	s24 =	ssub.s32 $0x2, s6;
	s10 =	smul.u32 $0x500, s8;
	s12 =	sshrl.u32 s7, $0x3  }
0xd: {  	s8 =	smul.u32 $0x28000, s8;
	s14 =	sshrl.u32 s24, $0x1;
	s7 =	sadd.s32 s7, s9  }
0xe: {  	s12 =	sadd.s32 s12, s4;
	s9 =	sshrl.u32 s23, $0x2;
	s14 =	ssub.s32 s24, s14  }
0xf: {  	s26 =	sadd.s32 s15, s25;
	s15 =	simm.s32 $0x2800;
	s7 =	sshrl.u32 s7, $0x3  }
0x10: {  	s16 =	sadd.s32 s9, s2;
	s6 =	sadd.s32 s11, s8;
	s28 =	sor.u32 $0xC000, s26  }
0x11: {  	s9 =	smax.u32 s14, $0x1;
	s29 =	sor.u32 $0x8000, s26;
	s13 =	sadd.s32 s7, s4  }
0x12: {  	s4 =	sadd.s32 s5, s10;
	s5 =	sadd.s32 $0xE400, s12;
	s7 =	sadd.s32 $0x800, s6  }
0x13: {  	s12 =	sshrl.u32 s28, $0x3;
	s30 =	sshrl.u32 s29, $0x3;
	s14 =	sshrl.u32 s16, $0x3  }
0x14: {  	s16 =	simm.s32 $0x6800;
	s8 =	sadd.s32 $0x35C00, s13;
	s10 =	sadd.s32 s12, s11  }
0x15: {  	s11 =	sadd.s32 s30, s11;
	s12 =	simm.s32 $0x3;
	s13 =	sor.u32 $0x1C03, s31  }
.LBB2_1:
0x16: {  	[tilespmem:s3], [sflag:$0x3] =	stream.linear.gather [hbm4b:s4+s3], $0x2800, $0x38;
	[tilespmem:$0x1E400] =	vst v63  }
0x17: {  	_ =	swait.ge [sflag:s12], $0x2800  }
0x18: {  	[sflag:s12] =	ssyncset.done $0x0  }
0x19: {  	[sflag:s12] =	ssyncadd.s32 $0xFFFFD800  }
0x1a: {  	[spmem:s14], [sflag:s13] =	dma.local [hbm:s5], $0x2780  }
0x1b: {  	_ =	swait.ge [sflag:s12], $0x2780  }
0x1c: {  	[sflag:s12] =	ssyncset.done $0x0  }
0x1d: {  	[sflag:s12] =	ssyncadd.s32 $0xFFFFD880  }
0x1e: {  	[bflag:$0x0] =	sbarrier.arrive $0xFFFF  }
0x1f: {  	[tilespmem:s15], [sflag:$0x1] =	stream.linear.gather [hbm4b:s6+s3], $0x4000, $0x38;
	[tilespmem:$0x1E400] =	vst v63  }
0x20: {  	_ = 	snop  }
0x21: {  	[tilespmem:s16], [sflag:$0x2] =	stream.linear.gather [hbm4b:s7+s3], $0x4000, $0x38;
	[tilespmem:$0x1E400] =	vst v63  }
0x22: {  	_ =	swait.ge [sflag:s17], $0x4000  }
0x23: {  	[sflag:s17] =	ssyncset.done $0x0  }
0x24: {  	s23 =	simm.s32 $0x0;
	[sflag:s17] =	ssyncadd.s32 $0xFFFFC000  }
0x25: {  	[spmem:s2] =	stream.indirect.scatter.add.f32 [tilespmem:s15], [sflag:$0x3], $0x80, s23, s18, $0xb8;
	[tilespmem:$0x1E400] =	vst v63  }
0x26: {  	_ =	swait.ge [sflag:s12], $0x4000  }
0x27: {  	[sflag:s12] =	ssyncset.done $0x0  }
0x28: {  	s31 =	sadd.s32 $0x0, s11;
	[sflag:s12] =	ssyncadd.s32 $0xFFFFC000  }
0x29: {  	[tilespmem:s15], [sflag:$0x1] =	stream.linear.gather [hbm4b:s31+s3], $0x4000, $0x38;
	[tilespmem:$0x1E400] =	vst v63  }
0x2a: {  	_ =	swait.ge [sflag:s19], $0x4000  }
0x2b: {  	[sflag:s19] =	ssyncset.done $0x0  }
0x2c: {  	[sflag:s19] =	ssyncadd.s32 $0xFFFFC000  }
0x2d: {  	[spmem:s2] =	stream.indirect.scatter.add.f32 [tilespmem:s16], [sflag:$0x3], $0x80, s18, s18, $0xb8;
	[tilespmem:$0x1E400] =	vst v63  }
0x2e: {  	_ =	swait.ge [sflag:s12], $0x4000  }
0x2f: {  	s25 =	sadd.s32 $0x0, s10;
	[sflag:s12] =	ssyncset.done $0x0  }
0x30: {  	s24 =	simm.s32 $0x180;
	s23 =	simm.s32 $0x1000;
	[sflag:s12] =	ssyncadd.s32 $0xFFFFC000  }
.LBB2_2:
0x31: {  	[tilespmem:s16], [sflag:$0x2] =	stream.linear.gather [hbm4b:s25+s3], $0x4000, $0x38;
	[tilespmem:$0x1E400] =	vst v63  }
0x32: {  	s25 =	smov.u32 s23  }
0x33: {  	p0 =	sne.s32 s23, $0x26000;
	s23 =	sadd.s32 $0x1000, s23;
	_ =	swait.ge [sflag:s17], $0x4000  }
0x34: {  	[sflag:s17] =	ssyncset.done $0x0  }
0x35: {  	s26 =	sadd.s32 $0xFFFFFF80, s24;
	[sflag:s17] =	ssyncadd.s32 $0xFFFFC000  }
0x36: {  	[spmem:s2] =	stream.indirect.scatter.add.f32 [tilespmem:s15], [sflag:$0x3], $0x80, s26, s18, $0xb8;
	[tilespmem:$0x1E400] =	vst v63  }
0x37: {  	_ =	swait.ge [sflag:s12], $0x4000  }
0x38: {  	[sflag:s12] =	ssyncset.done $0x0  }
0x39: {  	s26 =	sadd.s32 s25, s11;
	[sflag:s12] =	ssyncadd.s32 $0xFFFFC000  }
0x3a: {  	[tilespmem:s15], [sflag:$0x1] =	stream.linear.gather [hbm4b:s26+s3], $0x4000, $0x38;
	[tilespmem:$0x1E400] =	vst v63  }
0x3b: {  	_ =	swait.ge [sflag:s19], $0x4000  }
0x3c: {  	[sflag:s19] =	ssyncset.done $0x0  }
.Ltmp0:
0x3d: {  	[sflag:s19] =	ssyncadd.s32 $0xFFFFC000;
	(pc) =	sbr.rel @p0 .LBB2_2-.Ltmp0, $4  }
0x3e: {  	[spmem:s2] =	stream.indirect.scatter.add.f32 [tilespmem:s16], [sflag:$0x3], $0x80, s24, s18, $0xb8;
	[tilespmem:$0x1E400] =	vst v63  }
0x3f: {  	_ =	swait.ge [sflag:s12], $0x4000  }
0x40: {  	[sflag:s12] =	ssyncset.done $0x0  }
0x41: {  	s25 =	sadd.s32 s25, s10;
	s24 =	sadd.s32 $0x100, s24;
	[sflag:s12] =	ssyncadd.s32 $0xFFFFC000  }
0x42: {  	[tilespmem:s16], [sflag:$0x2] =	stream.linear.gather [hbm4b:s25+s3], $0x4000, $0x38;
	[tilespmem:$0x1E400] =	vst v63  }
0x43: {  	_ =	swait.ge [sflag:s17], $0x4000  }
0x44: {  	[sflag:s17] =	ssyncset.done $0x0  }
0x45: {  	[sflag:s17] =	ssyncadd.s32 $0xFFFFC000  }
0x46: {  	[spmem:s2] =	stream.indirect.scatter.add.f32 [tilespmem:s15], [sflag:$0x3], $0x80, s20, s18, $0xb8;
	[tilespmem:$0x1E400] =	vst v63  }
0x47: {  	_ =	swait.ge [sflag:s12], $0x4000  }
0x48: {  	[sflag:s12] =	ssyncset.done $0x0  }
0x49: {  	[sflag:s12] =	ssyncadd.s32 $0xFFFFC000  }
0x4a: {  	_ =	swait.ge [sflag:s19], $0x4000  }
0x4b: {  	[sflag:s19] =	ssyncset.done $0x0  }
0x4c: {  	[sflag:s19] =	ssyncadd.s32 $0xFFFFC000  }
0x4d: {  	[spmem:s2] =	stream.indirect.scatter.add.f32 [tilespmem:s16], [sflag:$0x3], $0x80, s21, s18, $0xb8;
	[tilespmem:$0x1E400] =	vst v63  }
0x4e: {  	_ =	swait.ge [sflag:s12], $0x4000  }
0x4f: {  	s22 =	sadd.s32 $0x1, s22;
	[sflag:s12] =	ssyncset.done $0x0  }
0x50: {  	p0 =	sne.s32 s22, s9;
	[sflag:s12] =	ssyncadd.s32 $0xFFFFC000  }
.Ltmp1:
0x51: {  	[bflag:$0x0] =	sbarrier.arrive $0xFFFF;
	(pc) =	sbr.rel @p0 .LBB2_1-.Ltmp1, $4  }
0x52: {  	[hbm:s8], [sflag:s13] =	dma.local [spmem:s14], $0x2780  }
0x53: {  	_ =	swait.ge [sflag:s12], $0x2780  }
0x54: {  	[sflag:s12] =	ssyncset.done $0x0  }
0x55: {  	[sflag:s12] =	ssyncadd.s32 $0xFFFFD880  }
0x56: {  	_ =	sfence.sel $0x180000  }
0x57: {  	[bflag:$0x0] =	sbarrier.arrive $0xFFFF  }
0x58: {  	p0 =	sne.s32 s1, $0x0;
	_ =	strace $0x90000047  }
0x59: {  	s0 =	sadd.s32 @!p0 $0x100000, s0;
	[bflag:$0x2] =	sbarrier.arrive $0xFFFF  }
0x5a: {  	[sflag:s0] =	ssyncadd.tile.s32 @!p0 $0x1;
	_ =	shalt  }
.Lfunc_end2:
_tile_overlayer_lowered:
.L_overlay_start_2:
0x5b: {  	(tag) =	ssettag $0x2  }
0x5c: {  	s0 =	rddreg [dreg:$0x0];
	s2 =	stileid.u32  }
0x5d: {  	s1 =	rddreg [dreg:$0x1];
	p0 =	sne.s32 s2, $0x0  }
0x5e: {  	s3 =	rddreg [dreg:$0x2];
	[bflag:$0x3] =	sbarrier.arrive $0xFFFF;
	s2 =	simm.s32 @!p0 $0x1C03  }
0x5f: {  	[timem:s3], [sflag:s2] =	dma.local @!p0 [hbm:s0], s1  }
0x60: {  	s0 =	simm.s32 @!p0 $0x3  }
0x61: {  	_ =	swait.ge @!p0 [sflag:s0], s1  }
0x62: {  	s1 =	ssub.s32 @!p0 $0x0, s1;
	[sflag:s0] =	ssyncset.done @!p0 $0x0  }
0x63: {  	[sflag:s0] =	ssyncadd.s32 @!p0 s1  }
0x64: {  	[bflag:$0x3] =	sbarrier.arrive $0xFFFF  }
0x65: {  	_ =	shalt  }

// kernel: kernel.16.cloned.1.call-start
scs
__scs_entry_jumppad:
0x0: {  	(pc) =	sbr.rel $0x88, $3  }
0x1: {  	(tag) =	ssettag $0x0;
	lr =	simm.s32 $0x1  }
0x2: {  	[smem:$0x3F93] =	sst lr;
	_ =	strace $0xD0000000  }
0x3: {  	_ = 	snop  }
0x4: {  	_ = 	snop  }
0x5: {  	_ = 	snop  }
0x6: {  	_ = 	snop  }
0x7: {  	_ = 	snop  }
__scs_overlays_trampoline_lowered:
0x8: {  	[smem:$0x3FA2] =	sst s0  }
0x9: {  	[smem:$0x3FA3] =	sst s1  }
0xa: {  	[smem:$0x3FA4] =	sst s2  }
0xb: {  	[smem:$0x3FA5] =	sst s3  }
0xc: {  	[smem:$0x3FA6] =	sst s4  }
0xd: {  	[smem:$0x3FA7] =	sst s5  }
0xe: {  	[smem:$0x3FA8] =	sst s6  }
0xf: {  	[smem:$0x3FA9] =	sst s7  }
0x10: {  	[smem:$0x3FAA] =	sst s8  }
0x11: {  	[smem:$0x3FAB] =	sst s9;
	s0 =	simm.s32 @!p0 $0x0  }
0x12: {  	s1 =	sld [smem:$0x3F91];
	s0 =	simm.s32 @p0 $0x1  }
0x13: {  	[smem:$0x3FAC] =	sst s0;
	s0 =	simm.s32 @!p1 $0x0  }
0x14: {  	s2 =	sld [smem:$0x3F90];
	s0 =	simm.s32 @p1 $0x1  }
0x15: {  	[smem:$0x3FAD] =	sst s0;
	s0 =	simm.s32 @!p2 $0x0  }
0x16: {  	s3 =	sld [smem:$0x3FDB];
	s0 =	simm.s32 @p2 $0x1  }
0x17: {  	s4 =	simm.s32 $0x1BF5;
	[smem:$0x3FAF] =	sst s0  }
0x18: {  	s0 =	sld [smem:$0x3F92];
	_ =	swait.ge [sflag:s4], $0x0  }
0x19: {  	s7 =	sld [smem:$0x3F93]  }
0x1a: {  	s8 =	sadd.s32 $0xFFFFE003, lr  }
0x1b: {  	s9 =	sadd.s32 $0xFFFFFEF7, lr;
	s5 =	simm.s32 $0xFFFFFFFF;
	p2 =	slt.u32 s8, $0xFFFFF086  }
0x1c: {  	p1 =	slt.u32 s9, $0xF7A;
	s5 =	simm.s32 @!p2 $0x0  }
0x1d: {  	s5 =	simm.s32 @p1 $0x1;
	p0 =	seq.s32 s7, s2  }
0x1e: {  	s7 =	smul.u32 @!p0 $0xF7A, s2;
	p2 =	seq.s32 @!p0 s5, $0x0  }
0x1f: {  	s9 =	smul.u32 $0xF7A, s1;
	s8 =	simm.s32 @!p0 $0x1BF5;
	p2 =	por !p2, p0  }
0x20: {  	[sflag:s8] =	ssyncset.s32 @!p0 $0xFFFFF086;
	s6 =	sadd.s32 @!p0 s3, s7;
	s7 =	simm.s32 @!p0 $0x108  }
0x21: {  	s3 =	sadd.s32 s3, s9;
	s6 =	sadd.s32 @!p0 $0x88, s6;
	s7 =	simm.s32 @p2 $0x1082  }
0x22: {  	[simem:s7], [sflag:s8] =	dma.local @!p0 [hbm:s6], $0xF7A  }
0x23: {  	s9 =	sor.u32 $0xD0000000, s2;
	s6 =	simm.s32 $0x108;
	_ =	swait.ge @!p0 [sflag:s8], $0x0  }
0x24: {  	s3 =	sadd.s32 $0x88, s3;
	s6 =	simm.s32 @!p1 $0x1082;
	[sflag:s4] =	ssyncset.s32 $0xFFFFF086  }
0x25: {  	[simem:s6], [sflag:s4] =	dma.local [hbm:s3], $0xF7A  }
0x26: {  	[smem:$0x3F93] =	sst s1;
	(tag) =	ssettag s2;
	_ =	strace s9  }
0x27: {  	s1 =	sld [smem:$0x3FA3]  }
0x28: {  	s2 =	sld [smem:$0x3FA4]  }
0x29: {  	s4 =	sld [smem:$0x3FA6]  }
0x2a: {  	p0 =	seq.s32 s5, $0x0;
	s5 =	sld [smem:$0x3FA7]  }
0x2b: {  	s6 =	sld [smem:$0x3FA8]  }
0x2c: {  	s7 =	sld [smem:$0x3FA9]  }
0x2d: {  	s3 =	simm.s32 $0x108;
	s8 =	sld [smem:$0x3FAA]  }
0x2e: {  	s3 =	simm.s32 @!p0 $0x1082;
	s9 =	sld [smem:$0x3FAB]  }
0x2f: {  	lr =	sadd.s32 s0, s3;
	s0 =	sld [smem:$0x3FA2]  }
0x30: {  	s3 =	sld [smem:$0x3FA5]  }
0x31: {  	[smem:$0x3FAE] =	sst s10  }
0x32: {  	s10 =	sld [smem:$0x3FAC];
	_ =	sdelay $0x3  }
0x33: {  	p0 =	seq.s32 s10, $0x1;
	s10 =	sld [smem:$0x3FAE];
	_ =	sdelay $0x3  }
0x34: {  	[smem:$0x3FAE] =	sst s10  }
0x35: {  	s10 =	sld [smem:$0x3FAD];
	_ =	sdelay $0x3  }
0x36: {  	p1 =	seq.s32 s10, $0x1;
	s10 =	sld [smem:$0x3FAE];
	_ =	sdelay $0x3  }
0x37: {  	[smem:$0x3FAE] =	sst s10  }
0x38: {  	s10 =	sld [smem:$0x3FAF]  }
0x39: {  	_ = 	snop;
	(pc) =	sbr.ind lr, $3  }
0x3a: {  	_ = 	snop  }
0x3b: {  	_ = 	snop  }
0x3c: {  	p2 =	seq.s32 s10, $0x1;
	s10 =	sld [smem:$0x3FAE]  }
0x3d: {  	_ =	shalt  }
0x3e: {  	_ =	shalt  }
0x3f: {  	_ =	shalt  }
0x40: {  	_ =	shalt  }
0x41: {  	_ =	shalt  }
0x42: {  	_ =	shalt  }
0x43: {  	_ =	shalt  }
0x44: {  	_ =	shalt  }
0x45: {  	_ =	shalt  }
0x46: {  	_ =	shalt  }
0x47: {  	_ =	shalt  }
0x48: {  	_ =	shalt  }
0x49: {  	_ =	shalt  }
0x4a: {  	_ =	shalt  }
0x4b: {  	_ =	shalt  }
0x4c: {  	_ =	shalt  }
0x4d: {  	_ =	shalt  }
0x4e: {  	_ =	shalt  }
0x4f: {  	_ =	shalt  }
0x50: {  	_ =	shalt  }
0x51: {  	_ =	shalt  }
0x52: {  	_ =	shalt  }
0x53: {  	_ =	shalt  }
0x54: {  	_ =	shalt  }
0x55: {  	_ =	shalt  }
0x56: {  	_ =	shalt  }
0x57: {  	_ =	shalt  }
0x58: {  	_ =	shalt  }
0x59: {  	_ =	shalt  }
0x5a: {  	_ =	shalt  }
0x5b: {  	_ =	shalt  }
0x5c: {  	_ =	shalt  }
0x5d: {  	_ =	shalt  }
0x5e: {  	_ =	shalt  }
0x5f: {  	_ =	shalt  }
0x60: {  	_ =	shalt  }
0x61: {  	_ =	shalt  }
0x62: {  	_ =	shalt  }
0x63: {  	_ =	shalt  }
0x64: {  	_ =	shalt  }
0x65: {  	_ =	shalt  }
0x66: {  	_ =	shalt  }
0x67: {  	_ =	shalt  }
0x68: {  	_ =	shalt  }
0x69: {  	_ =	shalt  }
0x6a: {  	_ =	shalt  }
0x6b: {  	_ =	shalt  }
0x6c: {  	_ =	shalt  }
0x6d: {  	_ =	shalt  }
0x6e: {  	_ =	shalt  }
0x6f: {  	_ =	shalt  }
0x70: {  	_ =	shalt  }
0x71: {  	_ =	shalt  }
0x72: {  	_ =	shalt  }
0x73: {  	_ =	shalt  }
0x74: {  	_ =	shalt  }
0x75: {  	_ =	shalt  }
0x76: {  	_ =	shalt  }
0x77: {  	_ =	shalt  }
0x78: {  	_ =	shalt  }
0x79: {  	_ =	shalt  }
0x7a: {  	_ =	shalt  }
0x7b: {  	_ =	shalt  }
0x7c: {  	_ =	shalt  }
0x7d: {  	_ =	shalt  }
0x7e: {  	_ =	shalt  }
0x7f: {  	_ =	shalt  }
0x80: {  	_ =	shalt  }
0x81: {  	_ =	shalt  }
0x82: {  	_ =	shalt  }
0x83: {  	_ =	shalt  }
0x84: {  	_ =	shalt  }
0x85: {  	_ =	shalt  }
0x86: {  	_ =	shalt  }
0x87: {  	_ =	shalt  }
.Lfunc_end0:
.L_simem_size_0:
called_computation.1_lowered:
.L_overlay_start_0:
0x88: {  	s2 =	sld [smem:$0x3FD9]  }
0x89: {  	s3 =	sld [smem:$0x3FFE];
	_ =	sdelay $0x1  }
0x8a: {  	s1 =	srdreg.scid  }
0x8b: {  	s0 =	sand.u32 $0x1, s1  }
0x8c: {  	s17 =	sshll.u32 s0, $0xA;
	s2 =	sadd.s32 s3, s2  }
0x8d: {  	s2 =	sadd.s32 s2, s17  }
0x8e: {  	[smem:$0x3FBA] =	sst s2  }
0x8f: {  	_ = 	snop  }
0x90: {  	s18 =	sld [smem:$0x3FD0];
	(tm) =	ssettm $0x1  }
0x91: {  	s19 =	sld [smem:$0x3FFB];
	_ =	sdelay $0x3  }
0x92: {  	_ =	strace s19  }
0x93: {  	s2 =	sld [smem:$0x3FFC];
	_ =	sdelay $0x3  }
0x94: {  	_ =	strace s2  }
0x95: {  	s2 =	sld [smem:$0x3FFD];
	_ =	sdelay $0x3  }
0x96: {  	_ =	strace s2  }
0x97: {  	_ =	strace $0x8FFFFFFF  }
0x98: {  	s20 =	sld [smem:$0x3FDB];
	_ =	sdelay $0x1  }
0x99: {  	s4 =	simm.s32 $_scs_section_size  }
0x9a: {  	s5 =	simm.s32 $_size__tile_overlayer_lowered;
	s6 =	simm.s32 $_tile_overlayer_lowered  }
0x9b: {  	s7 =	simm.s32 $0x1BFF;
	s21 =	sshll.u32 s6, $0x1;
	s4 =	sadd.s32 s4, s20  }
0x9c: {  	s22 =	simm.s32 $0x0;
	s5 =	sshll.u32 s5, $0x1;
	s6 =	sadd.s32 s21, s4  }
0x9d: {  	[timem:s22], [sflag:s7] =	dma.local [hbm:s6], s5  }
0x9e: {  	_ =	swait.ge [sflag:s7], s5  }
0x9f: {  	s5 =	ssub.s32 $0x0, s5;
	[sflag:s7] =	ssyncset.done $0x0  }
0xa0: {  	[sflag:s7] =	ssyncadd.s32 s5;
	_ =	sdelay $0x1  }
0xa1: {  	s23 =	simm.s32 $0x1B8B  }
0xa2: {  	_ =	swait.ge [sflag:s23], $0x1  }
0xa3: {  	[sflag:s23] =	ssyncset.done $0x0  }
0xa4: {  	[sflag:s23] =	ssyncadd.s32 $0xFFFFFFFF  }
0xa5: {  	s5 =	sld [smem:$0x0]  }
0xa6: {  	s6 =	sand.u32 $0xFFFFFFFE, s1  }
0xa7: {  	p0 =	sne.s32 s1, s6  }
0xa8: {  	s6 =	sshll.u32 @p0 s6, $0xE  }
0xa9: {  	s6 =	sadd.s32 @p0 $0x11B8D, s6;
	s7 =	sshll.u32 @p0 s5, $0x11  }
0xaa: {  	s6 =	sor.u32 @p0 s7, s6  }
0xab: {  	[sflag:s6] =	ssyncadd.remote.s32 @p0 $0x1;
	_ =	sdelay $0x1  }
0xac: {  	s6 =	simm.s32 @p0 $0x1B8D  }
0xad: {  	_ =	swait.eq @p0 [sflag:s6], $0x1  }
0xae: {  	[sflag:s6] =	ssyncadd.s32 @p0 $0xFFFFFFFF  }
0xaf: {  	s7 =	sshll.u32 @!p0 s1, $0xE  }
0xb0: {  	s7 =	sor.u32 @!p0 $0x4000, s7;
	s6 =	simm.s32 @!p0 $0x1B8D  }
0xb1: {  	s5 =	sshll.u32 @!p0 s5, $0x11;
	s7 =	sadd.s32 @!p0 $0x11B8D, s7;
	_ =	swait.eq @!p0 [sflag:s6], $0x1  }
0xb2: {  	s5 =	sor.u32 @!p0 s5, s7;
	[sflag:s6] =	ssyncadd.s32 @!p0 $0xFFFFFFFF  }
0xb3: {  	s25 =	simm.s32 $0x1B8E;
	s24 =	sld [smem:$0x3FFE];
	[sflag:s5] =	ssyncadd.remote.s32 @!p0 $0x1  }
0xb4: {  	s26 =	simm.s32 $execute0_lowered;
	[smem:$0x3FD2] =	sst s25  }
0xb5: {  	s6 =	sshll.u32 s26, $0x1;
	_ =	strace $0x80000049;
	[dreg:$0x1] =	wrdreg $0xFFFFFFFF  }
0xb6: {  	s28 =	simm.s32 $_size_execute0_lowered;
	s4 =	sadd.s32 s4, s6;
	[dreg:$0x0] =	wrdreg $0x0  }
0xb7: {  	s6 =	sshll.u32 s28, $0x1;
	[dreg:$0x2] =	wrdreg s4  }
0xb8: {  	[dreg:$0x3] =	wrdreg s6  }
0xb9: {  	[dreg:$0x4] =	wrdreg $0xC0  }
0xba: {  	_ =	task [dreg:s22], $0x5FFFF  }
0xbb: {  	[dreg:$0x1] =	wrdreg $0xFFFFFFFF  }
0xbc: {  	[dreg:$0x0] =	wrdreg $0x60  }
0xbd: {  	[dreg:$0x2] =	wrdreg s24  }
0xbe: {  	[dreg:$0x3] =	wrdreg s18  }
0xbf: {  	[dreg:$0x4] =	wrdreg $0xA8000  }
0xc0: {  	[dreg:$0x5] =	wrdreg $0xA  }
0xc1: {  	_ =	task.clear_ibuf [dreg:s22], $0x6FFFF;
	_ =	strace $0x90000049  }
0xc2: {  	s29 =	simm.s32 $0xA;
	_ =	strace $0x8000004B  }
0xc3: {  	_ =	swait.ge [sflag:s29], $0x1  }
0xc4: {  	[sflag:s29] =	ssyncadd.s32 $0xFFFFFFFF  }
0xc5: {  	_ =	strace $0x9000004B  }
0xc6: {  	_ =	sfence  }
0xc7: {  	s30 =	sld [smem:$0x0];
	_ =	sdelay $0x2  }
0xc8: {  	s31 =	sshll.u32 s1, $0xD;
	s1 =	sshrl.u32 s1, $0x2  }
0xc9: {  	s4 =	sand.u32 $0x4000, s31;
	s1 =	sadd.s32 s1, s30  }
0xca: {  	s0 =	sor.u32 s4, s0;
	s1 =	sshll.u32 s1, $0x11  }
0xcb: {  	s0 =	sor.u32 s1, s0  }
0xcc: {  	s0 =	sadd.s32 $0x8F2B, s0  }
0xcd: {  	[sflag:s0] =	ssyncadd.remote.s32 $0x1  }
0xce: {  	_ =	sfence.sel $0xFFFF  }
0xcf: {  	[dreg:$0x0] =	wrdreg $0xFFFFFFFF;
	(pc) =	sbr.abs _section_cstart, $3  }
0xd0: {  	[dreg:$0x1] =	wrdreg $0xFFFFFFFF  }
0xd1: {  	_ =	task.clear_ibuf [dreg:s22], $0x2FFFF;
	_ =	strace $0x9FFFFFFF  }
0xd2: {  	(tm) =	ssettm $0x7FFFFFFF  }
0xd3: {  	_ =	shalt  }
tec
execute0_lowered:
.L_overlay_start_1:
0x0: {  	(tag) =	ssettag $0x1  }
0x1: {  	s5 =	rddreg [dreg:$0x0]  }
0x2: {  	s10 =	rddreg [dreg:$0x1]  }
0x3: {  	s2 =	rddreg [dreg:$0x2]  }
0x4: {  	s0 =	rddreg [dreg:$0x3]  }
0x5: {  	s1 =	stileid.u32;
	s4 =	srdreg.scid  }
0x6: {  	s3 =	simm.s32 $0x0;
	s16 =	simm.s32 $0x80;
	s17 =	simm.s32 $0x2800  }
0x7: {  	s18 =	simm.s32 $0x6800;
	s19 =	simm.s32 $0x1;
	s20 =	simm.s32 $0x2  }
0x8: {  	s21 =	simm.s32 $0x2700;
	s6 =	smul.u32 $0x13C00, s1;
	s7 =	sand.u32 $0x1, s4  }
0x9: {  	[smem:$0x7FF] =	sst s3;
	s4 =	sadd.s32 $0x84C00, s5;
	s11 =	sadd.s32 $0x4400, s5  }
0xa: {  	s12 =	sshll.u32 s1, $0x1;
	s13 =	smul.u32 $0x4F000, s1;
	s29 =	sshll.u32 s1, $0x6  }
0xb: {  	s8 =	smul.u32 $0x13C000, s7;
	_ =	strace $0x8000004A;
	s25 =	sor.u32 s7, s12  }
0xc: {  	s23 =	ssub.s32 $0x2, s7;
	s9 =	sshrl.u32 s6, $0x3;
	s7 =	smul.u32 $0x2800, s25  }
0xd: {  	s24 =	sshrl.u32 s23, $0x1;
	s28 =	sshrl.u32 s13, $0x2;
	s15 =	smul.u32 $0x500, s25  }
0xe: {  	s6 =	sadd.s32 s6, s8;
	s22 =	sadd.s32 s9, s5;
	s26 =	ssub.s32 s23, s24  }
0xf: {  	s13 =	sadd.s32 s28, s2;
	s23 =	simm.s32 $0x0;
	s6 =	sshrl.u32 s6, $0x3  }
0x10: {  	s30 =	sshrl.u32 s7, $0x3;
	s7 =	sadd.s32 s11, s15;
	s8 =	sadd.s32 s10, s15  }
0x11: {  	s12 =	smax.u32 s26, $0x1;
	s13 =	sshrl.u32 s13, $0x3;
	s15 =	simm.s32 $0x1400  }
0x12: {  	s14 =	sadd.s32 s6, s5;
	s5 =	sadd.s32 $0xE400, s22;
	s31 =	sadd.s32 $0x280, s30  }
0x13: {  	s6 =	sor.u32 $0x1C03, s29;
	s22 =	simm.s32 $0x2780;
	s9 =	sadd.s32 s11, s31  }
0x14: {  	s10 =	sadd.s32 s10, s31;
	s11 =	sadd.s32 $0x121000, s14;
	s14 =	simm.s32 $0x3  }
.LBB2_1:
0x15: {  	[spmem:s13], [sflag:s6] =	dma.local [hbm:s5], $0x2780  }
0x16: {  	_ =	swait.ge [sflag:s14], $0x2780  }
0x17: {  	[sflag:s14] =	ssyncset.done $0x0  }
0x18: {  	[sflag:s14] =	ssyncadd.s32 $0xFFFFD880  }
0x19: {  	[bflag:$0x0] =	sbarrier.arrive $0xFFFF  }
0x1a: {  	[tilespmem:s3], [sflag:$0x3] =	stream.linear.gather [hbm4b:s7+s3], $0x1400, $0x38;
	[tilespmem:$0x1E400] =	vst v63  }
0x1b: {  	_ =	swait.ge [sflag:s14], $0x1400  }
0x1c: {  	[sflag:s14] =	ssyncset.done $0x0  }
0x1d: {  	[sflag:s14] =	ssyncadd.s32 $0xFFFFEC00  }
0x1e: {  	[tilespmem:s15], [sflag:$0x3] =	stream.linear.gather [hbm4b:s8+s3], $0x1400, $0x38;
	[tilespmem:$0x1E400] =	vst v63  }
0x1f: {  	_ =	swait.ge [sflag:s14], $0x1400  }
0x20: {  	[sflag:s14] =	ssyncset.done $0x0  }
0x21: {  	[sflag:s14] =	ssyncadd.s32 $0xFFFFEC00  }
0x22: {  	[tilespmem:s17], [sflag:$0x1] =	stream.indirect.gather [hbm4b:s4+s16], $0x80, s3, s16, $0xb8;
	[tilespmem:$0x1E400] =	vst v63  }
0x23: {  	_ = 	snop  }
0x24: {  	[tilespmem:s18], [sflag:$0x2] =	stream.indirect.gather [hbm4b:s4+s16], $0x80, s16, s16, $0xb8;
	[tilespmem:$0x1E400] =	vst v63  }
0x25: {  	_ =	swait.ge [sflag:s19], $0x4000  }
0x26: {  	[sflag:s19] =	ssyncset.done $0x0  }
0x27: {  	s24 =	simm.s32 $0x1400;
	[sflag:s19] =	ssyncadd.s32 $0xFFFFC000  }
0x28: {  	[spmem:s2] =	stream.indirect.scatter.add.f32 [tilespmem:s17], [sflag:$0x3], $0x80, s24, s16, $0xb8;
	[tilespmem:$0x1E400] =	vst v63  }
0x29: {  	_ =	swait.ge [sflag:s14], $0x4000  }
0x2a: {  	[sflag:s14] =	ssyncset.done $0x0  }
0x2b: {  	s30 =	simm.s32 $0x100;
	[sflag:s14] =	ssyncadd.s32 $0xFFFFC000  }
0x2c: {  	[tilespmem:s17], [sflag:$0x1] =	stream.indirect.gather [hbm4b:s4+s16], $0x80, s30, s16, $0xb8;
	[tilespmem:$0x1E400] =	vst v63  }
0x2d: {  	_ =	swait.ge [sflag:s20], $0x4000  }
0x2e: {  	[sflag:s20] =	ssyncset.done $0x0  }
0x2f: {  	s31 =	simm.s32 $0x1480;
	[sflag:s20] =	ssyncadd.s32 $0xFFFFC000  }
0x30: {  	[spmem:s2] =	stream.indirect.scatter.add.f32 [tilespmem:s18], [sflag:$0x3], $0x80, s31, s16, $0xb8;
	[tilespmem:$0x1E400] =	vst v63  }
0x31: {  	_ =	swait.ge [sflag:s14], $0x4000  }
0x32: {  	[sflag:s14] =	ssyncset.done $0x0  }
0x33: {  	s25 =	simm.s32 $0x180;
	s24 =	simm.s32 $0x400;
	[sflag:s14] =	ssyncadd.s32 $0xFFFFC000  }
.LBB2_2:
0x34: {  	[tilespmem:s18], [sflag:$0x2] =	stream.indirect.gather [hbm4b:s4+s16], $0x80, s25, s16, $0xb8;
	[tilespmem:$0x1E400] =	vst v63  }
0x35: {  	s25 =	smov.u32 s24  }
0x36: {  	p0 =	sne.s32 s24, $0x4800;
	s24 =	sadd.s32 $0x400, s24;
	_ =	swait.ge [sflag:s19], $0x4000  }
0x37: {  	s25 =	sshra.s32 s25, $0x2;
	[sflag:s19] =	ssyncset.done $0x0  }
0x38: {  	s26 =	sadd.s32 $0x1400, s25;
	[sflag:s19] =	ssyncadd.s32 $0xFFFFC000  }
0x39: {  	[spmem:s2] =	stream.indirect.scatter.add.f32 [tilespmem:s17], [sflag:$0x3], $0x80, s26, s16, $0xb8;
	[tilespmem:$0x1E400] =	vst v63  }
0x3a: {  	_ =	swait.ge [sflag:s14], $0x4000  }
0x3b: {  	[sflag:s14] =	ssyncset.done $0x0  }
0x3c: {  	s26 =	sadd.s32 $0x100, s25;
	[sflag:s14] =	ssyncadd.s32 $0xFFFFC000  }
0x3d: {  	[tilespmem:s17], [sflag:$0x1] =	stream.indirect.gather [hbm4b:s4+s16], $0x80, s26, s16, $0xb8;
	[tilespmem:$0x1E400] =	vst v63  }
0x3e: {  	_ =	swait.ge [sflag:s20], $0x4000  }
0x3f: {  	[sflag:s20] =	ssyncset.done $0x0  }
.Ltmp0:
0x40: {  	s26 =	sadd.s32 $0x1480, s25;
	[sflag:s20] =	ssyncadd.s32 $0xFFFFC000;
	(pc) =	sbr.rel @p0 .LBB2_2-.Ltmp0, $4  }
0x41: {  	[spmem:s2] =	stream.indirect.scatter.add.f32 [tilespmem:s18], [sflag:$0x3], $0x80, s26, s16, $0xb8;
	[tilespmem:$0x1E400] =	vst v63  }
0x42: {  	_ =	swait.ge [sflag:s14], $0x4000  }
0x43: {  	[sflag:s14] =	ssyncset.done $0x0  }
0x44: {  	s25 =	sadd.s32 $0x180, s25;
	[sflag:s14] =	ssyncadd.s32 $0xFFFFC000  }
0x45: {  	[tilespmem:s18], [sflag:$0x2] =	stream.indirect.gather [hbm4b:s4+s16], $0x80, s25, s16, $0xb8;
	[tilespmem:$0x1E400] =	vst v63  }
0x46: {  	_ =	swait.ge [sflag:s19], $0x4000  }
0x47: {  	[sflag:s19] =	ssyncset.done $0x0  }
0x48: {  	[sflag:s19] =	ssyncadd.s32 $0xFFFFC000  }
0x49: {  	[spmem:s2] =	stream.indirect.scatter.add.f32 [tilespmem:s17], [sflag:$0x3], $0x80, s21, s16, $0xb8;
	[tilespmem:$0x1E400] =	vst v63  }
0x4a: {  	_ =	swait.ge [sflag:s14], $0x4000  }
0x4b: {  	[sflag:s14] =	ssyncset.done $0x0  }
0x4c: {  	[sflag:s14] =	ssyncadd.s32 $0xFFFFC000  }
0x4d: {  	_ =	swait.ge [sflag:s20], $0x4000  }
0x4e: {  	[sflag:s20] =	ssyncset.done $0x0  }
0x4f: {  	[sflag:s20] =	ssyncadd.s32 $0xFFFFC000  }
0x50: {  	[spmem:s2] =	stream.indirect.scatter.add.f32 [tilespmem:s18], [sflag:$0x3], $0x80, s22, s16, $0xb8;
	[tilespmem:$0x1E400] =	vst v63  }
0x51: {  	_ =	swait.ge [sflag:s14], $0x4000  }
0x52: {  	[sflag:s14] =	ssyncset.done $0x0  }
0x53: {  	s24 =	simm.s32 $0x0;
	[sflag:s14] =	ssyncadd.s32 $0xFFFFC000  }
0x54: {  	[tilespmem:s24], [sflag:$0x3] =	stream.linear.gather [hbm4b:s9+s24], $0x1400, $0x38;
	[tilespmem:$0x1E400] =	vst v63  }
0x55: {  	_ =	swait.ge [sflag:s14], $0x1400  }
0x56: {  	[sflag:s14] =	ssyncset.done $0x0  }
0x57: {  	[sflag:s14] =	ssyncadd.s32 $0xFFFFEC00  }
0x58: {  	[tilespmem:s15], [sflag:$0x3] =	stream.linear.gather [hbm4b:s10+s24], $0x1400, $0x38;
	[tilespmem:$0x1E400] =	vst v63  }
0x59: {  	_ =	swait.ge [sflag:s14], $0x1400  }
0x5a: {  	[sflag:s14] =	ssyncset.done $0x0  }
0x5b: {  	[sflag:s14] =	ssyncadd.s32 $0xFFFFEC00  }
0x5c: {  	[tilespmem:s17], [sflag:$0x1] =	stream.indirect.gather [hbm4b:s4+s16], $0x80, s24, s16, $0xb8;
	[tilespmem:$0x1E400] =	vst v63  }
0x5d: {  	_ = 	snop  }
0x5e: {  	[tilespmem:s18], [sflag:$0x2] =	stream.indirect.gather [hbm4b:s4+s16], $0x80, s16, s16, $0xb8;
	[tilespmem:$0x1E400] =	vst v63  }
0x5f: {  	_ =	swait.ge [sflag:s19], $0x4000  }
0x60: {  	[sflag:s19] =	ssyncset.done $0x0  }
0x61: {  	s29 =	simm.s32 $0x1400;
	[sflag:s19] =	ssyncadd.s32 $0xFFFFC000  }
0x62: {  	[spmem:s2] =	stream.indirect.scatter.add.f32 [tilespmem:s17], [sflag:$0x3], $0x80, s29, s16, $0xb8;
	[tilespmem:$0x1E400] =	vst v63  }
0x63: {  	_ =	swait.ge [sflag:s14], $0x4000  }
0x64: {  	[sflag:s14] =	ssyncset.done $0x0  }
0x65: {  	s30 =	simm.s32 $0x100;
	[sflag:s14] =	ssyncadd.s32 $0xFFFFC000  }
0x66: {  	[tilespmem:s17], [sflag:$0x1] =	stream.indirect.gather [hbm4b:s4+s16], $0x80, s30, s16, $0xb8;
	[tilespmem:$0x1E400] =	vst v63  }
0x67: {  	_ =	swait.ge [sflag:s20], $0x4000  }
0x68: {  	[sflag:s20] =	ssyncset.done $0x0  }
0x69: {  	s31 =	simm.s32 $0x1480;
	[sflag:s20] =	ssyncadd.s32 $0xFFFFC000  }
0x6a: {  	[spmem:s2] =	stream.indirect.scatter.add.f32 [tilespmem:s18], [sflag:$0x3], $0x80, s31, s16, $0xb8;
	[tilespmem:$0x1E400] =	vst v63  }
0x6b: {  	_ =	swait.ge [sflag:s14], $0x4000  }
0x6c: {  	[sflag:s14] =	ssyncset.done $0x0  }
0x6d: {  	s25 =	simm.s32 $0x180;
	s24 =	simm.s32 $0x400;
	[sflag:s14] =	ssyncadd.s32 $0xFFFFC000  }
.LBB2_4:
0x6e: {  	[tilespmem:s18], [sflag:$0x2] =	stream.indirect.gather [hbm4b:s4+s16], $0x80, s25, s16, $0xb8;
	[tilespmem:$0x1E400] =	vst v63  }
0x6f: {  	s25 =	smov.u32 s24  }
0x70: {  	p0 =	sne.s32 s24, $0x4800;
	s24 =	sadd.s32 $0x400, s24;
	_ =	swait.ge [sflag:s19], $0x4000  }
0x71: {  	s25 =	sshra.s32 s25, $0x2;
	[sflag:s19] =	ssyncset.done $0x0  }
0x72: {  	s26 =	sadd.s32 $0x1400, s25;
	[sflag:s19] =	ssyncadd.s32 $0xFFFFC000  }
0x73: {  	[spmem:s2] =	stream.indirect.scatter.add.f32 [tilespmem:s17], [sflag:$0x3], $0x80, s26, s16, $0xb8;
	[tilespmem:$0x1E400] =	vst v63  }
0x74: {  	_ =	swait.ge [sflag:s14], $0x4000  }
0x75: {  	[sflag:s14] =	ssyncset.done $0x0  }
0x76: {  	s26 =	sadd.s32 $0x100, s25;
	[sflag:s14] =	ssyncadd.s32 $0xFFFFC000  }
0x77: {  	[tilespmem:s17], [sflag:$0x1] =	stream.indirect.gather [hbm4b:s4+s16], $0x80, s26, s16, $0xb8;
	[tilespmem:$0x1E400] =	vst v63  }
0x78: {  	_ =	swait.ge [sflag:s20], $0x4000  }
0x79: {  	[sflag:s20] =	ssyncset.done $0x0  }
.Ltmp1:
0x7a: {  	s26 =	sadd.s32 $0x1480, s25;
	[sflag:s20] =	ssyncadd.s32 $0xFFFFC000;
	(pc) =	sbr.rel @p0 .LBB2_4-.Ltmp1, $4  }
0x7b: {  	[spmem:s2] =	stream.indirect.scatter.add.f32 [tilespmem:s18], [sflag:$0x3], $0x80, s26, s16, $0xb8;
	[tilespmem:$0x1E400] =	vst v63  }
0x7c: {  	_ =	swait.ge [sflag:s14], $0x4000  }
0x7d: {  	[sflag:s14] =	ssyncset.done $0x0  }
0x7e: {  	s25 =	sadd.s32 $0x180, s25;
	[sflag:s14] =	ssyncadd.s32 $0xFFFFC000  }
0x7f: {  	[tilespmem:s18], [sflag:$0x2] =	stream.indirect.gather [hbm4b:s4+s16], $0x80, s25, s16, $0xb8;
	[tilespmem:$0x1E400] =	vst v63  }
0x80: {  	_ =	swait.ge [sflag:s19], $0x4000  }
0x81: {  	[sflag:s19] =	ssyncset.done $0x0  }
0x82: {  	[sflag:s19] =	ssyncadd.s32 $0xFFFFC000  }
0x83: {  	[spmem:s2] =	stream.indirect.scatter.add.f32 [tilespmem:s17], [sflag:$0x3], $0x80, s21, s16, $0xb8;
	[tilespmem:$0x1E400] =	vst v63  }
0x84: {  	_ =	swait.ge [sflag:s14], $0x4000  }
0x85: {  	[sflag:s14] =	ssyncset.done $0x0  }
0x86: {  	[sflag:s14] =	ssyncadd.s32 $0xFFFFC000  }
0x87: {  	_ =	swait.ge [sflag:s20], $0x4000  }
0x88: {  	[sflag:s20] =	ssyncset.done $0x0  }
0x89: {  	[sflag:s20] =	ssyncadd.s32 $0xFFFFC000  }
0x8a: {  	[spmem:s2] =	stream.indirect.scatter.add.f32 [tilespmem:s18], [sflag:$0x3], $0x80, s22, s16, $0xb8;
	[tilespmem:$0x1E400] =	vst v63  }
0x8b: {  	_ =	swait.ge [sflag:s14], $0x4000  }
0x8c: {  	s23 =	sadd.s32 $0x1, s23;
	[sflag:s14] =	ssyncset.done $0x0  }
0x8d: {  	p0 =	sne.s32 s23, s12;
	[sflag:s14] =	ssyncadd.s32 $0xFFFFC000  }
.Ltmp2:
0x8e: {  	[bflag:$0x0] =	sbarrier.arrive $0xFFFF;
	(pc) =	sbr.rel @p0 .LBB2_1-.Ltmp2, $4  }
0x8f: {  	[hbm:s11], [sflag:s6] =	dma.local [spmem:s13], $0x2780  }
0x90: {  	_ =	swait.ge [sflag:s14], $0x2780  }
0x91: {  	[sflag:s14] =	ssyncset.done $0x0  }
0x92: {  	[sflag:s14] =	ssyncadd.s32 $0xFFFFD880  }
0x93: {  	_ =	sfence.sel $0x180000  }
0x94: {  	[bflag:$0x0] =	sbarrier.arrive $0xFFFF  }
0x95: {  	p0 =	sne.s32 s1, $0x0;
	_ =	strace $0x9000004A  }
0x96: {  	s0 =	sadd.s32 @!p0 $0x100000, s0;
	[bflag:$0x2] =	sbarrier.arrive $0xFFFF  }
0x97: {  	[sflag:s0] =	ssyncadd.tile.s32 @!p0 $0x1;
	_ =	shalt  }
.Lfunc_end2:
_tile_overlayer_lowered:
.L_overlay_start_2:
0x98: {  	(tag) =	ssettag $0x2  }
0x99: {  	s0 =	rddreg [dreg:$0x0];
	s2 =	stileid.u32  }
0x9a: {  	s1 =	rddreg [dreg:$0x1];
	p0 =	sne.s32 s2, $0x0  }
0x9b: {  	s3 =	rddreg [dreg:$0x2];
	[bflag:$0x3] =	sbarrier.arrive $0xFFFF;
	s2 =	simm.s32 @!p0 $0x1C03  }
0x9c: {  	[timem:s3], [sflag:s2] =	dma.local @!p0 [hbm:s0], s1  }
0x9d: {  	s0 =	simm.s32 @!p0 $0x3  }
0x9e: {  	_ =	swait.ge @!p0 [sflag:s0], s1  }
0x9f: {  	s1 =	ssub.s32 @!p0 $0x0, s1;
	[sflag:s0] =	ssyncset.done @!p0 $0x0  }
0xa0: {  	[sflag:s0] =	ssyncadd.s32 @!p0 s1  }
0xa1: {  	[bflag:$0x3] =	sbarrier.arrive $0xFFFF  }
0xa2: {  	_ =	shalt  }

// kernel: kernel.19.cloned.1.call-start
scs
__scs_entry_jumppad:
0x0: {  	(pc) =	sbr.rel $0x88, $3  }
0x1: {  	(tag) =	ssettag $0x0;
	lr =	simm.s32 $0x1  }
0x2: {  	[smem:$0x3F93] =	sst lr;
	_ =	strace $0xD0000000  }
0x3: {  	_ = 	snop  }
0x4: {  	_ = 	snop  }
0x5: {  	_ = 	snop  }
0x6: {  	_ = 	snop  }
0x7: {  	_ = 	snop  }
__scs_overlays_trampoline_lowered:
0x8: {  	[smem:$0x3FA2] =	sst s0  }
0x9: {  	[smem:$0x3FA3] =	sst s1  }
0xa: {  	[smem:$0x3FA4] =	sst s2  }
0xb: {  	[smem:$0x3FA5] =	sst s3  }
0xc: {  	[smem:$0x3FA6] =	sst s4  }
0xd: {  	[smem:$0x3FA7] =	sst s5  }
0xe: {  	[smem:$0x3FA8] =	sst s6  }
0xf: {  	[smem:$0x3FA9] =	sst s7  }
0x10: {  	[smem:$0x3FAA] =	sst s8  }
0x11: {  	[smem:$0x3FAB] =	sst s9;
	s0 =	simm.s32 @!p0 $0x0  }
0x12: {  	s1 =	sld [smem:$0x3F91];
	s0 =	simm.s32 @p0 $0x1  }
0x13: {  	[smem:$0x3FAC] =	sst s0;
	s0 =	simm.s32 @!p1 $0x0  }
0x14: {  	s2 =	sld [smem:$0x3F90];
	s0 =	simm.s32 @p1 $0x1  }
0x15: {  	[smem:$0x3FAD] =	sst s0;
	s0 =	simm.s32 @!p2 $0x0  }
0x16: {  	s3 =	sld [smem:$0x3FDB];
	s0 =	simm.s32 @p2 $0x1  }
0x17: {  	s4 =	simm.s32 $0x1BF5;
	[smem:$0x3FAF] =	sst s0  }
0x18: {  	s0 =	sld [smem:$0x3F92];
	_ =	swait.ge [sflag:s4], $0x0  }
0x19: {  	s7 =	sld [smem:$0x3F93]  }
0x1a: {  	s8 =	sadd.s32 $0xFFFFE003, lr  }
0x1b: {  	s9 =	sadd.s32 $0xFFFFFEF7, lr;
	s5 =	simm.s32 $0xFFFFFFFF;
	p2 =	slt.u32 s8, $0xFFFFF086  }
0x1c: {  	p1 =	slt.u32 s9, $0xF7A;
	s5 =	simm.s32 @!p2 $0x0  }
0x1d: {  	s5 =	simm.s32 @p1 $0x1;
	p0 =	seq.s32 s7, s2  }
0x1e: {  	s7 =	smul.u32 @!p0 $0xF7A, s2;
	p2 =	seq.s32 @!p0 s5, $0x0  }
0x1f: {  	s9 =	smul.u32 $0xF7A, s1;
	s8 =	simm.s32 @!p0 $0x1BF5;
	p2 =	por !p2, p0  }
0x20: {  	[sflag:s8] =	ssyncset.s32 @!p0 $0xFFFFF086;
	s6 =	sadd.s32 @!p0 s3, s7;
	s7 =	simm.s32 @!p0 $0x108  }
0x21: {  	s3 =	sadd.s32 s3, s9;
	s6 =	sadd.s32 @!p0 $0x88, s6;
	s7 =	simm.s32 @p2 $0x1082  }
0x22: {  	[simem:s7], [sflag:s8] =	dma.local @!p0 [hbm:s6], $0xF7A  }
0x23: {  	s9 =	sor.u32 $0xD0000000, s2;
	s6 =	simm.s32 $0x108;
	_ =	swait.ge @!p0 [sflag:s8], $0x0  }
0x24: {  	s3 =	sadd.s32 $0x88, s3;
	s6 =	simm.s32 @!p1 $0x1082;
	[sflag:s4] =	ssyncset.s32 $0xFFFFF086  }
0x25: {  	[simem:s6], [sflag:s4] =	dma.local [hbm:s3], $0xF7A  }
0x26: {  	[smem:$0x3F93] =	sst s1;
	(tag) =	ssettag s2;
	_ =	strace s9  }
0x27: {  	s1 =	sld [smem:$0x3FA3]  }
0x28: {  	s2 =	sld [smem:$0x3FA4]  }
0x29: {  	s4 =	sld [smem:$0x3FA6]  }
0x2a: {  	p0 =	seq.s32 s5, $0x0;
	s5 =	sld [smem:$0x3FA7]  }
0x2b: {  	s6 =	sld [smem:$0x3FA8]  }
0x2c: {  	s7 =	sld [smem:$0x3FA9]  }
0x2d: {  	s3 =	simm.s32 $0x108;
	s8 =	sld [smem:$0x3FAA]  }
0x2e: {  	s3 =	simm.s32 @!p0 $0x1082;
	s9 =	sld [smem:$0x3FAB]  }
0x2f: {  	lr =	sadd.s32 s0, s3;
	s0 =	sld [smem:$0x3FA2]  }
0x30: {  	s3 =	sld [smem:$0x3FA5]  }
0x31: {  	[smem:$0x3FAE] =	sst s10  }
0x32: {  	s10 =	sld [smem:$0x3FAC];
	_ =	sdelay $0x3  }
0x33: {  	p0 =	seq.s32 s10, $0x1;
	s10 =	sld [smem:$0x3FAE];
	_ =	sdelay $0x3  }
0x34: {  	[smem:$0x3FAE] =	sst s10  }
0x35: {  	s10 =	sld [smem:$0x3FAD];
	_ =	sdelay $0x3  }
0x36: {  	p1 =	seq.s32 s10, $0x1;
	s10 =	sld [smem:$0x3FAE];
	_ =	sdelay $0x3  }
0x37: {  	[smem:$0x3FAE] =	sst s10  }
0x38: {  	s10 =	sld [smem:$0x3FAF]  }
0x39: {  	_ = 	snop;
	(pc) =	sbr.ind lr, $3  }
0x3a: {  	_ = 	snop  }
0x3b: {  	_ = 	snop  }
0x3c: {  	p2 =	seq.s32 s10, $0x1;
	s10 =	sld [smem:$0x3FAE]  }
0x3d: {  	_ =	shalt  }
0x3e: {  	_ =	shalt  }
0x3f: {  	_ =	shalt  }
0x40: {  	_ =	shalt  }
0x41: {  	_ =	shalt  }
0x42: {  	_ =	shalt  }
0x43: {  	_ =	shalt  }
0x44: {  	_ =	shalt  }
0x45: {  	_ =	shalt  }
0x46: {  	_ =	shalt  }
0x47: {  	_ =	shalt  }
0x48: {  	_ =	shalt  }
0x49: {  	_ =	shalt  }
0x4a: {  	_ =	shalt  }
0x4b: {  	_ =	shalt  }
0x4c: {  	_ =	shalt  }
0x4d: {  	_ =	shalt  }
0x4e: {  	_ =	shalt  }
0x4f: {  	_ =	shalt  }
0x50: {  	_ =	shalt  }
0x51: {  	_ =	shalt  }
0x52: {  	_ =	shalt  }
0x53: {  	_ =	shalt  }
0x54: {  	_ =	shalt  }
0x55: {  	_ =	shalt  }
0x56: {  	_ =	shalt  }
0x57: {  	_ =	shalt  }
0x58: {  	_ =	shalt  }
0x59: {  	_ =	shalt  }
0x5a: {  	_ =	shalt  }
0x5b: {  	_ =	shalt  }
0x5c: {  	_ =	shalt  }
0x5d: {  	_ =	shalt  }
0x5e: {  	_ =	shalt  }
0x5f: {  	_ =	shalt  }
0x60: {  	_ =	shalt  }
0x61: {  	_ =	shalt  }
0x62: {  	_ =	shalt  }
0x63: {  	_ =	shalt  }
0x64: {  	_ =	shalt  }
0x65: {  	_ =	shalt  }
0x66: {  	_ =	shalt  }
0x67: {  	_ =	shalt  }
0x68: {  	_ =	shalt  }
0x69: {  	_ =	shalt  }
0x6a: {  	_ =	shalt  }
0x6b: {  	_ =	shalt  }
0x6c: {  	_ =	shalt  }
0x6d: {  	_ =	shalt  }
0x6e: {  	_ =	shalt  }
0x6f: {  	_ =	shalt  }
0x70: {  	_ =	shalt  }
0x71: {  	_ =	shalt  }
0x72: {  	_ =	shalt  }
0x73: {  	_ =	shalt  }
0x74: {  	_ =	shalt  }
0x75: {  	_ =	shalt  }
0x76: {  	_ =	shalt  }
0x77: {  	_ =	shalt  }
0x78: {  	_ =	shalt  }
0x79: {  	_ =	shalt  }
0x7a: {  	_ =	shalt  }
0x7b: {  	_ =	shalt  }
0x7c: {  	_ =	shalt  }
0x7d: {  	_ =	shalt  }
0x7e: {  	_ =	shalt  }
0x7f: {  	_ =	shalt  }
0x80: {  	_ =	shalt  }
0x81: {  	_ =	shalt  }
0x82: {  	_ =	shalt  }
0x83: {  	_ =	shalt  }
0x84: {  	_ =	shalt  }
0x85: {  	_ =	shalt  }
0x86: {  	_ =	shalt  }
0x87: {  	_ =	shalt  }
.Lfunc_end0:
.L_simem_size_0:
called_computation.2_lowered:
.L_overlay_start_0:
0x88: {  	s2 =	sld [smem:$0x3FD9]  }
0x89: {  	s3 =	sld [smem:$0x3FFE];
	_ =	sdelay $0x1  }
0x8a: {  	s1 =	srdreg.scid  }
0x8b: {  	s0 =	sand.u32 $0x1, s1  }
0x8c: {  	s17 =	sshll.u32 s0, $0xA;
	s2 =	sadd.s32 s3, s2  }
0x8d: {  	s2 =	sadd.s32 s2, s17  }
0x8e: {  	[smem:$0x3FBA] =	sst s2  }
0x8f: {  	_ = 	snop  }
0x90: {  	s2 =	sld [smem:$0x3FD0];
	(tm) =	ssettm $0x1  }
0x91: {  	s18 =	sld [smem:$0x3FFB];
	_ =	sdelay $0x3  }
0x92: {  	_ =	strace s18  }
0x93: {  	s3 =	sld [smem:$0x3FFC];
	_ =	sdelay $0x3  }
0x94: {  	_ =	strace s3  }
0x95: {  	s3 =	sld [smem:$0x3FFD];
	_ =	sdelay $0x3  }
0x96: {  	_ =	strace s3  }
0x97: {  	_ =	strace $0x8FFFFFFF  }
0x98: {  	s19 =	sld [smem:$0x3FDB];
	_ =	sdelay $0x1  }
0x99: {  	s4 =	simm.s32 $_scs_section_size  }
0x9a: {  	s5 =	simm.s32 $_size__tile_overlayer_lowered;
	s6 =	simm.s32 $_tile_overlayer_lowered  }
0x9b: {  	s22 =	simm.s32 $0x1BFF;
	s21 =	sshll.u32 s6, $0x1;
	s3 =	sadd.s32 s4, s19  }
0x9c: {  	s7 =	simm.s32 $0x0;
	s20 =	sshll.u32 s5, $0x1;
	s5 =	sadd.s32 s21, s3  }
0x9d: {  	[timem:s7], [sflag:s22] =	dma.local [hbm:s5], s20  }
0x9e: {  	_ =	swait.ge [sflag:s22], s20  }
0x9f: {  	s4 =	ssub.s32 $0x0, s20;
	[sflag:s22] =	ssyncset.done $0x0  }
0xa0: {  	[sflag:s22] =	ssyncadd.s32 s4;
	_ =	sdelay $0x1  }
0xa1: {  	s23 =	simm.s32 $0x1B8B  }
0xa2: {  	_ =	swait.ge [sflag:s23], $0x1  }
0xa3: {  	[sflag:s23] =	ssyncset.done $0x0  }
0xa4: {  	s25 =	simm.s32 $0x1B8E;
	s24 =	sld [smem:$0x3FFE];
	[sflag:s23] =	ssyncadd.s32 $0xFFFFFFFF  }
0xa5: {  	s26 =	simm.s32 $execute0_lowered;
	[smem:$0x3FD2] =	sst s25  }
0xa6: {  	s5 =	sshll.u32 s26, $0x1;
	_ =	strace $0x8000004C;
	[dreg:$0x1] =	wrdreg $0xFFFFFFFF  }
0xa7: {  	s28 =	simm.s32 $_size_execute0_lowered;
	s3 =	sadd.s32 s3, s5;
	[dreg:$0x0] =	wrdreg $0x0  }
0xa8: {  	s5 =	sshll.u32 s28, $0x1;
	[dreg:$0x2] =	wrdreg s3  }
0xa9: {  	[dreg:$0x3] =	wrdreg s5  }
0xaa: {  	[dreg:$0x4] =	wrdreg $0xC0  }
0xab: {  	_ =	task [dreg:s7], $0x5FFFF  }
0xac: {  	[dreg:$0x1] =	wrdreg $0xFFFFFFFF  }
0xad: {  	[dreg:$0x0] =	wrdreg $0x60  }
0xae: {  	[dreg:$0x2] =	wrdreg s24  }
0xaf: {  	[dreg:$0x3] =	wrdreg s2  }
0xb0: {  	[dreg:$0x4] =	wrdreg $0xA8000  }
0xb1: {  	[dreg:$0x5] =	wrdreg $0x9  }
0xb2: {  	_ =	task.clear_ibuf [dreg:s7], $0x6FFFF;
	_ =	strace $0x9000004C  }
0xb3: {  	s29 =	simm.s32 $0x9;
	_ =	strace $0x8000004E  }
0xb4: {  	_ =	swait.ge [sflag:s29], $0x1  }
0xb5: {  	[sflag:s29] =	ssyncadd.s32 $0xFFFFFFFF  }
0xb6: {  	_ =	strace $0x9000004E  }
0xb7: {  	_ =	sfence  }
0xb8: {  	s30 =	sld [smem:$0x0];
	_ =	sdelay $0x2  }
0xb9: {  	s31 =	sshll.u32 s1, $0xD;
	s1 =	sshrl.u32 s1, $0x2  }
0xba: {  	s3 =	sand.u32 $0x4000, s31;
	s1 =	sadd.s32 s1, s30  }
0xbb: {  	s0 =	sor.u32 s3, s0;
	s1 =	sshll.u32 s1, $0x11  }
0xbc: {  	s0 =	sor.u32 s1, s0  }
0xbd: {  	s0 =	sadd.s32 $0x8F2B, s0  }
0xbe: {  	[sflag:s0] =	ssyncadd.remote.s32 $0x1  }
0xbf: {  	_ =	sfence.sel $0xFFFF  }
0xc0: {  	[dreg:$0x0] =	wrdreg $0xFFFFFFFF;
	(pc) =	sbr.abs _section_cstart, $3  }
0xc1: {  	[dreg:$0x1] =	wrdreg $0xFFFFFFFF  }
0xc2: {  	_ =	task.clear_ibuf [dreg:s7], $0x2FFFF;
	_ =	strace $0x9FFFFFFF  }
0xc3: {  	(tm) =	ssettm $0x7FFFFFFF  }
tec
execute0_lowered:
.L_overlay_start_1:
0x0: {  	(tag) =	ssettag $0x1  }
0x1: {  	s5 =	rddreg [dreg:$0x0]  }
0x2: {  	s10 =	rddreg [dreg:$0x1]  }
0x3: {  	s2 =	rddreg [dreg:$0x2]  }
0x4: {  	s0 =	rddreg [dreg:$0x3]  }
0x5: {  	s1 =	stileid.u32;
	s4 =	srdreg.scid  }
0x6: {  	s3 =	simm.s32 $0x0;
	s16 =	simm.s32 $0x80;
	s17 =	simm.s32 $0x2800  }
0x7: {  	s18 =	simm.s32 $0x6800;
	s19 =	simm.s32 $0x1;
	s20 =	simm.s32 $0x2  }
0x8: {  	s21 =	simm.s32 $0x2700;
	s6 =	smul.u32 $0x13C00, s1;
	s7 =	sand.u32 $0x1, s4  }
0x9: {  	[smem:$0x7FF] =	sst s3;
	s4 =	sadd.s32 $0x84C00, s5;
	s11 =	sadd.s32 $0x4400, s5  }
0xa: {  	s12 =	sshll.u32 s1, $0x1;
	s13 =	smul.u32 $0x4F000, s1;
	s29 =	sshll.u32 s1, $0x6  }
0xb: {  	s8 =	smul.u32 $0x13C000, s7;
	_ =	strace $0x8000004D;
	s25 =	sor.u32 s7, s12  }
0xc: {  	s23 =	ssub.s32 $0x2, s7;
	s9 =	sshrl.u32 s6, $0x3;
	s7 =	smul.u32 $0x2800, s25  }
0xd: {  	s24 =	sshrl.u32 s23, $0x1;
	s28 =	sshrl.u32 s13, $0x2;
	s15 =	smul.u32 $0x500, s25  }
0xe: {  	s6 =	sadd.s32 s6, s8;
	s22 =	sadd.s32 s9, s5;
	s26 =	ssub.s32 s23, s24  }
0xf: {  	s13 =	sadd.s32 s28, s2;
	s23 =	simm.s32 $0x0;
	s6 =	sshrl.u32 s6, $0x3  }
0x10: {  	s30 =	sshrl.u32 s7, $0x3;
	s7 =	sadd.s32 s11, s15;
	s8 =	sadd.s32 s10, s15  }
0x11: {  	s12 =	smax.u32 s26, $0x1;
	s13 =	sshrl.u32 s13, $0x3;
	s15 =	simm.s32 $0x1400  }
0x12: {  	s14 =	sadd.s32 s6, s5;
	s5 =	sadd.s32 $0xE400, s22;
	s31 =	sadd.s32 $0x280, s30  }
0x13: {  	s6 =	sor.u32 $0x1C03, s29;
	s22 =	simm.s32 $0x2780;
	s9 =	sadd.s32 s11, s31  }
0x14: {  	s10 =	sadd.s32 s10, s31;
	s11 =	sadd.s32 $0x121000, s14;
	s14 =	simm.s32 $0x3  }
.LBB2_1:
0x15: {  	[spmem:s13], [sflag:s6] =	dma.local [hbm:s5], $0x2780  }
0x16: {  	_ =	swait.ge [sflag:s14], $0x2780  }
0x17: {  	[sflag:s14] =	ssyncset.done $0x0  }
0x18: {  	[sflag:s14] =	ssyncadd.s32 $0xFFFFD880  }
0x19: {  	[bflag:$0x0] =	sbarrier.arrive $0xFFFF  }
0x1a: {  	[tilespmem:s3], [sflag:$0x3] =	stream.linear.gather [hbm4b:s7+s3], $0x1400, $0x38;
	[tilespmem:$0x1E400] =	vst v63  }
0x1b: {  	_ =	swait.ge [sflag:s14], $0x1400  }
0x1c: {  	[sflag:s14] =	ssyncset.done $0x0  }
0x1d: {  	[sflag:s14] =	ssyncadd.s32 $0xFFFFEC00  }
0x1e: {  	[tilespmem:s15], [sflag:$0x3] =	stream.linear.gather [hbm4b:s8+s3], $0x1400, $0x38;
	[tilespmem:$0x1E400] =	vst v63  }
0x1f: {  	_ =	swait.ge [sflag:s14], $0x1400  }
0x20: {  	[sflag:s14] =	ssyncset.done $0x0  }
0x21: {  	[sflag:s14] =	ssyncadd.s32 $0xFFFFEC00  }
0x22: {  	[tilespmem:s17], [sflag:$0x1] =	stream.indirect.gather [hbm4b:s4+s16], $0x80, s3, s16, $0xb8;
	[tilespmem:$0x1E400] =	vst v63  }
0x23: {  	_ = 	snop  }
0x24: {  	[tilespmem:s18], [sflag:$0x2] =	stream.indirect.gather [hbm4b:s4+s16], $0x80, s16, s16, $0xb8;
	[tilespmem:$0x1E400] =	vst v63  }
0x25: {  	_ =	swait.ge [sflag:s19], $0x4000  }
0x26: {  	[sflag:s19] =	ssyncset.done $0x0  }
0x27: {  	s24 =	simm.s32 $0x1400;
	[sflag:s19] =	ssyncadd.s32 $0xFFFFC000  }
0x28: {  	[spmem:s2] =	stream.indirect.scatter.add.f32 [tilespmem:s17], [sflag:$0x3], $0x80, s24, s16, $0xb8;
	[tilespmem:$0x1E400] =	vst v63  }
0x29: {  	_ =	swait.ge [sflag:s14], $0x4000  }
0x2a: {  	[sflag:s14] =	ssyncset.done $0x0  }
0x2b: {  	s30 =	simm.s32 $0x100;
	[sflag:s14] =	ssyncadd.s32 $0xFFFFC000  }
0x2c: {  	[tilespmem:s17], [sflag:$0x1] =	stream.indirect.gather [hbm4b:s4+s16], $0x80, s30, s16, $0xb8;
	[tilespmem:$0x1E400] =	vst v63  }
0x2d: {  	_ =	swait.ge [sflag:s20], $0x4000  }
0x2e: {  	[sflag:s20] =	ssyncset.done $0x0  }
0x2f: {  	s31 =	simm.s32 $0x1480;
	[sflag:s20] =	ssyncadd.s32 $0xFFFFC000  }
0x30: {  	[spmem:s2] =	stream.indirect.scatter.add.f32 [tilespmem:s18], [sflag:$0x3], $0x80, s31, s16, $0xb8;
	[tilespmem:$0x1E400] =	vst v63  }
0x31: {  	_ =	swait.ge [sflag:s14], $0x4000  }
0x32: {  	[sflag:s14] =	ssyncset.done $0x0  }
0x33: {  	s25 =	simm.s32 $0x180;
	s24 =	simm.s32 $0x400;
	[sflag:s14] =	ssyncadd.s32 $0xFFFFC000  }
.LBB2_2:
0x34: {  	[tilespmem:s18], [sflag:$0x2] =	stream.indirect.gather [hbm4b:s4+s16], $0x80, s25, s16, $0xb8;
	[tilespmem:$0x1E400] =	vst v63  }
0x35: {  	s25 =	smov.u32 s24  }
0x36: {  	p0 =	sne.s32 s24, $0x4800;
	s24 =	sadd.s32 $0x400, s24;
	_ =	swait.ge [sflag:s19], $0x4000  }
0x37: {  	s25 =	sshra.s32 s25, $0x2;
	[sflag:s19] =	ssyncset.done $0x0  }
0x38: {  	s26 =	sadd.s32 $0x1400, s25;
	[sflag:s19] =	ssyncadd.s32 $0xFFFFC000  }
0x39: {  	[spmem:s2] =	stream.indirect.scatter.add.f32 [tilespmem:s17], [sflag:$0x3], $0x80, s26, s16, $0xb8;
	[tilespmem:$0x1E400] =	vst v63  }
0x3a: {  	_ =	swait.ge [sflag:s14], $0x4000  }
0x3b: {  	[sflag:s14] =	ssyncset.done $0x0  }
0x3c: {  	s26 =	sadd.s32 $0x100, s25;
	[sflag:s14] =	ssyncadd.s32 $0xFFFFC000  }
0x3d: {  	[tilespmem:s17], [sflag:$0x1] =	stream.indirect.gather [hbm4b:s4+s16], $0x80, s26, s16, $0xb8;
	[tilespmem:$0x1E400] =	vst v63  }
0x3e: {  	_ =	swait.ge [sflag:s20], $0x4000  }
0x3f: {  	[sflag:s20] =	ssyncset.done $0x0  }
.Ltmp0:
0x40: {  	s26 =	sadd.s32 $0x1480, s25;
	[sflag:s20] =	ssyncadd.s32 $0xFFFFC000;
	(pc) =	sbr.rel @p0 .LBB2_2-.Ltmp0, $4  }
0x41: {  	[spmem:s2] =	stream.indirect.scatter.add.f32 [tilespmem:s18], [sflag:$0x3], $0x80, s26, s16, $0xb8;
	[tilespmem:$0x1E400] =	vst v63  }
0x42: {  	_ =	swait.ge [sflag:s14], $0x4000  }
0x43: {  	[sflag:s14] =	ssyncset.done $0x0  }
0x44: {  	s25 =	sadd.s32 $0x180, s25;
	[sflag:s14] =	ssyncadd.s32 $0xFFFFC000  }
0x45: {  	[tilespmem:s18], [sflag:$0x2] =	stream.indirect.gather [hbm4b:s4+s16], $0x80, s25, s16, $0xb8;
	[tilespmem:$0x1E400] =	vst v63  }
0x46: {  	_ =	swait.ge [sflag:s19], $0x4000  }
0x47: {  	[sflag:s19] =	ssyncset.done $0x0  }
0x48: {  	[sflag:s19] =	ssyncadd.s32 $0xFFFFC000  }
0x49: {  	[spmem:s2] =	stream.indirect.scatter.add.f32 [tilespmem:s17], [sflag:$0x3], $0x80, s21, s16, $0xb8;
	[tilespmem:$0x1E400] =	vst v63  }
0x4a: {  	_ =	swait.ge [sflag:s14], $0x4000  }
0x4b: {  	[sflag:s14] =	ssyncset.done $0x0  }
0x4c: {  	[sflag:s14] =	ssyncadd.s32 $0xFFFFC000  }
0x4d: {  	_ =	swait.ge [sflag:s20], $0x4000  }
0x4e: {  	[sflag:s20] =	ssyncset.done $0x0  }
0x4f: {  	[sflag:s20] =	ssyncadd.s32 $0xFFFFC000  }
0x50: {  	[spmem:s2] =	stream.indirect.scatter.add.f32 [tilespmem:s18], [sflag:$0x3], $0x80, s22, s16, $0xb8;
	[tilespmem:$0x1E400] =	vst v63  }
0x51: {  	_ =	swait.ge [sflag:s14], $0x4000  }
0x52: {  	[sflag:s14] =	ssyncset.done $0x0  }
0x53: {  	s24 =	simm.s32 $0x0;
	[sflag:s14] =	ssyncadd.s32 $0xFFFFC000  }
0x54: {  	[tilespmem:s24], [sflag:$0x3] =	stream.linear.gather [hbm4b:s9+s24], $0x1400, $0x38;
	[tilespmem:$0x1E400] =	vst v63  }
0x55: {  	_ =	swait.ge [sflag:s14], $0x1400  }
0x56: {  	[sflag:s14] =	ssyncset.done $0x0  }
0x57: {  	[sflag:s14] =	ssyncadd.s32 $0xFFFFEC00  }
0x58: {  	[tilespmem:s15], [sflag:$0x3] =	stream.linear.gather [hbm4b:s10+s24], $0x1400, $0x38;
	[tilespmem:$0x1E400] =	vst v63  }
0x59: {  	_ =	swait.ge [sflag:s14], $0x1400  }
0x5a: {  	[sflag:s14] =	ssyncset.done $0x0  }
0x5b: {  	[sflag:s14] =	ssyncadd.s32 $0xFFFFEC00  }
0x5c: {  	[tilespmem:s17], [sflag:$0x1] =	stream.indirect.gather [hbm4b:s4+s16], $0x80, s24, s16, $0xb8;
	[tilespmem:$0x1E400] =	vst v63  }
0x5d: {  	_ = 	snop  }
0x5e: {  	[tilespmem:s18], [sflag:$0x2] =	stream.indirect.gather [hbm4b:s4+s16], $0x80, s16, s16, $0xb8;
	[tilespmem:$0x1E400] =	vst v63  }
0x5f: {  	_ =	swait.ge [sflag:s19], $0x4000  }
0x60: {  	[sflag:s19] =	ssyncset.done $0x0  }
0x61: {  	s29 =	simm.s32 $0x1400;
	[sflag:s19] =	ssyncadd.s32 $0xFFFFC000  }
0x62: {  	[spmem:s2] =	stream.indirect.scatter.add.f32 [tilespmem:s17], [sflag:$0x3], $0x80, s29, s16, $0xb8;
	[tilespmem:$0x1E400] =	vst v63  }
0x63: {  	_ =	swait.ge [sflag:s14], $0x4000  }
0x64: {  	[sflag:s14] =	ssyncset.done $0x0  }
0x65: {  	s30 =	simm.s32 $0x100;
	[sflag:s14] =	ssyncadd.s32 $0xFFFFC000  }
0x66: {  	[tilespmem:s17], [sflag:$0x1] =	stream.indirect.gather [hbm4b:s4+s16], $0x80, s30, s16, $0xb8;
	[tilespmem:$0x1E400] =	vst v63  }
0x67: {  	_ =	swait.ge [sflag:s20], $0x4000  }
0x68: {  	[sflag:s20] =	ssyncset.done $0x0  }
0x69: {  	s31 =	simm.s32 $0x1480;
	[sflag:s20] =	ssyncadd.s32 $0xFFFFC000  }
0x6a: {  	[spmem:s2] =	stream.indirect.scatter.add.f32 [tilespmem:s18], [sflag:$0x3], $0x80, s31, s16, $0xb8;
	[tilespmem:$0x1E400] =	vst v63  }
0x6b: {  	_ =	swait.ge [sflag:s14], $0x4000  }
0x6c: {  	[sflag:s14] =	ssyncset.done $0x0  }
0x6d: {  	s25 =	simm.s32 $0x180;
	s24 =	simm.s32 $0x400;
	[sflag:s14] =	ssyncadd.s32 $0xFFFFC000  }
.LBB2_4:
0x6e: {  	[tilespmem:s18], [sflag:$0x2] =	stream.indirect.gather [hbm4b:s4+s16], $0x80, s25, s16, $0xb8;
	[tilespmem:$0x1E400] =	vst v63  }
0x6f: {  	s25 =	smov.u32 s24  }
0x70: {  	p0 =	sne.s32 s24, $0x4800;
	s24 =	sadd.s32 $0x400, s24;
	_ =	swait.ge [sflag:s19], $0x4000  }
0x71: {  	s25 =	sshra.s32 s25, $0x2;
	[sflag:s19] =	ssyncset.done $0x0  }
0x72: {  	s26 =	sadd.s32 $0x1400, s25;
	[sflag:s19] =	ssyncadd.s32 $0xFFFFC000  }
0x73: {  	[spmem:s2] =	stream.indirect.scatter.add.f32 [tilespmem:s17], [sflag:$0x3], $0x80, s26, s16, $0xb8;
	[tilespmem:$0x1E400] =	vst v63  }
0x74: {  	_ =	swait.ge [sflag:s14], $0x4000  }
0x75: {  	[sflag:s14] =	ssyncset.done $0x0  }
0x76: {  	s26 =	sadd.s32 $0x100, s25;
	[sflag:s14] =	ssyncadd.s32 $0xFFFFC000  }
0x77: {  	[tilespmem:s17], [sflag:$0x1] =	stream.indirect.gather [hbm4b:s4+s16], $0x80, s26, s16, $0xb8;
	[tilespmem:$0x1E400] =	vst v63  }
0x78: {  	_ =	swait.ge [sflag:s20], $0x4000  }
0x79: {  	[sflag:s20] =	ssyncset.done $0x0  }
.Ltmp1:
0x7a: {  	s26 =	sadd.s32 $0x1480, s25;
	[sflag:s20] =	ssyncadd.s32 $0xFFFFC000;
	(pc) =	sbr.rel @p0 .LBB2_4-.Ltmp1, $4  }
0x7b: {  	[spmem:s2] =	stream.indirect.scatter.add.f32 [tilespmem:s18], [sflag:$0x3], $0x80, s26, s16, $0xb8;
	[tilespmem:$0x1E400] =	vst v63  }
0x7c: {  	_ =	swait.ge [sflag:s14], $0x4000  }
0x7d: {  	[sflag:s14] =	ssyncset.done $0x0  }
0x7e: {  	s25 =	sadd.s32 $0x180, s25;
	[sflag:s14] =	ssyncadd.s32 $0xFFFFC000  }
0x7f: {  	[tilespmem:s18], [sflag:$0x2] =	stream.indirect.gather [hbm4b:s4+s16], $0x80, s25, s16, $0xb8;
	[tilespmem:$0x1E400] =	vst v63  }
0x80: {  	_ =	swait.ge [sflag:s19], $0x4000  }
0x81: {  	[sflag:s19] =	ssyncset.done $0x0  }
0x82: {  	[sflag:s19] =	ssyncadd.s32 $0xFFFFC000  }
0x83: {  	[spmem:s2] =	stream.indirect.scatter.add.f32 [tilespmem:s17], [sflag:$0x3], $0x80, s21, s16, $0xb8;
	[tilespmem:$0x1E400] =	vst v63  }
0x84: {  	_ =	swait.ge [sflag:s14], $0x4000  }
0x85: {  	[sflag:s14] =	ssyncset.done $0x0  }
0x86: {  	[sflag:s14] =	ssyncadd.s32 $0xFFFFC000  }
0x87: {  	_ =	swait.ge [sflag:s20], $0x4000  }
0x88: {  	[sflag:s20] =	ssyncset.done $0x0  }
0x89: {  	[sflag:s20] =	ssyncadd.s32 $0xFFFFC000  }
0x8a: {  	[spmem:s2] =	stream.indirect.scatter.add.f32 [tilespmem:s18], [sflag:$0x3], $0x80, s22, s16, $0xb8;
	[tilespmem:$0x1E400] =	vst v63  }
0x8b: {  	_ =	swait.ge [sflag:s14], $0x4000  }
0x8c: {  	s23 =	sadd.s32 $0x1, s23;
	[sflag:s14] =	ssyncset.done $0x0  }
0x8d: {  	p0 =	sne.s32 s23, s12;
	[sflag:s14] =	ssyncadd.s32 $0xFFFFC000  }
.Ltmp2:
0x8e: {  	[bflag:$0x0] =	sbarrier.arrive $0xFFFF;
	(pc) =	sbr.rel @p0 .LBB2_1-.Ltmp2, $4  }
0x8f: {  	[hbm:s11], [sflag:s6] =	dma.local [spmem:s13], $0x2780  }
0x90: {  	_ =	swait.ge [sflag:s14], $0x2780  }
0x91: {  	[sflag:s14] =	ssyncset.done $0x0  }
0x92: {  	[sflag:s14] =	ssyncadd.s32 $0xFFFFD880  }
0x93: {  	_ =	sfence.sel $0x180000  }
0x94: {  	[bflag:$0x0] =	sbarrier.arrive $0xFFFF  }
0x95: {  	p0 =	sne.s32 s1, $0x0;
	_ =	strace $0x9000004D  }
0x96: {  	s0 =	sadd.s32 @!p0 $0x100000, s0;
	[bflag:$0x2] =	sbarrier.arrive $0xFFFF  }
0x97: {  	[sflag:s0] =	ssyncadd.tile.s32 @!p0 $0x1;
	_ =	shalt  }
.Lfunc_end2:
_tile_overlayer_lowered:
.L_overlay_start_2:
0x98: {  	(tag) =	ssettag $0x2  }
0x99: {  	s0 =	rddreg [dreg:$0x0];
	s2 =	stileid.u32  }
0x9a: {  	s1 =	rddreg [dreg:$0x1];
	p0 =	sne.s32 s2, $0x0  }
0x9b: {  	s3 =	rddreg [dreg:$0x2];
	[bflag:$0x3] =	sbarrier.arrive $0xFFFF;
	s2 =	simm.s32 @!p0 $0x1C03  }
0x9c: {  	[timem:s3], [sflag:s2] =	dma.local @!p0 [hbm:s0], s1  }
0x9d: {  	s0 =	simm.s32 @!p0 $0x3  }
0x9e: {  	_ =	swait.ge @!p0 [sflag:s0], s1  }
0x9f: {  	s1 =	ssub.s32 @!p0 $0x0, s1;
	[sflag:s0] =	ssyncset.done @!p0 $0x0  }
0xa0: {  	[sflag:s0] =	ssyncadd.s32 @!p0 s1  }
0xa1: {  	[bflag:$0x3] =	sbarrier.arrive $0xFFFF  }
0xa2: {  	_ =	shalt  }

// kernel: kernel.22.cloned.1.call-start
scs
__scs_entry_jumppad:
0x0: {  	(pc) =	sbr.rel $0x88, $3  }
0x1: {  	(tag) =	ssettag $0x0;
	lr =	simm.s32 $0x1  }
0x2: {  	[smem:$0x3F93] =	sst lr;
	_ =	strace $0xD0000000  }
0x3: {  	_ = 	snop  }
0x4: {  	_ = 	snop  }
0x5: {  	_ = 	snop  }
0x6: {  	_ = 	snop  }
0x7: {  	_ = 	snop  }
__scs_overlays_trampoline_lowered:
0x8: {  	[smem:$0x3FA2] =	sst s0  }
0x9: {  	[smem:$0x3FA3] =	sst s1  }
0xa: {  	[smem:$0x3FA4] =	sst s2  }
0xb: {  	[smem:$0x3FA5] =	sst s3  }
0xc: {  	[smem:$0x3FA6] =	sst s4  }
0xd: {  	[smem:$0x3FA7] =	sst s5  }
0xe: {  	[smem:$0x3FA8] =	sst s6  }
0xf: {  	[smem:$0x3FA9] =	sst s7  }
0x10: {  	[smem:$0x3FAA] =	sst s8  }
0x11: {  	[smem:$0x3FAB] =	sst s9;
	s0 =	simm.s32 @!p0 $0x0  }
0x12: {  	s1 =	sld [smem:$0x3F91];
	s0 =	simm.s32 @p0 $0x1  }
0x13: {  	[smem:$0x3FAC] =	sst s0;
	s0 =	simm.s32 @!p1 $0x0  }
0x14: {  	s2 =	sld [smem:$0x3F90];
	s0 =	simm.s32 @p1 $0x1  }
0x15: {  	[smem:$0x3FAD] =	sst s0;
	s0 =	simm.s32 @!p2 $0x0  }
0x16: {  	s3 =	sld [smem:$0x3FDB];
	s0 =	simm.s32 @p2 $0x1  }
0x17: {  	s4 =	simm.s32 $0x1BF5;
	[smem:$0x3FAF] =	sst s0  }
0x18: {  	s0 =	sld [smem:$0x3F92];
	_ =	swait.ge [sflag:s4], $0x0  }
0x19: {  	s7 =	sld [smem:$0x3F93]  }
0x1a: {  	s8 =	sadd.s32 $0xFFFFE003, lr  }
0x1b: {  	s9 =	sadd.s32 $0xFFFFFEF7, lr;
	s5 =	simm.s32 $0xFFFFFFFF;
	p2 =	slt.u32 s8, $0xFFFFF086  }
0x1c: {  	p1 =	slt.u32 s9, $0xF7A;
	s5 =	simm.s32 @!p2 $0x0  }
0x1d: {  	s5 =	simm.s32 @p1 $0x1;
	p0 =	seq.s32 s7, s2  }
0x1e: {  	s7 =	smul.u32 @!p0 $0xF7A, s2;
	p2 =	seq.s32 @!p0 s5, $0x0  }
0x1f: {  	s9 =	smul.u32 $0xF7A, s1;
	s8 =	simm.s32 @!p0 $0x1BF5;
	p2 =	por !p2, p0  }
0x20: {  	[sflag:s8] =	ssyncset.s32 @!p0 $0xFFFFF086;
	s6 =	sadd.s32 @!p0 s3, s7;
	s7 =	simm.s32 @!p0 $0x108  }
0x21: {  	s3 =	sadd.s32 s3, s9;
	s6 =	sadd.s32 @!p0 $0x88, s6;
	s7 =	simm.s32 @p2 $0x1082  }
0x22: {  	[simem:s7], [sflag:s8] =	dma.local @!p0 [hbm:s6], $0xF7A  }
0x23: {  	s9 =	sor.u32 $0xD0000000, s2;
	s6 =	simm.s32 $0x108;
	_ =	swait.ge @!p0 [sflag:s8], $0x0  }
0x24: {  	s3 =	sadd.s32 $0x88, s3;
	s6 =	simm.s32 @!p1 $0x1082;
	[sflag:s4] =	ssyncset.s32 $0xFFFFF086  }
0x25: {  	[simem:s6], [sflag:s4] =	dma.local [hbm:s3], $0xF7A  }
0x26: {  	[smem:$0x3F93] =	sst s1;
	(tag) =	ssettag s2;
	_ =	strace s9  }
0x27: {  	s1 =	sld [smem:$0x3FA3]  }
0x28: {  	s2 =	sld [smem:$0x3FA4]  }
0x29: {  	s4 =	sld [smem:$0x3FA6]  }
0x2a: {  	p0 =	seq.s32 s5, $0x0;
	s5 =	sld [smem:$0x3FA7]  }
0x2b: {  	s6 =	sld [smem:$0x3FA8]  }
0x2c: {  	s7 =	sld [smem:$0x3FA9]  }
0x2d: {  	s3 =	simm.s32 $0x108;
	s8 =	sld [smem:$0x3FAA]  }
0x2e: {  	s3 =	simm.s32 @!p0 $0x1082;
	s9 =	sld [smem:$0x3FAB]  }
0x2f: {  	lr =	sadd.s32 s0, s3;
	s0 =	sld [smem:$0x3FA2]  }
0x30: {  	s3 =	sld [smem:$0x3FA5]  }
0x31: {  	[smem:$0x3FAE] =	sst s10  }
0x32: {  	s10 =	sld [smem:$0x3FAC];
	_ =	sdelay $0x3  }
0x33: {  	p0 =	seq.s32 s10, $0x1;
	s10 =	sld [smem:$0x3FAE];
	_ =	sdelay $0x3  }
0x34: {  	[smem:$0x3FAE] =	sst s10  }
0x35: {  	s10 =	sld [smem:$0x3FAD];
	_ =	sdelay $0x3  }
0x36: {  	p1 =	seq.s32 s10, $0x1;
	s10 =	sld [smem:$0x3FAE];
	_ =	sdelay $0x3  }
0x37: {  	[smem:$0x3FAE] =	sst s10  }
0x38: {  	s10 =	sld [smem:$0x3FAF]  }
0x39: {  	_ = 	snop;
	(pc) =	sbr.ind lr, $3  }
0x3a: {  	_ = 	snop  }
0x3b: {  	_ = 	snop  }
0x3c: {  	p2 =	seq.s32 s10, $0x1;
	s10 =	sld [smem:$0x3FAE]  }
0x3d: {  	_ =	shalt  }
0x3e: {  	_ =	shalt  }
0x3f: {  	_ =	shalt  }
0x40: {  	_ =	shalt  }
0x41: {  	_ =	shalt  }
0x42: {  	_ =	shalt  }
0x43: {  	_ =	shalt  }
0x44: {  	_ =	shalt  }
0x45: {  	_ =	shalt  }
0x46: {  	_ =	shalt  }
0x47: {  	_ =	shalt  }
0x48: {  	_ =	shalt  }
0x49: {  	_ =	shalt  }
0x4a: {  	_ =	shalt  }
0x4b: {  	_ =	shalt  }
0x4c: {  	_ =	shalt  }
0x4d: {  	_ =	shalt  }
0x4e: {  	_ =	shalt  }
0x4f: {  	_ =	shalt  }
0x50: {  	_ =	shalt  }
0x51: {  	_ =	shalt  }
0x52: {  	_ =	shalt  }
0x53: {  	_ =	shalt  }
0x54: {  	_ =	shalt  }
0x55: {  	_ =	shalt  }
0x56: {  	_ =	shalt  }
0x57: {  	_ =	shalt  }
0x58: {  	_ =	shalt  }
0x59: {  	_ =	shalt  }
0x5a: {  	_ =	shalt  }
0x5b: {  	_ =	shalt  }
0x5c: {  	_ =	shalt  }
0x5d: {  	_ =	shalt  }
0x5e: {  	_ =	shalt  }
0x5f: {  	_ =	shalt  }
0x60: {  	_ =	shalt  }
0x61: {  	_ =	shalt  }
0x62: {  	_ =	shalt  }
0x63: {  	_ =	shalt  }
0x64: {  	_ =	shalt  }
0x65: {  	_ =	shalt  }
0x66: {  	_ =	shalt  }
0x67: {  	_ =	shalt  }
0x68: {  	_ =	shalt  }
0x69: {  	_ =	shalt  }
0x6a: {  	_ =	shalt  }
0x6b: {  	_ =	shalt  }
0x6c: {  	_ =	shalt  }
0x6d: {  	_ =	shalt  }
0x6e: {  	_ =	shalt  }
0x6f: {  	_ =	shalt  }
0x70: {  	_ =	shalt  }
0x71: {  	_ =	shalt  }
0x72: {  	_ =	shalt  }
0x73: {  	_ =	shalt  }
0x74: {  	_ =	shalt  }
0x75: {  	_ =	shalt  }
0x76: {  	_ =	shalt  }
0x77: {  	_ =	shalt  }
0x78: {  	_ =	shalt  }
0x79: {  	_ =	shalt  }
0x7a: {  	_ =	shalt  }
0x7b: {  	_ =	shalt  }
0x7c: {  	_ =	shalt  }
0x7d: {  	_ =	shalt  }
0x7e: {  	_ =	shalt  }
0x7f: {  	_ =	shalt  }
0x80: {  	_ =	shalt  }
0x81: {  	_ =	shalt  }
0x82: {  	_ =	shalt  }
0x83: {  	_ =	shalt  }
0x84: {  	_ =	shalt  }
0x85: {  	_ =	shalt  }
0x86: {  	_ =	shalt  }
0x87: {  	_ =	shalt  }
.Lfunc_end0:
.L_simem_size_0:
called_computation.3_lowered:
.L_overlay_start_0:
0x88: {  	s2 =	sld [smem:$0x3FD9]  }
0x89: {  	s3 =	sld [smem:$0x3FFE];
	_ =	sdelay $0x1  }
0x8a: {  	s1 =	srdreg.scid  }
0x8b: {  	s0 =	sand.u32 $0x1, s1  }
0x8c: {  	s17 =	sshll.u32 s0, $0xA;
	s2 =	sadd.s32 s3, s2  }
0x8d: {  	s2 =	sadd.s32 s2, s17  }
0x8e: {  	[smem:$0x3FBA] =	sst s2  }
0x8f: {  	_ = 	snop  }
0x90: {  	s2 =	sld [smem:$0x3FD0];
	(tm) =	ssettm $0x1  }
0x91: {  	s18 =	sld [smem:$0x3FFB];
	_ =	sdelay $0x3  }
0x92: {  	_ =	strace s18  }
0x93: {  	s3 =	sld [smem:$0x3FFC];
	_ =	sdelay $0x3  }
0x94: {  	_ =	strace s3  }
0x95: {  	s3 =	sld [smem:$0x3FFD];
	_ =	sdelay $0x3  }
0x96: {  	_ =	strace s3  }
0x97: {  	_ =	strace $0x8FFFFFFF  }
0x98: {  	s19 =	sld [smem:$0x3FDB];
	_ =	sdelay $0x1  }
0x99: {  	s4 =	simm.s32 $_scs_section_size  }
0x9a: {  	s5 =	simm.s32 $_size__tile_overlayer_lowered;
	s6 =	simm.s32 $_tile_overlayer_lowered  }
0x9b: {  	s22 =	simm.s32 $0x1BFF;
	s21 =	sshll.u32 s6, $0x1;
	s3 =	sadd.s32 s4, s19  }
0x9c: {  	s7 =	simm.s32 $0x0;
	s20 =	sshll.u32 s5, $0x1;
	s5 =	sadd.s32 s21, s3  }
0x9d: {  	[timem:s7], [sflag:s22] =	dma.local [hbm:s5], s20  }
0x9e: {  	_ =	swait.ge [sflag:s22], s20  }
0x9f: {  	s4 =	ssub.s32 $0x0, s20;
	[sflag:s22] =	ssyncset.done $0x0  }
0xa0: {  	[sflag:s22] =	ssyncadd.s32 s4;
	_ =	sdelay $0x1  }
0xa1: {  	s23 =	simm.s32 $0x1B8B  }
0xa2: {  	_ =	swait.ge [sflag:s23], $0x1  }
0xa3: {  	[sflag:s23] =	ssyncset.done $0x0  }
0xa4: {  	s25 =	simm.s32 $0x1B8E;
	s24 =	sld [smem:$0x3FFE];
	[sflag:s23] =	ssyncadd.s32 $0xFFFFFFFF  }
0xa5: {  	s26 =	simm.s32 $execute0_lowered;
	[smem:$0x3FD2] =	sst s25  }
0xa6: {  	s5 =	sshll.u32 s26, $0x1;
	_ =	strace $0x8000004F;
	[dreg:$0x1] =	wrdreg $0xFFFFFFFF  }
0xa7: {  	s28 =	simm.s32 $_size_execute0_lowered;
	s3 =	sadd.s32 s3, s5;
	[dreg:$0x0] =	wrdreg $0x0  }
0xa8: {  	s5 =	sshll.u32 s28, $0x1;
	[dreg:$0x2] =	wrdreg s3  }
0xa9: {  	[dreg:$0x3] =	wrdreg s5  }
0xaa: {  	[dreg:$0x4] =	wrdreg $0xC0  }
0xab: {  	_ =	task [dreg:s7], $0x5FFFF  }
0xac: {  	[dreg:$0x1] =	wrdreg $0xFFFFFFFF  }
0xad: {  	[dreg:$0x0] =	wrdreg $0x60  }
0xae: {  	[dreg:$0x2] =	wrdreg s24  }
0xaf: {  	[dreg:$0x3] =	wrdreg s2  }
0xb0: {  	[dreg:$0x4] =	wrdreg $0xA8000  }
0xb1: {  	[dreg:$0x5] =	wrdreg $0x9  }
0xb2: {  	_ =	task.clear_ibuf [dreg:s7], $0x6FFFF;
	_ =	strace $0x9000004F  }
0xb3: {  	s29 =	simm.s32 $0x9;
	_ =	strace $0x80000051  }
0xb4: {  	_ =	swait.ge [sflag:s29], $0x1  }
0xb5: {  	[sflag:s29] =	ssyncadd.s32 $0xFFFFFFFF  }
0xb6: {  	_ =	strace $0x90000051  }
0xb7: {  	_ =	sfence  }
0xb8: {  	s30 =	sld [smem:$0x0];
	_ =	sdelay $0x2  }
0xb9: {  	s31 =	sshll.u32 s1, $0xD;
	s1 =	sshrl.u32 s1, $0x2  }
0xba: {  	s3 =	sand.u32 $0x4000, s31;
	s1 =	sadd.s32 s1, s30  }
0xbb: {  	s0 =	sor.u32 s3, s0;
	s1 =	sshll.u32 s1, $0x11  }
0xbc: {  	s0 =	sor.u32 s1, s0  }
0xbd: {  	s0 =	sadd.s32 $0x8F2B, s0  }
0xbe: {  	[sflag:s0] =	ssyncadd.remote.s32 $0x1  }
0xbf: {  	_ =	sfence.sel $0xFFFF  }
0xc0: {  	[dreg:$0x0] =	wrdreg $0xFFFFFFFF;
	(pc) =	sbr.abs _section_cstart, $3  }
0xc1: {  	[dreg:$0x1] =	wrdreg $0xFFFFFFFF  }
0xc2: {  	_ =	task.clear_ibuf [dreg:s7], $0x2FFFF;
	_ =	strace $0x9FFFFFFF  }
0xc3: {  	(tm) =	ssettm $0x7FFFFFFF  }
tec
execute0_lowered:
.L_overlay_start_1:
0x0: {  	(tag) =	ssettag $0x1  }
0x1: {  	s5 =	rddreg [dreg:$0x0]  }
0x2: {  	s10 =	rddreg [dreg:$0x1]  }
0x3: {  	s2 =	rddreg [dreg:$0x2]  }
0x4: {  	s0 =	rddreg [dreg:$0x3]  }
0x5: {  	s1 =	stileid.u32;
	s4 =	srdreg.scid  }
0x6: {  	s3 =	simm.s32 $0x0;
	s16 =	simm.s32 $0x80;
	s17 =	simm.s32 $0x2800  }
0x7: {  	s18 =	simm.s32 $0x6800;
	s19 =	simm.s32 $0x1;
	s20 =	simm.s32 $0x2  }
0x8: {  	s21 =	simm.s32 $0x2700;
	s6 =	smul.u32 $0x13C00, s1;
	s7 =	sand.u32 $0x1, s4  }
0x9: {  	[smem:$0x7FF] =	sst s3;
	s4 =	sadd.s32 $0x84C00, s5;
	s11 =	sadd.s32 $0x4400, s5  }
0xa: {  	s12 =	sshll.u32 s1, $0x1;
	s13 =	smul.u32 $0x4F000, s1;
	s29 =	sshll.u32 s1, $0x6  }
0xb: {  	s8 =	smul.u32 $0x13C000, s7;
	_ =	strace $0x80000050;
	s25 =	sor.u32 s7, s12  }
0xc: {  	s23 =	ssub.s32 $0x2, s7;
	s9 =	sshrl.u32 s6, $0x3;
	s7 =	smul.u32 $0x2800, s25  }
0xd: {  	s24 =	sshrl.u32 s23, $0x1;
	s28 =	sshrl.u32 s13, $0x2;
	s15 =	smul.u32 $0x500, s25  }
0xe: {  	s6 =	sadd.s32 s6, s8;
	s22 =	sadd.s32 s9, s5;
	s26 =	ssub.s32 s23, s24  }
0xf: {  	s13 =	sadd.s32 s28, s2;
	s23 =	simm.s32 $0x0;
	s6 =	sshrl.u32 s6, $0x3  }
0x10: {  	s30 =	sshrl.u32 s7, $0x3;
	s7 =	sadd.s32 s11, s15;
	s8 =	sadd.s32 s10, s15  }
0x11: {  	s12 =	smax.u32 s26, $0x1;
	s13 =	sshrl.u32 s13, $0x3;
	s15 =	simm.s32 $0x1400  }
0x12: {  	s14 =	sadd.s32 s6, s5;
	s5 =	sadd.s32 $0xE400, s22;
	s31 =	sadd.s32 $0x280, s30  }
0x13: {  	s6 =	sor.u32 $0x1C03, s29;
	s22 =	simm.s32 $0x2780;
	s9 =	sadd.s32 s11, s31  }
0x14: {  	s10 =	sadd.s32 s10, s31;
	s11 =	sadd.s32 $0x121000, s14;
	s14 =	simm.s32 $0x3  }
.LBB2_1:
0x15: {  	[spmem:s13], [sflag:s6] =	dma.local [hbm:s5], $0x2780  }
0x16: {  	_ =	swait.ge [sflag:s14], $0x2780  }
0x17: {  	[sflag:s14] =	ssyncset.done $0x0  }
0x18: {  	[sflag:s14] =	ssyncadd.s32 $0xFFFFD880  }
0x19: {  	[bflag:$0x0] =	sbarrier.arrive $0xFFFF  }
0x1a: {  	[tilespmem:s3], [sflag:$0x3] =	stream.linear.gather [hbm4b:s7+s3], $0x1400, $0x38;
	[tilespmem:$0x1E400] =	vst v63  }
0x1b: {  	_ =	swait.ge [sflag:s14], $0x1400  }
0x1c: {  	[sflag:s14] =	ssyncset.done $0x0  }
0x1d: {  	[sflag:s14] =	ssyncadd.s32 $0xFFFFEC00  }
0x1e: {  	[tilespmem:s15], [sflag:$0x3] =	stream.linear.gather [hbm4b:s8+s3], $0x1400, $0x38;
	[tilespmem:$0x1E400] =	vst v63  }
0x1f: {  	_ =	swait.ge [sflag:s14], $0x1400  }
0x20: {  	[sflag:s14] =	ssyncset.done $0x0  }
0x21: {  	[sflag:s14] =	ssyncadd.s32 $0xFFFFEC00  }
0x22: {  	[tilespmem:s17], [sflag:$0x1] =	stream.indirect.gather [hbm4b:s4+s16], $0x80, s3, s16, $0xb8;
	[tilespmem:$0x1E400] =	vst v63  }
0x23: {  	_ = 	snop  }
0x24: {  	[tilespmem:s18], [sflag:$0x2] =	stream.indirect.gather [hbm4b:s4+s16], $0x80, s16, s16, $0xb8;
	[tilespmem:$0x1E400] =	vst v63  }
0x25: {  	_ =	swait.ge [sflag:s19], $0x4000  }
0x26: {  	[sflag:s19] =	ssyncset.done $0x0  }
0x27: {  	s24 =	simm.s32 $0x1400;
	[sflag:s19] =	ssyncadd.s32 $0xFFFFC000  }
0x28: {  	[spmem:s2] =	stream.indirect.scatter.add.f32 [tilespmem:s17], [sflag:$0x3], $0x80, s24, s16, $0xb8;
	[tilespmem:$0x1E400] =	vst v63  }
0x29: {  	_ =	swait.ge [sflag:s14], $0x4000  }
0x2a: {  	[sflag:s14] =	ssyncset.done $0x0  }
0x2b: {  	s30 =	simm.s32 $0x100;
	[sflag:s14] =	ssyncadd.s32 $0xFFFFC000  }
0x2c: {  	[tilespmem:s17], [sflag:$0x1] =	stream.indirect.gather [hbm4b:s4+s16], $0x80, s30, s16, $0xb8;
	[tilespmem:$0x1E400] =	vst v63  }
0x2d: {  	_ =	swait.ge [sflag:s20], $0x4000  }
0x2e: {  	[sflag:s20] =	ssyncset.done $0x0  }
0x2f: {  	s31 =	simm.s32 $0x1480;
	[sflag:s20] =	ssyncadd.s32 $0xFFFFC000  }
0x30: {  	[spmem:s2] =	stream.indirect.scatter.add.f32 [tilespmem:s18], [sflag:$0x3], $0x80, s31, s16, $0xb8;
	[tilespmem:$0x1E400] =	vst v63  }
0x31: {  	_ =	swait.ge [sflag:s14], $0x4000  }
0x32: {  	[sflag:s14] =	ssyncset.done $0x0  }
0x33: {  	s25 =	simm.s32 $0x180;
	s24 =	simm.s32 $0x400;
	[sflag:s14] =	ssyncadd.s32 $0xFFFFC000  }
.LBB2_2:
0x34: {  	[tilespmem:s18], [sflag:$0x2] =	stream.indirect.gather [hbm4b:s4+s16], $0x80, s25, s16, $0xb8;
	[tilespmem:$0x1E400] =	vst v63  }
0x35: {  	s25 =	smov.u32 s24  }
0x36: {  	p0 =	sne.s32 s24, $0x4800;
	s24 =	sadd.s32 $0x400, s24;
	_ =	swait.ge [sflag:s19], $0x4000  }
0x37: {  	s25 =	sshra.s32 s25, $0x2;
	[sflag:s19] =	ssyncset.done $0x0  }
0x38: {  	s26 =	sadd.s32 $0x1400, s25;
	[sflag:s19] =	ssyncadd.s32 $0xFFFFC000  }
0x39: {  	[spmem:s2] =	stream.indirect.scatter.add.f32 [tilespmem:s17], [sflag:$0x3], $0x80, s26, s16, $0xb8;
	[tilespmem:$0x1E400] =	vst v63  }
0x3a: {  	_ =	swait.ge [sflag:s14], $0x4000  }
0x3b: {  	[sflag:s14] =	ssyncset.done $0x0  }
0x3c: {  	s26 =	sadd.s32 $0x100, s25;
	[sflag:s14] =	ssyncadd.s32 $0xFFFFC000  }
0x3d: {  	[tilespmem:s17], [sflag:$0x1] =	stream.indirect.gather [hbm4b:s4+s16], $0x80, s26, s16, $0xb8;
	[tilespmem:$0x1E400] =	vst v63  }
0x3e: {  	_ =	swait.ge [sflag:s20], $0x4000  }
0x3f: {  	[sflag:s20] =	ssyncset.done $0x0  }
.Ltmp0:
0x40: {  	s26 =	sadd.s32 $0x1480, s25;
	[sflag:s20] =	ssyncadd.s32 $0xFFFFC000;
	(pc) =	sbr.rel @p0 .LBB2_2-.Ltmp0, $4  }
0x41: {  	[spmem:s2] =	stream.indirect.scatter.add.f32 [tilespmem:s18], [sflag:$0x3], $0x80, s26, s16, $0xb8;
	[tilespmem:$0x1E400] =	vst v63  }
0x42: {  	_ =	swait.ge [sflag:s14], $0x4000  }
0x43: {  	[sflag:s14] =	ssyncset.done $0x0  }
0x44: {  	s25 =	sadd.s32 $0x180, s25;
	[sflag:s14] =	ssyncadd.s32 $0xFFFFC000  }
0x45: {  	[tilespmem:s18], [sflag:$0x2] =	stream.indirect.gather [hbm4b:s4+s16], $0x80, s25, s16, $0xb8;
	[tilespmem:$0x1E400] =	vst v63  }
0x46: {  	_ =	swait.ge [sflag:s19], $0x4000  }
0x47: {  	[sflag:s19] =	ssyncset.done $0x0  }
0x48: {  	[sflag:s19] =	ssyncadd.s32 $0xFFFFC000  }
0x49: {  	[spmem:s2] =	stream.indirect.scatter.add.f32 [tilespmem:s17], [sflag:$0x3], $0x80, s21, s16, $0xb8;
	[tilespmem:$0x1E400] =	vst v63  }
0x4a: {  	_ =	swait.ge [sflag:s14], $0x4000  }
0x4b: {  	[sflag:s14] =	ssyncset.done $0x0  }
0x4c: {  	[sflag:s14] =	ssyncadd.s32 $0xFFFFC000  }
0x4d: {  	_ =	swait.ge [sflag:s20], $0x4000  }
0x4e: {  	[sflag:s20] =	ssyncset.done $0x0  }
0x4f: {  	[sflag:s20] =	ssyncadd.s32 $0xFFFFC000  }
0x50: {  	[spmem:s2] =	stream.indirect.scatter.add.f32 [tilespmem:s18], [sflag:$0x3], $0x80, s22, s16, $0xb8;
	[tilespmem:$0x1E400] =	vst v63  }
0x51: {  	_ =	swait.ge [sflag:s14], $0x4000  }
0x52: {  	[sflag:s14] =	ssyncset.done $0x0  }
0x53: {  	s24 =	simm.s32 $0x0;
	[sflag:s14] =	ssyncadd.s32 $0xFFFFC000  }
0x54: {  	[tilespmem:s24], [sflag:$0x3] =	stream.linear.gather [hbm4b:s9+s24], $0x1400, $0x38;
	[tilespmem:$0x1E400] =	vst v63  }
0x55: {  	_ =	swait.ge [sflag:s14], $0x1400  }
0x56: {  	[sflag:s14] =	ssyncset.done $0x0  }
0x57: {  	[sflag:s14] =	ssyncadd.s32 $0xFFFFEC00  }
0x58: {  	[tilespmem:s15], [sflag:$0x3] =	stream.linear.gather [hbm4b:s10+s24], $0x1400, $0x38;
	[tilespmem:$0x1E400] =	vst v63  }
0x59: {  	_ =	swait.ge [sflag:s14], $0x1400  }
0x5a: {  	[sflag:s14] =	ssyncset.done $0x0  }
0x5b: {  	[sflag:s14] =	ssyncadd.s32 $0xFFFFEC00  }
0x5c: {  	[tilespmem:s17], [sflag:$0x1] =	stream.indirect.gather [hbm4b:s4+s16], $0x80, s24, s16, $0xb8;
	[tilespmem:$0x1E400] =	vst v63  }
0x5d: {  	_ = 	snop  }
0x5e: {  	[tilespmem:s18], [sflag:$0x2] =	stream.indirect.gather [hbm4b:s4+s16], $0x80, s16, s16, $0xb8;
	[tilespmem:$0x1E400] =	vst v63  }
0x5f: {  	_ =	swait.ge [sflag:s19], $0x4000  }
0x60: {  	[sflag:s19] =	ssyncset.done $0x0  }
0x61: {  	s29 =	simm.s32 $0x1400;
	[sflag:s19] =	ssyncadd.s32 $0xFFFFC000  }
0x62: {  	[spmem:s2] =	stream.indirect.scatter.add.f32 [tilespmem:s17], [sflag:$0x3], $0x80, s29, s16, $0xb8;
	[tilespmem:$0x1E400] =	vst v63  }
0x63: {  	_ =	swait.ge [sflag:s14], $0x4000  }
0x64: {  	[sflag:s14] =	ssyncset.done $0x0  }
0x65: {  	s30 =	simm.s32 $0x100;
	[sflag:s14] =	ssyncadd.s32 $0xFFFFC000  }
0x66: {  	[tilespmem:s17], [sflag:$0x1] =	stream.indirect.gather [hbm4b:s4+s16], $0x80, s30, s16, $0xb8;
	[tilespmem:$0x1E400] =	vst v63  }
0x67: {  	_ =	swait.ge [sflag:s20], $0x4000  }
0x68: {  	[sflag:s20] =	ssyncset.done $0x0  }
0x69: {  	s31 =	simm.s32 $0x1480;
	[sflag:s20] =	ssyncadd.s32 $0xFFFFC000  }
0x6a: {  	[spmem:s2] =	stream.indirect.scatter.add.f32 [tilespmem:s18], [sflag:$0x3], $0x80, s31, s16, $0xb8;
	[tilespmem:$0x1E400] =	vst v63  }
0x6b: {  	_ =	swait.ge [sflag:s14], $0x4000  }
0x6c: {  	[sflag:s14] =	ssyncset.done $0x0  }
0x6d: {  	s25 =	simm.s32 $0x180;
	s24 =	simm.s32 $0x400;
	[sflag:s14] =	ssyncadd.s32 $0xFFFFC000  }
.LBB2_4:
0x6e: {  	[tilespmem:s18], [sflag:$0x2] =	stream.indirect.gather [hbm4b:s4+s16], $0x80, s25, s16, $0xb8;
	[tilespmem:$0x1E400] =	vst v63  }
0x6f: {  	s25 =	smov.u32 s24  }
0x70: {  	p0 =	sne.s32 s24, $0x4800;
	s24 =	sadd.s32 $0x400, s24;
	_ =	swait.ge [sflag:s19], $0x4000  }
0x71: {  	s25 =	sshra.s32 s25, $0x2;
	[sflag:s19] =	ssyncset.done $0x0  }
0x72: {  	s26 =	sadd.s32 $0x1400, s25;
	[sflag:s19] =	ssyncadd.s32 $0xFFFFC000  }
0x73: {  	[spmem:s2] =	stream.indirect.scatter.add.f32 [tilespmem:s17], [sflag:$0x3], $0x80, s26, s16, $0xb8;
	[tilespmem:$0x1E400] =	vst v63  }
0x74: {  	_ =	swait.ge [sflag:s14], $0x4000  }
0x75: {  	[sflag:s14] =	ssyncset.done $0x0  }
0x76: {  	s26 =	sadd.s32 $0x100, s25;
	[sflag:s14] =	ssyncadd.s32 $0xFFFFC000  }
0x77: {  	[tilespmem:s17], [sflag:$0x1] =	stream.indirect.gather [hbm4b:s4+s16], $0x80, s26, s16, $0xb8;
	[tilespmem:$0x1E400] =	vst v63  }
0x78: {  	_ =	swait.ge [sflag:s20], $0x4000  }
0x79: {  	[sflag:s20] =	ssyncset.done $0x0  }
.Ltmp1:
0x7a: {  	s26 =	sadd.s32 $0x1480, s25;
	[sflag:s20] =	ssyncadd.s32 $0xFFFFC000;
	(pc) =	sbr.rel @p0 .LBB2_4-.Ltmp1, $4  }
0x7b: {  	[spmem:s2] =	stream.indirect.scatter.add.f32 [tilespmem:s18], [sflag:$0x3], $0x80, s26, s16, $0xb8;
	[tilespmem:$0x1E400] =	vst v63  }
0x7c: {  	_ =	swait.ge [sflag:s14], $0x4000  }
0x7d: {  	[sflag:s14] =	ssyncset.done $0x0  }
0x7e: {  	s25 =	sadd.s32 $0x180, s25;
	[sflag:s14] =	ssyncadd.s32 $0xFFFFC000  }
0x7f: {  	[tilespmem:s18], [sflag:$0x2] =	stream.indirect.gather [hbm4b:s4+s16], $0x80, s25, s16, $0xb8;
	[tilespmem:$0x1E400] =	vst v63  }
0x80: {  	_ =	swait.ge [sflag:s19], $0x4000  }
0x81: {  	[sflag:s19] =	ssyncset.done $0x0  }
0x82: {  	[sflag:s19] =	ssyncadd.s32 $0xFFFFC000  }
0x83: {  	[spmem:s2] =	stream.indirect.scatter.add.f32 [tilespmem:s17], [sflag:$0x3], $0x80, s21, s16, $0xb8;
	[tilespmem:$0x1E400] =	vst v63  }
0x84: {  	_ =	swait.ge [sflag:s14], $0x4000  }
0x85: {  	[sflag:s14] =	ssyncset.done $0x0  }
0x86: {  	[sflag:s14] =	ssyncadd.s32 $0xFFFFC000  }
0x87: {  	_ =	swait.ge [sflag:s20], $0x4000  }
0x88: {  	[sflag:s20] =	ssyncset.done $0x0  }
0x89: {  	[sflag:s20] =	ssyncadd.s32 $0xFFFFC000  }
0x8a: {  	[spmem:s2] =	stream.indirect.scatter.add.f32 [tilespmem:s18], [sflag:$0x3], $0x80, s22, s16, $0xb8;
	[tilespmem:$0x1E400] =	vst v63  }
0x8b: {  	_ =	swait.ge [sflag:s14], $0x4000  }
0x8c: {  	s23 =	sadd.s32 $0x1, s23;
	[sflag:s14] =	ssyncset.done $0x0  }
0x8d: {  	p0 =	sne.s32 s23, s12;
	[sflag:s14] =	ssyncadd.s32 $0xFFFFC000  }
.Ltmp2:
0x8e: {  	[bflag:$0x0] =	sbarrier.arrive $0xFFFF;
	(pc) =	sbr.rel @p0 .LBB2_1-.Ltmp2, $4  }
0x8f: {  	[hbm:s11], [sflag:s6] =	dma.local [spmem:s13], $0x2780  }
0x90: {  	_ =	swait.ge [sflag:s14], $0x2780  }
0x91: {  	[sflag:s14] =	ssyncset.done $0x0  }
0x92: {  	[sflag:s14] =	ssyncadd.s32 $0xFFFFD880  }
0x93: {  	_ =	sfence.sel $0x180000  }
0x94: {  	[bflag:$0x0] =	sbarrier.arrive $0xFFFF  }
0x95: {  	p0 =	sne.s32 s1, $0x0;
	_ =	strace $0x90000050  }
0x96: {  	s0 =	sadd.s32 @!p0 $0x100000, s0;
	[bflag:$0x2] =	sbarrier.arrive $0xFFFF  }
0x97: {  	[sflag:s0] =	ssyncadd.tile.s32 @!p0 $0x1;
	_ =	shalt  }
.Lfunc_end2:
_tile_overlayer_lowered:
.L_overlay_start_2:
0x98: {  	(tag) =	ssettag $0x2  }
0x99: {  	s0 =	rddreg [dreg:$0x0];
	s2 =	stileid.u32  }
0x9a: {  	s1 =	rddreg [dreg:$0x1];
	p0 =	sne.s32 s2, $0x0  }
0x9b: {  	s3 =	rddreg [dreg:$0x2];
	[bflag:$0x3] =	sbarrier.arrive $0xFFFF;
	s2 =	simm.s32 @!p0 $0x1C03  }
0x9c: {  	[timem:s3], [sflag:s2] =	dma.local @!p0 [hbm:s0], s1  }
0x9d: {  	s0 =	simm.s32 @!p0 $0x3  }
0x9e: {  	_ =	swait.ge @!p0 [sflag:s0], s1  }
0x9f: {  	s1 =	ssub.s32 @!p0 $0x0, s1;
	[sflag:s0] =	ssyncset.done @!p0 $0x0  }
0xa0: {  	[sflag:s0] =	ssyncadd.s32 @!p0 s1  }
0xa1: {  	[bflag:$0x3] =	sbarrier.arrive $0xFFFF  }
0xa2: {  	_ =	shalt  }

</sc_bundles>
